<compile_context>
chip_gen: v7x
topology: tpu7x:2x2x1
jax: 0.10.2.dev20260603
libtpu: 0.0.44.dev20260713+nightly
codegen_flags: <defaults>
</compile_context>

<pallas_src>
import functools

import jax
import jax.numpy as jnp
from jax import lax
from jax.experimental import pallas as pl
from jax.experimental.pallas import tpu as pltpu
from jax.experimental.pallas import tpu_sc as plsc

N = 10000
E = 320000
H = 128
C = 64
EPS = 1e-5

NC = 2
NS = 16
NW = NC * NS
CHUNK = 80
EPW = 10240
NCH = EPW // CHUNK
GRP = 8
NGRP = NCH // GRP
NBUF = 4
ROWS = 10112
RPT = ROWS // NS
DUMMY = N

_f32 = jnp.float32


def _sc_aggregate(h, srcp, dstp, zeros_h):
  mesh = plsc.VectorSubcoreMesh(core_axis_name="c", subcore_axis_name="s")

  def body(h_hbm, srcp_hbm, dstp_hbm, z_hbm, agg_hbm,
           sidx, didx, b0, b1, b2, b3, agg_s, *sems):
    bufs = (b0, b1, b2, b3)
    gsem = sems[:NBUF]
    ssem = sems[NBUF:]
    c = lax.axis_index("c")
    s = lax.axis_index("s")
    wid = c * NS + s

    pltpu.sync_copy(z_hbm, agg_s.at[pl.ds(s * RPT, RPT)])
    plsc.subcore_barrier()

    def group(gi, carry):
      g0 = pl.multiple_of(gi * GRP, GRP)
      pltpu.sync_copy(srcp_hbm.at[wid, pl.ds(g0, GRP)], sidx)
      pltpu.sync_copy(dstp_hbm.at[wid, pl.ds(g0, GRP)], didx)
      gat = [None] * GRP
      scat = [None] * GRP
      for j in range(GRP):
        b = j % NBUF
        if j >= NBUF:
          scat[j - NBUF].wait()
        gat[j] = pltpu.async_copy(h_hbm.at[sidx.at[j]], bufs[b], gsem[b])
        if j >= 1:
          bp = (j - 1) % NBUF
          gat[j - 1].wait()
          scat[j - 1] = pltpu.async_copy(
              bufs[bp], agg_s.at[didx.at[j - 1]], ssem[bp], add=True)
      gat[GRP - 1].wait()
      bp = (GRP - 1) % NBUF
      scat[GRP - 1] = pltpu.async_copy(
          bufs[bp], agg_s.at[didx.at[GRP - 1]], ssem[bp], add=True)
      for j in range(GRP - NBUF, GRP):
        scat[j].wait()
      return carry

    lax.fori_loop(0, NGRP, group, 0)
    plsc.subcore_barrier()

    pltpu.sync_copy(agg_s.at[pl.ds(s * RPT, RPT)],
                    agg_hbm.at[c, pl.ds(s * RPT, RPT)])

  fn = pl.kernel(
      body,
      out_type=jax.ShapeDtypeStruct((NC, ROWS, H), _f32),
      mesh=mesh,
      scratch_types=(
          pltpu.VMEM((GRP, CHUNK), jnp.int32),
          pltpu.VMEM((GRP, CHUNK), jnp.int32),
          pltpu.VMEM((CHUNK, H), _f32),
          pltpu.VMEM((CHUNK, H), _f32),
          pltpu.VMEM((CHUNK, H), _f32),
          pltpu.VMEM((CHUNK, H), _f32),
          pltpu.VMEM_SHARED((ROWS, H), _f32),
          pltpu.SemaphoreType.DMA,
          pltpu.SemaphoreType.DMA,
          pltpu.SemaphoreType.DMA,
          pltpu.SemaphoreType.DMA,
          pltpu.SemaphoreType.DMA,
          pltpu.SemaphoreType.DMA,
          pltpu.SemaphoreType.DMA,
          pltpu.SemaphoreType.DMA,
      ),
  )
  return fn(h, srcp, dstp, zeros_h)


def _sc_degree(dstp, zeros_h, ones_d):
  mesh = plsc.VectorSubcoreMesh(core_axis_name="c", subcore_axis_name="s")

  def body(dstp_hbm, zd_hbm, od_hbm, deg_hbm, dst_v, ones_v, deg_s):
    c = lax.axis_index("c")
    s = lax.axis_index("s")
    wid = c * NS + s

    pltpu.sync_copy(dstp_hbm.at[wid], dst_v)
    pltpu.sync_copy(od_hbm, ones_v)
    pltpu.sync_copy(zd_hbm, deg_s.at[pl.ds(s * RPT, RPT)])
    plsc.subcore_barrier()

    def step(i, carry):
      pltpu.sync_copy(ones_v, deg_s.at[dst_v.at[i]], add=True)
      return carry

    lax.fori_loop(0, NCH, step, 0)
    plsc.subcore_barrier()
    pltpu.sync_copy(deg_s.at[pl.ds(s * RPT, RPT)],
                    deg_hbm.at[c, pl.ds(s * RPT, RPT)])

  fn = pl.kernel(
      body,
      out_type=jax.ShapeDtypeStruct((NC, ROWS, H), _f32),
      mesh=mesh,
      scratch_types=(
          pltpu.VMEM((NCH, CHUNK), jnp.int32),
          pltpu.VMEM((CHUNK, H), _f32),
          pltpu.VMEM_SHARED((ROWS, H), _f32),
      ),
  )
  return fn(dstp, zeros_h, ones_d)


def _bn_relu(z, g, be):
  m = jnp.mean(z, axis=0, keepdims=True)
  zc = z - m
  v = jnp.mean(zc * zc, axis=0, keepdims=True)
  zn = zc * lax.rsqrt(v + EPS) * g + be
  return jnp.maximum(zn, 0.0)


def _tc_input(x, wt, b, g, be):
  def body(x_ref, wt_ref, b_ref, g_ref, be_ref, o_ref):
    z = jnp.dot(x_ref[...], wt_ref[...], preferred_element_type=_f32)
    o_ref[...] = _bn_relu(z + b_ref[...], g_ref[...], be_ref[...])

  return pl.pallas_call(
      body, out_shape=jax.ShapeDtypeStruct((N, H), _f32))(
          x, wt, b.reshape(1, H), g.reshape(1, H), be.reshape(1, H))


def _tc_layer(h, agg, deg, wlt, bl, wrt, g, be, wot=None, bo=None):
  final = wot is not None

  def body(*refs):
    if final:
      (h_ref, agg_ref, deg_ref, wlt_ref, bl_ref, wrt_ref, g_ref, be_ref,
       wot_ref, bo_ref, o_ref) = refs
    else:
      (h_ref, agg_ref, deg_ref, wlt_ref, bl_ref, wrt_ref, g_ref, be_ref,
       o_ref) = refs
    hv = h_ref[...]
    a = agg_ref[...]
    asum = a[0, :N, :] + a[1, :N, :]
    d = deg_ref[...]
    dsum = d[0, :N, 0:1] + d[1, :N, 0:1]
    scale = 1.0 / jnp.maximum(dsum, 1.0)
    t = (jnp.dot(asum * scale, wlt_ref[...], preferred_element_type=_f32)
         + bl_ref[...]
         + jnp.dot(hv, wrt_ref[...], preferred_element_type=_f32))
    hn = hv + _bn_relu(t, g_ref[...], be_ref[...])
    if final:
      o_ref[...] = (jnp.dot(hn, wot_ref[...], preferred_element_type=_f32)
                    + bo_ref[...])
    else:
      o_ref[...] = hn

  args = [h, agg, deg, wlt, bl.reshape(1, H), wrt, g.reshape(1, H),
          be.reshape(1, H)]
  if final:
    args += [wot, bo.reshape(1, C)]
    out = jax.ShapeDtypeStruct((N, C), _f32)
  else:
    out = jax.ShapeDtypeStruct((N, H), _f32)
  return pl.pallas_call(body, out_shape=out)(*args)


def kernel(x, edge_index, W_in, b_in, g_in, be_in,
           Wl0, bl0, Wr0, g0, be0,
           Wl1, bl1, Wr1, g1, be1,
           Wl2, bl2, Wr2, g2, be2,
           W_out, b_out):
  src = edge_index[0]
  dst = edge_index[1]
  pad = NW * EPW - E
  srcp = jnp.concatenate([src, jnp.zeros((pad,), jnp.int32)]
                         ).reshape(NW, NCH, CHUNK)
  pad_dst = DUMMY + jnp.arange(pad, dtype=jnp.int32) % (ROWS - N)
  dstp = jnp.concatenate([dst, pad_dst]).reshape(NW, NCH, CHUNK)
  zeros_h = jnp.zeros((RPT, H), _f32)
  ones_d = jnp.ones((CHUNK, H), _f32)

  h = _tc_input(x, W_in.T, b_in, g_in, be_in)
  deg = _sc_degree(dstp, zeros_h, ones_d)[:, :, :16]

  agg0 = _sc_aggregate(h, srcp, dstp, zeros_h)
  h = _tc_layer(h, agg0, deg, Wl0.T, bl0, Wr0.T, g0, be0)

  agg1 = _sc_aggregate(h, srcp, dstp, zeros_h)
  h = _tc_layer(h, agg1, deg, Wl1.T, bl1, Wr1.T, g1, be1)

  agg2 = _sc_aggregate(h, srcp, dstp, zeros_h)
  return _tc_layer(h, agg2, deg, Wl2.T, bl2, Wr2.T, g2, be2,
                   wot=W_out.T, bo=b_out)

# --- scband reference (transcript-rebuilt; emitter-appended) ---
"""Pipeline reference for scband-residual-sagenet-41506563948594 (READ-ONLY COPY).

The authoritative reference and input builder live on the scoring server;
editing this copy changes nothing except your own understanding.
"""

import jax, jax.numpy as jnp
import numpy as np

N = 10000
E = 320000
H = 128
C = 64
EPS = 1e-5


def _bn(x, g, b):
    m = jnp.mean(x, axis=0)
    v = jnp.var(x, axis=0)
    return (x - m) / jnp.sqrt(v + EPS) * g + b


def _sage(x, src, dst, Wl, bl, Wr):
    msgs = x[src]
    agg = jax.ops.segment_sum(msgs, dst, num_segments=N)
    deg = jax.ops.segment_sum(jnp.ones((E,), x.dtype), dst, num_segments=N)
    agg = agg / jnp.clip(deg, 1.0, None)[:, None]
    return agg @ Wl.T + bl + x @ Wr.T


def setup_inputs(seed: int = 0):
    key = jax.random.key(seed)
    ks = jax.random.split(key, 40)
    s = 1.0 / np.sqrt(H)

    def lin(k, out_d, in_d):
        return jax.random.uniform(k, (out_d, in_d), minval=-s, maxval=s, dtype=jnp.float32)

    inp = {}
    inp["x"] = jax.random.normal(ks[0], (N, H), dtype=jnp.float32)
    inp["edge_index"] = jax.random.randint(ks[1], (2, E), 0, N, dtype=jnp.int32)
    inp["W_in"] = lin(ks[2], H, H)
    inp["b_in"] = jnp.zeros((H,), jnp.float32)
    inp["g_in"] = jnp.ones((H,), jnp.float32)
    inp["be_in"] = jnp.zeros((H,), jnp.float32)
    ki = 3
    for i in range(3):
        inp[f"Wl{i}"] = lin(ks[ki], H, H); ki += 1
        inp[f"bl{i}"] = jnp.zeros((H,), jnp.float32)
        inp[f"Wr{i}"] = lin(ks[ki], H, H); ki += 1
        inp[f"g{i}"] = jnp.ones((H,), jnp.float32)
        inp[f"be{i}"] = jnp.zeros((H,), jnp.float32)
    inp["W_out"] = lin(ks[ki], C, H)
    inp["b_out"] = jnp.zeros((C,), jnp.float32)
    return inp


def reference(x, edge_index, W_in, b_in, g_in, be_in,
              Wl0, bl0, Wr0, g0, be0,
              Wl1, bl1, Wr1, g1, be1,
              Wl2, bl2, Wr2, g2, be2,
              W_out, b_out):
    src = edge_index[0]
    dst = edge_index[1]
    h = x @ W_in.T + b_in
    h = _bn(h, g_in, be_in)
    h = jax.nn.relu(h)
    # dropout is identity in eval mode
    layers = ((Wl0, bl0, Wr0, g0, be0),
              (Wl1, bl1, Wr1, g1, be1),
              (Wl2, bl2, Wr2, g2, be2))
    for (Wl, bl, Wr, g, b) in layers:
        t = _sage(h, src, dst, Wl, bl, Wr)
        t = _bn(t, g, b)
        t = jax.nn.relu(t)
        h = h + t
    return h @ W_out.T + b_out

if __name__ == "__main__":
    import jax
    _d = setup_inputs()
    print(jax.jit(kernel)(*tuple(_d.values())))

</pallas_src>

<mosaic_0001>
#map = affine_map<(d0, d1) -> (0, 0)>
#map1 = affine_map<(d0, d1) -> (0, 0, 0)>
module attributes {stable_mosaic.version = 14 : i64} {
  func.func @body(%arg0: i32, %arg1: i32, %arg2: memref<10000x128xf32, #tpu.memory_space<hbm>>, %arg3: memref<32x128x80xi32, #tpu.memory_space<hbm>>, %arg4: memref<32x128x80xi32, #tpu.memory_space<hbm>>, %arg5: memref<632x128xf32, #tpu.memory_space<hbm>>, %arg6: memref<2x10112x128xf32, #tpu.memory_space<hbm>>, %arg7: memref<8x80xi32, #tpu.memory_space<vmem>>, %arg8: memref<8x80xi32, #tpu.memory_space<vmem>>, %arg9: memref<80x128xf32, #tpu.memory_space<vmem>>, %arg10: memref<80x128xf32, #tpu.memory_space<vmem>>, %arg11: memref<80x128xf32, #tpu.memory_space<vmem>>, %arg12: memref<80x128xf32, #tpu.memory_space<vmem>>, %arg13: memref<10112x128xf32, #tpu.memory_space<vmem_shared>>, %arg14: memref<!tpu.dma_semaphore, #tpu.memory_space<semaphore_mem>>, %arg15: memref<!tpu.dma_semaphore, #tpu.memory_space<semaphore_mem>>, %arg16: memref<!tpu.dma_semaphore, #tpu.memory_space<semaphore_mem>>, %arg17: memref<!tpu.dma_semaphore, #tpu.memory_space<semaphore_mem>>, %arg18: memref<!tpu.dma_semaphore, #tpu.memory_space<semaphore_mem>>, %arg19: memref<!tpu.dma_semaphore, #tpu.memory_space<semaphore_mem>>, %arg20: memref<!tpu.dma_semaphore, #tpu.memory_space<semaphore_mem>>, %arg21: memref<!tpu.dma_semaphore, #tpu.memory_space<semaphore_mem>>) attributes {dimension_semantics = [#tpu.dimension_semantics<core_parallel>, #tpu.dimension_semantics<subcore_parallel>], iteration_bounds = array<i64: 2, 16>, scalar_prefetch = 0 : i64, scratch_operands = 15 : i64, tpu.core_type = #tpu.core_type<sc_vector_subcore>, window_params = [{transform_indices = #map}, {transform_indices = #map1}, {transform_indices = #map1}, {transform_indices = #map}, {transform_indices = #map1}]} {
    %mul3A = arith.constant 16 : i32
    %mul3A_0 = arith.muli %arg0, %mul3A : i32
    %add3A = arith.addi %mul3A_0, %arg1 : i32
    %mul3A_1 = arith.constant 632 : i32
    %mul3A_2 = arith.muli %arg1, %mul3A_1 : i32
    "tpu.region"() ({
      %run_scoped3A = tpu.sem_alloc : memref<!tpu.dma_semaphore, #tpu.memory_space<semaphore_mem>>
      %dma_start3A = arith.constant 0 : i32
      %dma_start3A_13 = tpu.memref_slice %arg13[%mul3A_2, %dma_start3A] : memref<10112x128xf32, #tpu.memory_space<vmem_shared>> -> memref<632x128xf32, #tpu.memory_space<vmem_shared>>
      tpu.enqueue_dma source(%arg5 : memref<632x128xf32, #tpu.memory_space<hbm>>) target(%dma_start3A_13 : memref<632x128xf32, #tpu.memory_space<vmem_shared>>) target_semaphore(%run_scoped3A : memref<!tpu.dma_semaphore, #tpu.memory_space<semaphore_mem>>)
      %dma_wait3A = arith.constant 0 : i32
      %dma_wait3A_14 = tpu.memref_slice %arg13[%mul3A_2, %dma_wait3A] : memref<10112x128xf32, #tpu.memory_space<vmem_shared>> -> memref<632x128xf32, #tpu.memory_space<vmem_shared>>
      tpu.wait_dma2 semaphore(%run_scoped3A : memref<!tpu.dma_semaphore, #tpu.memory_space<semaphore_mem>>) src(%arg5 : memref<632x128xf32, #tpu.memory_space<hbm>>) dst(%dma_wait3A_14 : memref<632x128xf32, #tpu.memory_space<vmem_shared>>)
      tpu.yield
    }) : () -> ()
    %barrier3A = arith.constant 0 : index
    tpu.barrier barrier_id(%barrier3A)
    %scan3A = arith.constant 0 : i32
    %scan3A_3 = arith.constant 0 : i32
    %scan3A_4 = arith.constant 16 : i32
    %scan3A_5 = arith.addi %scan3A_3, %scan3A_4 : i32
    %scan3A_6 = arith.constant 1 : i32
    scf.for %scan3A_13 = %scan3A_3 to %scan3A_5 step %scan3A_6  : i32 {
      %mul3A_14 = arith.constant 8 : i32
      %mul3A_15 = arith.muli %scan3A_13, %mul3A_14 : i32
      %multiple_of3A = tpu.assume_multiple %mul3A_15, 8 : i32
      "tpu.region"() ({
        %run_scoped3A = tpu.sem_alloc : memref<!tpu.dma_semaphore, #tpu.memory_space<semaphore_mem>>
        %dma_start3A_238 = arith.constant 0 : i32
        %dma_start3A_239 = tpu.memref_slice %arg3[%add3A, %multiple_of3A, %dma_start3A_238] : memref<32x128x80xi32, #tpu.memory_space<hbm>> -> memref<1x8x80xi32, #tpu.memory_space<hbm>>
        %dma_start3A_240 = tpu.memref_squeeze %dma_start3A_239 : memref<1x8x80xi32, #tpu.memory_space<hbm>> -> memref<8x80xi32, #tpu.memory_space<hbm>>
        %dma_start3A_241 = arith.constant 0 : i32
        %dma_start3A_242 = tpu.memref_slice %arg3[%add3A, %multiple_of3A, %dma_start3A_241] : memref<32x128x80xi32, #tpu.memory_space<hbm>> -> memref<1x8x80xi32, #tpu.memory_space<hbm>>
        %dma_start3A_243 = tpu.memref_squeeze %dma_start3A_242 : memref<1x8x80xi32, #tpu.memory_space<hbm>> -> memref<8x80xi32, #tpu.memory_space<hbm>>
        tpu.enqueue_dma source(%dma_start3A_243 : memref<8x80xi32, #tpu.memory_space<hbm>>) target(%arg7 : memref<8x80xi32, #tpu.memory_space<vmem>>) target_semaphore(%run_scoped3A : memref<!tpu.dma_semaphore, #tpu.memory_space<semaphore_mem>>)
        %dma_wait3A_244 = arith.constant 0 : i32
        %dma_wait3A_245 = tpu.memref_slice %arg3[%add3A, %multiple_of3A, %dma_wait3A_244] : memref<32x128x80xi32, #tpu.memory_space<hbm>> -> memref<1x8x80xi32, #tpu.memory_space<hbm>>
        %dma_wait3A_246 = tpu.memref_squeeze %dma_wait3A_245 : memref<1x8x80xi32, #tpu.memory_space<hbm>> -> memref<8x80xi32, #tpu.memory_space<hbm>>
        %dma_wait3A_247 = arith.constant 0 : i32
        %dma_wait3A_248 = tpu.memref_slice %arg3[%add3A, %multiple_of3A, %dma_wait3A_247] : memref<32x128x80xi32, #tpu.memory_space<hbm>> -> memref<1x8x80xi32, #tpu.memory_space<hbm>>
        %dma_wait3A_249 = tpu.memref_squeeze %dma_wait3A_248 : memref<1x8x80xi32, #tpu.memory_space<hbm>> -> memref<8x80xi32, #tpu.memory_space<hbm>>
        tpu.wait_dma2 semaphore(%run_scoped3A : memref<!tpu.dma_semaphore, #tpu.memory_space<semaphore_mem>>) src(%dma_wait3A_249 : memref<8x80xi32, #tpu.memory_space<hbm>>) dst(%arg7 : memref<8x80xi32, #tpu.memory_space<vmem>>)
        tpu.yield
      }) : () -> ()
      "tpu.region"() ({
        %run_scoped3A = tpu.sem_alloc : memref<!tpu.dma_semaphore, #tpu.memory_space<semaphore_mem>>
        %dma_start3A_238 = arith.constant 0 : i32
        %dma_start3A_239 = tpu.memref_slice %arg4[%add3A, %multiple_of3A, %dma_start3A_238] : memref<32x128x80xi32, #tpu.memory_space<hbm>> -> memref<1x8x80xi32, #tpu.memory_space<hbm>>
        %dma_start3A_240 = tpu.memref_squeeze %dma_start3A_239 : memref<1x8x80xi32, #tpu.memory_space<hbm>> -> memref<8x80xi32, #tpu.memory_space<hbm>>
        %dma_start3A_241 = arith.constant 0 : i32
        %dma_start3A_242 = tpu.memref_slice %arg4[%add3A, %multiple_of3A, %dma_start3A_241] : memref<32x128x80xi32, #tpu.memory_space<hbm>> -> memref<1x8x80xi32, #tpu.memory_space<hbm>>
        %dma_start3A_243 = tpu.memref_squeeze %dma_start3A_242 : memref<1x8x80xi32, #tpu.memory_space<hbm>> -> memref<8x80xi32, #tpu.memory_space<hbm>>
        tpu.enqueue_dma source(%dma_start3A_243 : memref<8x80xi32, #tpu.memory_space<hbm>>) target(%arg8 : memref<8x80xi32, #tpu.memory_space<vmem>>) target_semaphore(%run_scoped3A : memref<!tpu.dma_semaphore, #tpu.memory_space<semaphore_mem>>)
        %dma_wait3A_244 = arith.constant 0 : i32
        %dma_wait3A_245 = tpu.memref_slice %arg4[%add3A, %multiple_of3A, %dma_wait3A_244] : memref<32x128x80xi32, #tpu.memory_space<hbm>> -> memref<1x8x80xi32, #tpu.memory_space<hbm>>
        %dma_wait3A_246 = tpu.memref_squeeze %dma_wait3A_245 : memref<1x8x80xi32, #tpu.memory_space<hbm>> -> memref<8x80xi32, #tpu.memory_space<hbm>>
        %dma_wait3A_247 = arith.constant 0 : i32
        %dma_wait3A_248 = tpu.memref_slice %arg4[%add3A, %multiple_of3A, %dma_wait3A_247] : memref<32x128x80xi32, #tpu.memory_space<hbm>> -> memref<1x8x80xi32, #tpu.memory_space<hbm>>
        %dma_wait3A_249 = tpu.memref_squeeze %dma_wait3A_248 : memref<1x8x80xi32, #tpu.memory_space<hbm>> -> memref<8x80xi32, #tpu.memory_space<hbm>>
        tpu.wait_dma2 semaphore(%run_scoped3A : memref<!tpu.dma_semaphore, #tpu.memory_space<semaphore_mem>>) src(%dma_wait3A_249 : memref<8x80xi32, #tpu.memory_space<hbm>>) dst(%arg8 : memref<8x80xi32, #tpu.memory_space<vmem>>)
        tpu.yield
      }) : () -> ()
      %dma_start3A = arith.constant 0 : i32
      %dma_start3A_16 = arith.constant 0 : i32
      %dma_start3A_17 = tpu.memref_slice %arg7[%dma_start3A, %dma_start3A_16] : memref<8x80xi32, #tpu.memory_space<vmem>> -> memref<1x80xi32, #tpu.memory_space<vmem>>
      %dma_start3A_18 = tpu.memref_squeeze %dma_start3A_17 : memref<1x80xi32, #tpu.memory_space<vmem>> -> memref<80xi32, #tpu.memory_space<vmem>>
      %dma_start3A_19 = arith.constant 0 : i32
      %dma_start3A_20 = arith.constant 0 : i32
      %dma_start3A_21 = tpu.memref_slice %arg2[%dma_start3A_19, %dma_start3A_20] : memref<10000x128xf32, #tpu.memory_space<hbm>> -> memref<10000x128xf32, #tpu.memory_space<hbm>>
      tpu.enqueue_indirect_dma source(%dma_start3A_21 : memref<10000x128xf32, #tpu.memory_space<hbm>>) target(%arg9 : memref<80x128xf32, #tpu.memory_space<vmem>>) offsets(%dma_start3A_18 : memref<80xi32, #tpu.memory_space<vmem>>) semaphore(%arg14 : memref<!tpu.dma_semaphore, #tpu.memory_space<semaphore_mem>>)
      %dma_start3A_22 = arith.constant 1 : i32
      %dma_start3A_23 = arith.constant 0 : i32
      %dma_start3A_24 = tpu.memref_slice %arg7[%dma_start3A_22, %dma_start3A_23] : memref<8x80xi32, #tpu.memory_space<vmem>> -> memref<1x80xi32, #tpu.memory_space<vmem>>
      %dma_start3A_25 = tpu.memref_squeeze %dma_start3A_24 : memref<1x80xi32, #tpu.memory_space<vmem>> -> memref<80xi32, #tpu.memory_space<vmem>>
      %dma_start3A_26 = arith.constant 0 : i32
      %dma_start3A_27 = arith.constant 0 : i32
      %dma_start3A_28 = tpu.memref_slice %arg2[%dma_start3A_26, %dma_start3A_27] : memref<10000x128xf32, #tpu.memory_space<hbm>> -> memref<10000x128xf32, #tpu.memory_space<hbm>>
      tpu.enqueue_indirect_dma source(%dma_start3A_28 : memref<10000x128xf32, #tpu.memory_space<hbm>>) target(%arg10 : memref<80x128xf32, #tpu.memory_space<vmem>>) offsets(%dma_start3A_25 : memref<80xi32, #tpu.memory_space<vmem>>) semaphore(%arg15 : memref<!tpu.dma_semaphore, #tpu.memory_space<semaphore_mem>>)
      %dma_wait3A = arith.constant 0 : i32
      %dma_wait3A_29 = arith.constant 0 : i32
      %dma_wait3A_30 = tpu.memref_slice %arg7[%dma_wait3A, %dma_wait3A_29] : memref<8x80xi32, #tpu.memory_space<vmem>> -> memref<1x80xi32, #tpu.memory_space<vmem>>
      %dma_wait3A_31 = tpu.memref_squeeze %dma_wait3A_30 : memref<1x80xi32, #tpu.memory_space<vmem>> -> memref<80xi32, #tpu.memory_space<vmem>>
      %dma_wait3A_32 = arith.constant 0 : i32
      %dma_wait3A_33 = arith.constant 0 : i32
      %dma_wait3A_34 = tpu.memref_slice %arg2[%dma_wait3A_32, %dma_wait3A_33] : memref<10000x128xf32, #tpu.memory_space<hbm>> -> memref<10000x128xf32, #tpu.memory_space<hbm>>
      tpu.wait_indirect_dma semaphore(%arg14 : memref<!tpu.dma_semaphore, #tpu.memory_space<semaphore_mem>>) src(%dma_wait3A_34 : memref<10000x128xf32, #tpu.memory_space<hbm>>) dst(%arg9 : memref<80x128xf32, #tpu.memory_space<vmem>>)
      %dma_start3A_35 = arith.constant 0 : i32
      %dma_start3A_36 = arith.constant 0 : i32
      %dma_start3A_37 = tpu.memref_slice %arg8[%dma_start3A_35, %dma_start3A_36] : memref<8x80xi32, #tpu.memory_space<vmem>> -> memref<1x80xi32, #tpu.memory_space<vmem>>
      %dma_start3A_38 = tpu.memref_squeeze %dma_start3A_37 : memref<1x80xi32, #tpu.memory_space<vmem>> -> memref<80xi32, #tpu.memory_space<vmem>>
      %dma_start3A_39 = arith.constant 0 : i32
      %dma_start3A_40 = arith.constant 0 : i32
      %dma_start3A_41 = tpu.memref_slice %arg13[%dma_start3A_39, %dma_start3A_40] : memref<10112x128xf32, #tpu.memory_space<vmem_shared>> -> memref<10112x128xf32, #tpu.memory_space<vmem_shared>>
      tpu.enqueue_indirect_dma source(%arg9 : memref<80x128xf32, #tpu.memory_space<vmem>>) target(%dma_start3A_41 : memref<10112x128xf32, #tpu.memory_space<vmem_shared>>) offsets(%dma_start3A_38 : memref<80xi32, #tpu.memory_space<vmem>>) semaphore(%arg18 : memref<!tpu.dma_semaphore, #tpu.memory_space<semaphore_mem>>) {add = true}
      %dma_start3A_42 = arith.constant 2 : i32
      %dma_start3A_43 = arith.constant 0 : i32
      %dma_start3A_44 = tpu.memref_slice %arg7[%dma_start3A_42, %dma_start3A_43] : memref<8x80xi32, #tpu.memory_space<vmem>> -> memref<1x80xi32, #tpu.memory_space<vmem>>
      %dma_start3A_45 = tpu.memref_squeeze %dma_start3A_44 : memref<1x80xi32, #tpu.memory_space<vmem>> -> memref<80xi32, #tpu.memory_space<vmem>>
      %dma_start3A_46 = arith.constant 0 : i32
      %dma_start3A_47 = arith.constant 0 : i32
      %dma_start3A_48 = tpu.memref_slice %arg2[%dma_start3A_46, %dma_start3A_47] : memref<10000x128xf32, #tpu.memory_space<hbm>> -> memref<10000x128xf32, #tpu.memory_space<hbm>>
      tpu.enqueue_indirect_dma source(%dma_start3A_48 : memref<10000x128xf32, #tpu.memory_space<hbm>>) target(%arg11 : memref<80x128xf32, #tpu.memory_space<vmem>>) offsets(%dma_start3A_45 : memref<80xi32, #tpu.memory_space<vmem>>) semaphore(%arg16 : memref<!tpu.dma_semaphore, #tpu.memory_space<semaphore_mem>>)
      %dma_wait3A_49 = arith.constant 1 : i32
      %dma_wait3A_50 = arith.constant 0 : i32
      %dma_wait3A_51 = tpu.memref_slice %arg7[%dma_wait3A_49, %dma_wait3A_50] : memref<8x80xi32, #tpu.memory_space<vmem>> -> memref<1x80xi32, #tpu.memory_space<vmem>>
      %dma_wait3A_52 = tpu.memref_squeeze %dma_wait3A_51 : memref<1x80xi32, #tpu.memory_space<vmem>> -> memref<80xi32, #tpu.memory_space<vmem>>
      %dma_wait3A_53 = arith.constant 0 : i32
      %dma_wait3A_54 = arith.constant 0 : i32
      %dma_wait3A_55 = tpu.memref_slice %arg2[%dma_wait3A_53, %dma_wait3A_54] : memref<10000x128xf32, #tpu.memory_space<hbm>> -> memref<10000x128xf32, #tpu.memory_space<hbm>>
      tpu.wait_indirect_dma semaphore(%arg15 : memref<!tpu.dma_semaphore, #tpu.memory_space<semaphore_mem>>) src(%dma_wait3A_55 : memref<10000x128xf32, #tpu.memory_space<hbm>>) dst(%arg10 : memref<80x128xf32, #tpu.memory_space<vmem>>)
      %dma_start3A_56 = arith.constant 1 : i32
      %dma_start3A_57 = arith.constant 0 : i32
      %dma_start3A_58 = tpu.memref_slice %arg8[%dma_start3A_56, %dma_start3A_57] : memref<8x80xi32, #tpu.memory_space<vmem>> -> memref<1x80xi32, #tpu.memory_space<vmem>>
      %dma_start3A_59 = tpu.memref_squeeze %dma_start3A_58 : memref<1x80xi32, #tpu.memory_space<vmem>> -> memref<80xi32, #tpu.memory_space<vmem>>
      %dma_start3A_60 = arith.constant 0 : i32
      %dma_start3A_61 = arith.constant 0 : i32
      %dma_start3A_62 = tpu.memref_slice %arg13[%dma_start3A_60, %dma_start3A_61] : memref<10112x128xf32, #tpu.memory_space<vmem_shared>> -> memref<10112x128xf32, #tpu.memory_space<vmem_shared>>
      tpu.enqueue_indirect_dma source(%arg10 : memref<80x128xf32, #tpu.memory_space<vmem>>) target(%dma_start3A_62 : memref<10112x128xf32, #tpu.memory_space<vmem_shared>>) offsets(%dma_start3A_59 : memref<80xi32, #tpu.memory_space<vmem>>) semaphore(%arg19 : memref<!tpu.dma_semaphore, #tpu.memory_space<semaphore_mem>>) {add = true}
      %dma_start3A_63 = arith.constant 3 : i32
      %dma_start3A_64 = arith.constant 0 : i32
      %dma_start3A_65 = tpu.memref_slice %arg7[%dma_start3A_63, %dma_start3A_64] : memref<8x80xi32, #tpu.memory_space<vmem>> -> memref<1x80xi32, #tpu.memory_space<vmem>>
      %dma_start3A_66 = tpu.memref_squeeze %dma_start3A_65 : memref<1x80xi32, #tpu.memory_space<vmem>> -> memref<80xi32, #tpu.memory_space<vmem>>
      %dma_start3A_67 = arith.constant 0 : i32
      %dma_start3A_68 = arith.constant 0 : i32
      %dma_start3A_69 = tpu.memref_slice %arg2[%dma_start3A_67, %dma_start3A_68] : memref<10000x128xf32, #tpu.memory_space<hbm>> -> memref<10000x128xf32, #tpu.memory_space<hbm>>
      tpu.enqueue_indirect_dma source(%dma_start3A_69 : memref<10000x128xf32, #tpu.memory_space<hbm>>) target(%arg12 : memref<80x128xf32, #tpu.memory_space<vmem>>) offsets(%dma_start3A_66 : memref<80xi32, #tpu.memory_space<vmem>>) semaphore(%arg17 : memref<!tpu.dma_semaphore, #tpu.memory_space<semaphore_mem>>)
      %dma_wait3A_70 = arith.constant 2 : i32
      %dma_wait3A_71 = arith.constant 0 : i32
      %dma_wait3A_72 = tpu.memref_slice %arg7[%dma_wait3A_70, %dma_wait3A_71] : memref<8x80xi32, #tpu.memory_space<vmem>> -> memref<1x80xi32, #tpu.memory_space<vmem>>
      %dma_wait3A_73 = tpu.memref_squeeze %dma_wait3A_72 : memref<1x80xi32, #tpu.memory_space<vmem>> -> memref<80xi32, #tpu.memory_space<vmem>>
      %dma_wait3A_74 = arith.constant 0 : i32
      %dma_wait3A_75 = arith.constant 0 : i32
      %dma_wait3A_76 = tpu.memref_slice %arg2[%dma_wait3A_74, %dma_wait3A_75] : memref<10000x128xf32, #tpu.memory_space<hbm>> -> memref<10000x128xf32, #tpu.memory_space<hbm>>
      tpu.wait_indirect_dma semaphore(%arg16 : memref<!tpu.dma_semaphore, #tpu.memory_space<semaphore_mem>>) src(%dma_wait3A_76 : memref<10000x128xf32, #tpu.memory_space<hbm>>) dst(%arg11 : memref<80x128xf32, #tpu.memory_space<vmem>>)
      %dma_start3A_77 = arith.constant 2 : i32
      %dma_start3A_78 = arith.constant 0 : i32
      %dma_start3A_79 = tpu.memref_slice %arg8[%dma_start3A_77, %dma_start3A_78] : memref<8x80xi32, #tpu.memory_space<vmem>> -> memref<1x80xi32, #tpu.memory_space<vmem>>
      %dma_start3A_80 = tpu.memref_squeeze %dma_start3A_79 : memref<1x80xi32, #tpu.memory_space<vmem>> -> memref<80xi32, #tpu.memory_space<vmem>>
      %dma_start3A_81 = arith.constant 0 : i32
      %dma_start3A_82 = arith.constant 0 : i32
      %dma_start3A_83 = tpu.memref_slice %arg13[%dma_start3A_81, %dma_start3A_82] : memref<10112x128xf32, #tpu.memory_space<vmem_shared>> -> memref<10112x128xf32, #tpu.memory_space<vmem_shared>>
      tpu.enqueue_indirect_dma source(%arg11 : memref<80x128xf32, #tpu.memory_space<vmem>>) target(%dma_start3A_83 : memref<10112x128xf32, #tpu.memory_space<vmem_shared>>) offsets(%dma_start3A_80 : memref<80xi32, #tpu.memory_space<vmem>>) semaphore(%arg20 : memref<!tpu.dma_semaphore, #tpu.memory_space<semaphore_mem>>) {add = true}
      %dma_wait3A_84 = arith.constant 0 : i32
      %dma_wait3A_85 = arith.constant 0 : i32
      %dma_wait3A_86 = tpu.memref_slice %arg8[%dma_wait3A_84, %dma_wait3A_85] : memref<8x80xi32, #tpu.memory_space<vmem>> -> memref<1x80xi32, #tpu.memory_space<vmem>>
      %dma_wait3A_87 = tpu.memref_squeeze %dma_wait3A_86 : memref<1x80xi32, #tpu.memory_space<vmem>> -> memref<80xi32, #tpu.memory_space<vmem>>
      %dma_wait3A_88 = arith.constant 0 : i32
      %dma_wait3A_89 = arith.constant 0 : i32
      %dma_wait3A_90 = tpu.memref_slice %arg13[%dma_wait3A_88, %dma_wait3A_89] : memref<10112x128xf32, #tpu.memory_space<vmem_shared>> -> memref<10112x128xf32, #tpu.memory_space<vmem_shared>>
      tpu.wait_indirect_dma semaphore(%arg18 : memref<!tpu.dma_semaphore, #tpu.memory_space<semaphore_mem>>) src(%arg9 : memref<80x128xf32, #tpu.memory_space<vmem>>) dst(%dma_wait3A_90 : memref<10112x128xf32, #tpu.memory_space<vmem_shared>>)
      %dma_start3A_91 = arith.constant 4 : i32
      %dma_start3A_92 = arith.constant 0 : i32
      %dma_start3A_93 = tpu.memref_slice %arg7[%dma_start3A_91, %dma_start3A_92] : memref<8x80xi32, #tpu.memory_space<vmem>> -> memref<1x80xi32, #tpu.memory_space<vmem>>
      %dma_start3A_94 = tpu.memref_squeeze %dma_start3A_93 : memref<1x80xi32, #tpu.memory_space<vmem>> -> memref<80xi32, #tpu.memory_space<vmem>>
      %dma_start3A_95 = arith.constant 0 : i32
      %dma_start3A_96 = arith.constant 0 : i32
      %dma_start3A_97 = tpu.memref_slice %arg2[%dma_start3A_95, %dma_start3A_96] : memref<10000x128xf32, #tpu.memory_space<hbm>> -> memref<10000x128xf32, #tpu.memory_space<hbm>>
      tpu.enqueue_indirect_dma source(%dma_start3A_97 : memref<10000x128xf32, #tpu.memory_space<hbm>>) target(%arg9 : memref<80x128xf32, #tpu.memory_space<vmem>>) offsets(%dma_start3A_94 : memref<80xi32, #tpu.memory_space<vmem>>) semaphore(%arg14 : memref<!tpu.dma_semaphore, #tpu.memory_space<semaphore_mem>>)
      %dma_wait3A_98 = arith.constant 3 : i32
      %dma_wait3A_99 = arith.constant 0 : i32
      %dma_wait3A_100 = tpu.memref_slice %arg7[%dma_wait3A_98, %dma_wait3A_99] : memref<8x80xi32, #tpu.memory_space<vmem>> -> memref<1x80xi32, #tpu.memory_space<vmem>>
      %dma_wait3A_101 = tpu.memref_squeeze %dma_wait3A_100 : memref<1x80xi32, #tpu.memory_space<vmem>> -> memref<80xi32, #tpu.memory_space<vmem>>
      %dma_wait3A_102 = arith.constant 0 : i32
      %dma_wait3A_103 = arith.constant 0 : i32
      %dma_wait3A_104 = tpu.memref_slice %arg2[%dma_wait3A_102, %dma_wait3A_103] : memref<10000x128xf32, #tpu.memory_space<hbm>> -> memref<10000x128xf32, #tpu.memory_space<hbm>>
      tpu.wait_indirect_dma semaphore(%arg17 : memref<!tpu.dma_semaphore, #tpu.memory_space<semaphore_mem>>) src(%dma_wait3A_104 : memref<10000x128xf32, #tpu.memory_space<hbm>>) dst(%arg12 : memref<80x128xf32, #tpu.memory_space<vmem>>)
      %dma_start3A_105 = arith.constant 3 : i32
      %dma_start3A_106 = arith.constant 0 : i32
      %dma_start3A_107 = tpu.memref_slice %arg8[%dma_start3A_105, %dma_start3A_106] : memref<8x80xi32, #tpu.memory_space<vmem>> -> memref<1x80xi32, #tpu.memory_space<vmem>>
      %dma_start3A_108 = tpu.memref_squeeze %dma_start3A_107 : memref<1x80xi32, #tpu.memory_space<vmem>> -> memref<80xi32, #tpu.memory_space<vmem>>
      %dma_start3A_109 = arith.constant 0 : i32
      %dma_start3A_110 = arith.constant 0 : i32
      %dma_start3A_111 = tpu.memref_slice %arg13[%dma_start3A_109, %dma_start3A_110] : memref<10112x128xf32, #tpu.memory_space<vmem_shared>> -> memref<10112x128xf32, #tpu.memory_space<vmem_shared>>
      tpu.enqueue_indirect_dma source(%arg12 : memref<80x128xf32, #tpu.memory_space<vmem>>) target(%dma_start3A_111 : memref<10112x128xf32, #tpu.memory_space<vmem_shared>>) offsets(%dma_start3A_108 : memref<80xi32, #tpu.memory_space<vmem>>) semaphore(%arg21 : memref<!tpu.dma_semaphore, #tpu.memory_space<semaphore_mem>>) {add = true}
      %dma_wait3A_112 = arith.constant 1 : i32
      %dma_wait3A_113 = arith.constant 0 : i32
      %dma_wait3A_114 = tpu.memref_slice %arg8[%dma_wait3A_112, %dma_wait3A_113] : memref<8x80xi32, #tpu.memory_space<vmem>> -> memref<1x80xi32, #tpu.memory_space<vmem>>
      %dma_wait3A_115 = tpu.memref_squeeze %dma_wait3A_114 : memref<1x80xi32, #tpu.memory_space<vmem>> -> memref<80xi32, #tpu.memory_space<vmem>>
      %dma_wait3A_116 = arith.constant 0 : i32
      %dma_wait3A_117 = arith.constant 0 : i32
      %dma_wait3A_118 = tpu.memref_slice %arg13[%dma_wait3A_116, %dma_wait3A_117] : memref<10112x128xf32, #tpu.memory_space<vmem_shared>> -> memref<10112x128xf32, #tpu.memory_space<vmem_shared>>
      tpu.wait_indirect_dma semaphore(%arg19 : memref<!tpu.dma_semaphore, #tpu.memory_space<semaphore_mem>>) src(%arg10 : memref<80x128xf32, #tpu.memory_space<vmem>>) dst(%dma_wait3A_118 : memref<10112x128xf32, #tpu.memory_space<vmem_shared>>)
      %dma_start3A_119 = arith.constant 5 : i32
      %dma_start3A_120 = arith.constant 0 : i32
      %dma_start3A_121 = tpu.memref_slice %arg7[%dma_start3A_119, %dma_start3A_120] : memref<8x80xi32, #tpu.memory_space<vmem>> -> memref<1x80xi32, #tpu.memory_space<vmem>>
      %dma_start3A_122 = tpu.memref_squeeze %dma_start3A_121 : memref<1x80xi32, #tpu.memory_space<vmem>> -> memref<80xi32, #tpu.memory_space<vmem>>
      %dma_start3A_123 = arith.constant 0 : i32
      %dma_start3A_124 = arith.constant 0 : i32
      %dma_start3A_125 = tpu.memref_slice %arg2[%dma_start3A_123, %dma_start3A_124] : memref<10000x128xf32, #tpu.memory_space<hbm>> -> memref<10000x128xf32, #tpu.memory_space<hbm>>
      tpu.enqueue_indirect_dma source(%dma_start3A_125 : memref<10000x128xf32, #tpu.memory_space<hbm>>) target(%arg10 : memref<80x128xf32, #tpu.memory_space<vmem>>) offsets(%dma_start3A_122 : memref<80xi32, #tpu.memory_space<vmem>>) semaphore(%arg15 : memref<!tpu.dma_semaphore, #tpu.memory_space<semaphore_mem>>)
      %dma_wait3A_126 = arith.constant 4 : i32
      %dma_wait3A_127 = arith.constant 0 : i32
      %dma_wait3A_128 = tpu.memref_slice %arg7[%dma_wait3A_126, %dma_wait3A_127] : memref<8x80xi32, #tpu.memory_space<vmem>> -> memref<1x80xi32, #tpu.memory_space<vmem>>
      %dma_wait3A_129 = tpu.memref_squeeze %dma_wait3A_128 : memref<1x80xi32, #tpu.memory_space<vmem>> -> memref<80xi32, #tpu.memory_space<vmem>>
      %dma_wait3A_130 = arith.constant 0 : i32
      %dma_wait3A_131 = arith.constant 0 : i32
      %dma_wait3A_132 = tpu.memref_slice %arg2[%dma_wait3A_130, %dma_wait3A_131] : memref<10000x128xf32, #tpu.memory_space<hbm>> -> memref<10000x128xf32, #tpu.memory_space<hbm>>
      tpu.wait_indirect_dma semaphore(%arg14 : memref<!tpu.dma_semaphore, #tpu.memory_space<semaphore_mem>>) src(%dma_wait3A_132 : memref<10000x128xf32, #tpu.memory_space<hbm>>) dst(%arg9 : memref<80x128xf32, #tpu.memory_space<vmem>>)
      %dma_start3A_133 = arith.constant 4 : i32
      %dma_start3A_134 = arith.constant 0 : i32
      %dma_start3A_135 = tpu.memref_slice %arg8[%dma_start3A_133, %dma_start3A_134] : memref<8x80xi32, #tpu.memory_space<vmem>> -> memref<1x80xi32, #tpu.memory_space<vmem>>
      %dma_start3A_136 = tpu.memref_squeeze %dma_start3A_135 : memref<1x80xi32, #tpu.memory_space<vmem>> -> memref<80xi32, #tpu.memory_space<vmem>>
      %dma_start3A_137 = arith.constant 0 : i32
      %dma_start3A_138 = arith.constant 0 : i32
      %dma_start3A_139 = tpu.memref_slice %arg13[%dma_start3A_137, %dma_start3A_138] : memref<10112x128xf32, #tpu.memory_space<vmem_shared>> -> memref<10112x128xf32, #tpu.memory_space<vmem_shared>>
      tpu.enqueue_indirect_dma source(%arg9 : memref<80x128xf32, #tpu.memory_space<vmem>>) target(%dma_start3A_139 : memref<10112x128xf32, #tpu.memory_space<vmem_shared>>) offsets(%dma_start3A_136 : memref<80xi32, #tpu.memory_space<vmem>>) semaphore(%arg18 : memref<!tpu.dma_semaphore, #tpu.memory_space<semaphore_mem>>) {add = true}
      %dma_wait3A_140 = arith.constant 2 : i32
      %dma_wait3A_141 = arith.constant 0 : i32
      %dma_wait3A_142 = tpu.memref_slice %arg8[%dma_wait3A_140, %dma_wait3A_141] : memref<8x80xi32, #tpu.memory_space<vmem>> -> memref<1x80xi32, #tpu.memory_space<vmem>>
      %dma_wait3A_143 = tpu.memref_squeeze %dma_wait3A_142 : memref<1x80xi32, #tpu.memory_space<vmem>> -> memref<80xi32, #tpu.memory_space<vmem>>
      %dma_wait3A_144 = arith.constant 0 : i32
      %dma_wait3A_145 = arith.constant 0 : i32
      %dma_wait3A_146 = tpu.memref_slice %arg13[%dma_wait3A_144, %dma_wait3A_145] : memref<10112x128xf32, #tpu.memory_space<vmem_shared>> -> memref<10112x128xf32, #tpu.memory_space<vmem_shared>>
      tpu.wait_indirect_dma semaphore(%arg20 : memref<!tpu.dma_semaphore, #tpu.memory_space<semaphore_mem>>) src(%arg11 : memref<80x128xf32, #tpu.memory_space<vmem>>) dst(%dma_wait3A_146 : memref<10112x128xf32, #tpu.memory_space<vmem_shared>>)
      %dma_start3A_147 = arith.constant 6 : i32
      %dma_start3A_148 = arith.constant 0 : i32
      %dma_start3A_149 = tpu.memref_slice %arg7[%dma_start3A_147, %dma_start3A_148] : memref<8x80xi32, #tpu.memory_space<vmem>> -> memref<1x80xi32, #tpu.memory_space<vmem>>
      %dma_start3A_150 = tpu.memref_squeeze %dma_start3A_149 : memref<1x80xi32, #tpu.memory_space<vmem>> -> memref<80xi32, #tpu.memory_space<vmem>>
      %dma_start3A_151 = arith.constant 0 : i32
      %dma_start3A_152 = arith.constant 0 : i32
      %dma_start3A_153 = tpu.memref_slice %arg2[%dma_start3A_151, %dma_start3A_152] : memref<10000x128xf32, #tpu.memory_space<hbm>> -> memref<10000x128xf32, #tpu.memory_space<hbm>>
      tpu.enqueue_indirect_dma source(%dma_start3A_153 : memref<10000x128xf32, #tpu.memory_space<hbm>>) target(%arg11 : memref<80x128xf32, #tpu.memory_space<vmem>>) offsets(%dma_start3A_150 : memref<80xi32, #tpu.memory_space<vmem>>) semaphore(%arg16 : memref<!tpu.dma_semaphore, #tpu.memory_space<semaphore_mem>>)
      %dma_wait3A_154 = arith.constant 5 : i32
      %dma_wait3A_155 = arith.constant 0 : i32
      %dma_wait3A_156 = tpu.memref_slice %arg7[%dma_wait3A_154, %dma_wait3A_155] : memref<8x80xi32, #tpu.memory_space<vmem>> -> memref<1x80xi32, #tpu.memory_space<vmem>>
      %dma_wait3A_157 = tpu.memref_squeeze %dma_wait3A_156 : memref<1x80xi32, #tpu.memory_space<vmem>> -> memref<80xi32, #tpu.memory_space<vmem>>
      %dma_wait3A_158 = arith.constant 0 : i32
      %dma_wait3A_159 = arith.constant 0 : i32
      %dma_wait3A_160 = tpu.memref_slice %arg2[%dma_wait3A_158, %dma_wait3A_159] : memref<10000x128xf32, #tpu.memory_space<hbm>> -> memref<10000x128xf32, #tpu.memory_space<hbm>>
      tpu.wait_indirect_dma semaphore(%arg15 : memref<!tpu.dma_semaphore, #tpu.memory_space<semaphore_mem>>) src(%dma_wait3A_160 : memref<10000x128xf32, #tpu.memory_space<hbm>>) dst(%arg10 : memref<80x128xf32, #tpu.memory_space<vmem>>)
      %dma_start3A_161 = arith.constant 5 : i32
      %dma_start3A_162 = arith.constant 0 : i32
      %dma_start3A_163 = tpu.memref_slice %arg8[%dma_start3A_161, %dma_start3A_162] : memref<8x80xi32, #tpu.memory_space<vmem>> -> memref<1x80xi32, #tpu.memory_space<vmem>>
      %dma_start3A_164 = tpu.memref_squeeze %dma_start3A_163 : memref<1x80xi32, #tpu.memory_space<vmem>> -> memref<80xi32, #tpu.memory_space<vmem>>
      %dma_start3A_165 = arith.constant 0 : i32
      %dma_start3A_166 = arith.constant 0 : i32
      %dma_start3A_167 = tpu.memref_slice %arg13[%dma_start3A_165, %dma_start3A_166] : memref<10112x128xf32, #tpu.memory_space<vmem_shared>> -> memref<10112x128xf32, #tpu.memory_space<vmem_shared>>
      tpu.enqueue_indirect_dma source(%arg10 : memref<80x128xf32, #tpu.memory_space<vmem>>) target(%dma_start3A_167 : memref<10112x128xf32, #tpu.memory_space<vmem_shared>>) offsets(%dma_start3A_164 : memref<80xi32, #tpu.memory_space<vmem>>) semaphore(%arg19 : memref<!tpu.dma_semaphore, #tpu.memory_space<semaphore_mem>>) {add = true}
      %dma_wait3A_168 = arith.constant 3 : i32
      %dma_wait3A_169 = arith.constant 0 : i32
      %dma_wait3A_170 = tpu.memref_slice %arg8[%dma_wait3A_168, %dma_wait3A_169] : memref<8x80xi32, #tpu.memory_space<vmem>> -> memref<1x80xi32, #tpu.memory_space<vmem>>
      %dma_wait3A_171 = tpu.memref_squeeze %dma_wait3A_170 : memref<1x80xi32, #tpu.memory_space<vmem>> -> memref<80xi32, #tpu.memory_space<vmem>>
      %dma_wait3A_172 = arith.constant 0 : i32
      %dma_wait3A_173 = arith.constant 0 : i32
      %dma_wait3A_174 = tpu.memref_slice %arg13[%dma_wait3A_172, %dma_wait3A_173] : memref<10112x128xf32, #tpu.memory_space<vmem_shared>> -> memref<10112x128xf32, #tpu.memory_space<vmem_shared>>
      tpu.wait_indirect_dma semaphore(%arg21 : memref<!tpu.dma_semaphore, #tpu.memory_space<semaphore_mem>>) src(%arg12 : memref<80x128xf32, #tpu.memory_space<vmem>>) dst(%dma_wait3A_174 : memref<10112x128xf32, #tpu.memory_space<vmem_shared>>)
      %dma_start3A_175 = arith.constant 7 : i32
      %dma_start3A_176 = arith.constant 0 : i32
      %dma_start3A_177 = tpu.memref_slice %arg7[%dma_start3A_175, %dma_start3A_176] : memref<8x80xi32, #tpu.memory_space<vmem>> -> memref<1x80xi32, #tpu.memory_space<vmem>>
      %dma_start3A_178 = tpu.memref_squeeze %dma_start3A_177 : memref<1x80xi32, #tpu.memory_space<vmem>> -> memref<80xi32, #tpu.memory_space<vmem>>
      %dma_start3A_179 = arith.constant 0 : i32
      %dma_start3A_180 = arith.constant 0 : i32
      %dma_start3A_181 = tpu.memref_slice %arg2[%dma_start3A_179, %dma_start3A_180] : memref<10000x128xf32, #tpu.memory_space<hbm>> -> memref<10000x128xf32, #tpu.memory_space<hbm>>
      tpu.enqueue_indirect_dma source(%dma_start3A_181 : memref<10000x128xf32, #tpu.memory_space<hbm>>) target(%arg12 : memref<80x128xf32, #tpu.memory_space<vmem>>) offsets(%dma_start3A_178 : memref<80xi32, #tpu.memory_space<vmem>>) semaphore(%arg17 : memref<!tpu.dma_semaphore, #tpu.memory_space<semaphore_mem>>)
      %dma_wait3A_182 = arith.constant 6 : i32
      %dma_wait3A_183 = arith.constant 0 : i32
      %dma_wait3A_184 = tpu.memref_slice %arg7[%dma_wait3A_182, %dma_wait3A_183] : memref<8x80xi32, #tpu.memory_space<vmem>> -> memref<1x80xi32, #tpu.memory_space<vmem>>
      %dma_wait3A_185 = tpu.memref_squeeze %dma_wait3A_184 : memref<1x80xi32, #tpu.memory_space<vmem>> -> memref<80xi32, #tpu.memory_space<vmem>>
      %dma_wait3A_186 = arith.constant 0 : i32
      %dma_wait3A_187 = arith.constant 0 : i32
      %dma_wait3A_188 = tpu.memref_slice %arg2[%dma_wait3A_186, %dma_wait3A_187] : memref<10000x128xf32, #tpu.memory_space<hbm>> -> memref<10000x128xf32, #tpu.memory_space<hbm>>
      tpu.wait_indirect_dma semaphore(%arg16 : memref<!tpu.dma_semaphore, #tpu.memory_space<semaphore_mem>>) src(%dma_wait3A_188 : memref<10000x128xf32, #tpu.memory_space<hbm>>) dst(%arg11 : memref<80x128xf32, #tpu.memory_space<vmem>>)
      %dma_start3A_189 = arith.constant 6 : i32
      %dma_start3A_190 = arith.constant 0 : i32
      %dma_start3A_191 = tpu.memref_slice %arg8[%dma_start3A_189, %dma_start3A_190] : memref<8x80xi32, #tpu.memory_space<vmem>> -> memref<1x80xi32, #tpu.memory_space<vmem>>
      %dma_start3A_192 = tpu.memref_squeeze %dma_start3A_191 : memref<1x80xi32, #tpu.memory_space<vmem>> -> memref<80xi32, #tpu.memory_space<vmem>>
      %dma_start3A_193 = arith.constant 0 : i32
      %dma_start3A_194 = arith.constant 0 : i32
      %dma_start3A_195 = tpu.memref_slice %arg13[%dma_start3A_193, %dma_start3A_194] : memref<10112x128xf32, #tpu.memory_space<vmem_shared>> -> memref<10112x128xf32, #tpu.memory_space<vmem_shared>>
      tpu.enqueue_indirect_dma source(%arg11 : memref<80x128xf32, #tpu.memory_space<vmem>>) target(%dma_start3A_195 : memref<10112x128xf32, #tpu.memory_space<vmem_shared>>) offsets(%dma_start3A_192 : memref<80xi32, #tpu.memory_space<vmem>>) semaphore(%arg20 : memref<!tpu.dma_semaphore, #tpu.memory_space<semaphore_mem>>) {add = true}
      %dma_wait3A_196 = arith.constant 7 : i32
      %dma_wait3A_197 = arith.constant 0 : i32
      %dma_wait3A_198 = tpu.memref_slice %arg7[%dma_wait3A_196, %dma_wait3A_197] : memref<8x80xi32, #tpu.memory_space<vmem>> -> memref<1x80xi32, #tpu.memory_space<vmem>>
      %dma_wait3A_199 = tpu.memref_squeeze %dma_wait3A_198 : memref<1x80xi32, #tpu.memory_space<vmem>> -> memref<80xi32, #tpu.memory_space<vmem>>
      %dma_wait3A_200 = arith.constant 0 : i32
      %dma_wait3A_201 = arith.constant 0 : i32
      %dma_wait3A_202 = tpu.memref_slice %arg2[%dma_wait3A_200, %dma_wait3A_201] : memref<10000x128xf32, #tpu.memory_space<hbm>> -> memref<10000x128xf32, #tpu.memory_space<hbm>>
      tpu.wait_indirect_dma semaphore(%arg17 : memref<!tpu.dma_semaphore, #tpu.memory_space<semaphore_mem>>) src(%dma_wait3A_202 : memref<10000x128xf32, #tpu.memory_space<hbm>>) dst(%arg12 : memref<80x128xf32, #tpu.memory_space<vmem>>)
      %dma_start3A_203 = arith.constant 7 : i32
      %dma_start3A_204 = arith.constant 0 : i32
      %dma_start3A_205 = tpu.memref_slice %arg8[%dma_start3A_203, %dma_start3A_204] : memref<8x80xi32, #tpu.memory_space<vmem>> -> memref<1x80xi32, #tpu.memory_space<vmem>>
      %dma_start3A_206 = tpu.memref_squeeze %dma_start3A_205 : memref<1x80xi32, #tpu.memory_space<vmem>> -> memref<80xi32, #tpu.memory_space<vmem>>
      %dma_start3A_207 = arith.constant 0 : i32
      %dma_start3A_208 = arith.constant 0 : i32
      %dma_start3A_209 = tpu.memref_slice %arg13[%dma_start3A_207, %dma_start3A_208] : memref<10112x128xf32, #tpu.memory_space<vmem_shared>> -> memref<10112x128xf32, #tpu.memory_space<vmem_shared>>
      tpu.enqueue_indirect_dma source(%arg12 : memref<80x128xf32, #tpu.memory_space<vmem>>) target(%dma_start3A_209 : memref<10112x128xf32, #tpu.memory_space<vmem_shared>>) offsets(%dma_start3A_206 : memref<80xi32, #tpu.memory_space<vmem>>) semaphore(%arg21 : memref<!tpu.dma_semaphore, #tpu.memory_space<semaphore_mem>>) {add = true}
      %dma_wait3A_210 = arith.constant 4 : i32
      %dma_wait3A_211 = arith.constant 0 : i32
      %dma_wait3A_212 = tpu.memref_slice %arg8[%dma_wait3A_210, %dma_wait3A_211] : memref<8x80xi32, #tpu.memory_space<vmem>> -> memref<1x80xi32, #tpu.memory_space<vmem>>
      %dma_wait3A_213 = tpu.memref_squeeze %dma_wait3A_212 : memref<1x80xi32, #tpu.memory_space<vmem>> -> memref<80xi32, #tpu.memory_space<vmem>>
      %dma_wait3A_214 = arith.constant 0 : i32
      %dma_wait3A_215 = arith.constant 0 : i32
      %dma_wait3A_216 = tpu.memref_slice %arg13[%dma_wait3A_214, %dma_wait3A_215] : memref<10112x128xf32, #tpu.memory_space<vmem_shared>> -> memref<10112x128xf32, #tpu.memory_space<vmem_shared>>
      tpu.wait_indirect_dma semaphore(%arg18 : memref<!tpu.dma_semaphore, #tpu.memory_space<semaphore_mem>>) src(%arg9 : memref<80x128xf32, #tpu.memory_space<vmem>>) dst(%dma_wait3A_216 : memref<10112x128xf32, #tpu.memory_space<vmem_shared>>)
      %dma_wait3A_217 = arith.constant 5 : i32
      %dma_wait3A_218 = arith.constant 0 : i32
      %dma_wait3A_219 = tpu.memref_slice %arg8[%dma_wait3A_217, %dma_wait3A_218] : memref<8x80xi32, #tpu.memory_space<vmem>> -> memref<1x80xi32, #tpu.memory_space<vmem>>
      %dma_wait3A_220 = tpu.memref_squeeze %dma_wait3A_219 : memref<1x80xi32, #tpu.memory_space<vmem>> -> memref<80xi32, #tpu.memory_space<vmem>>
      %dma_wait3A_221 = arith.constant 0 : i32
      %dma_wait3A_222 = arith.constant 0 : i32
      %dma_wait3A_223 = tpu.memref_slice %arg13[%dma_wait3A_221, %dma_wait3A_222] : memref<10112x128xf32, #tpu.memory_space<vmem_shared>> -> memref<10112x128xf32, #tpu.memory_space<vmem_shared>>
      tpu.wait_indirect_dma semaphore(%arg19 : memref<!tpu.dma_semaphore, #tpu.memory_space<semaphore_mem>>) src(%arg10 : memref<80x128xf32, #tpu.memory_space<vmem>>) dst(%dma_wait3A_223 : memref<10112x128xf32, #tpu.memory_space<vmem_shared>>)
      %dma_wait3A_224 = arith.constant 6 : i32
      %dma_wait3A_225 = arith.constant 0 : i32
      %dma_wait3A_226 = tpu.memref_slice %arg8[%dma_wait3A_224, %dma_wait3A_225] : memref<8x80xi32, #tpu.memory_space<vmem>> -> memref<1x80xi32, #tpu.memory_space<vmem>>
      %dma_wait3A_227 = tpu.memref_squeeze %dma_wait3A_226 : memref<1x80xi32, #tpu.memory_space<vmem>> -> memref<80xi32, #tpu.memory_space<vmem>>
      %dma_wait3A_228 = arith.constant 0 : i32
      %dma_wait3A_229 = arith.constant 0 : i32
      %dma_wait3A_230 = tpu.memref_slice %arg13[%dma_wait3A_228, %dma_wait3A_229] : memref<10112x128xf32, #tpu.memory_space<vmem_shared>> -> memref<10112x128xf32, #tpu.memory_space<vmem_shared>>
      tpu.wait_indirect_dma semaphore(%arg20 : memref<!tpu.dma_semaphore, #tpu.memory_space<semaphore_mem>>) src(%arg11 : memref<80x128xf32, #tpu.memory_space<vmem>>) dst(%dma_wait3A_230 : memref<10112x128xf32, #tpu.memory_space<vmem_shared>>)
      %dma_wait3A_231 = arith.constant 7 : i32
      %dma_wait3A_232 = arith.constant 0 : i32
      %dma_wait3A_233 = tpu.memref_slice %arg8[%dma_wait3A_231, %dma_wait3A_232] : memref<8x80xi32, #tpu.memory_space<vmem>> -> memref<1x80xi32, #tpu.memory_space<vmem>>
      %dma_wait3A_234 = tpu.memref_squeeze %dma_wait3A_233 : memref<1x80xi32, #tpu.memory_space<vmem>> -> memref<80xi32, #tpu.memory_space<vmem>>
      %dma_wait3A_235 = arith.constant 0 : i32
      %dma_wait3A_236 = arith.constant 0 : i32
      %dma_wait3A_237 = tpu.memref_slice %arg13[%dma_wait3A_235, %dma_wait3A_236] : memref<10112x128xf32, #tpu.memory_space<vmem_shared>> -> memref<10112x128xf32, #tpu.memory_space<vmem_shared>>
      tpu.wait_indirect_dma semaphore(%arg21 : memref<!tpu.dma_semaphore, #tpu.memory_space<semaphore_mem>>) src(%arg12 : memref<80x128xf32, #tpu.memory_space<vmem>>) dst(%dma_wait3A_237 : memref<10112x128xf32, #tpu.memory_space<vmem_shared>>)
    }
    %scan3A_7 = arith.constant 16 : i32
    %barrier3A_8 = arith.constant 0 : index
    tpu.barrier barrier_id(%barrier3A_8)
    %mul3A_9 = arith.constant 632 : i32
    %mul3A_10 = arith.muli %arg1, %mul3A_9 : i32
    %mul3A_11 = arith.constant 632 : i32
    %mul3A_12 = arith.muli %arg1, %mul3A_11 : i32
    "tpu.region"() ({
      %run_scoped3A = tpu.sem_alloc : memref<!tpu.dma_semaphore, #tpu.memory_space<semaphore_mem>>
      %dma_start3A = arith.constant 0 : i32
      %dma_start3A_13 = tpu.memref_slice %arg6[%arg0, %mul3A_12, %dma_start3A] : memref<2x10112x128xf32, #tpu.memory_space<hbm>> -> memref<1x632x128xf32, #tpu.memory_space<hbm>>
      %dma_start3A_14 = tpu.memref_squeeze %dma_start3A_13 : memref<1x632x128xf32, #tpu.memory_space<hbm>> -> memref<632x128xf32, #tpu.memory_space<hbm>>
      %dma_start3A_15 = arith.constant 0 : i32
      %dma_start3A_16 = tpu.memref_slice %arg13[%mul3A_10, %dma_start3A_15] : memref<10112x128xf32, #tpu.memory_space<vmem_shared>> -> memref<632x128xf32, #tpu.memory_space<vmem_shared>>
      tpu.enqueue_dma source(%dma_start3A_16 : memref<632x128xf32, #tpu.memory_space<vmem_shared>>) target(%dma_start3A_14 : memref<632x128xf32, #tpu.memory_space<hbm>>) target_semaphore(%run_scoped3A : memref<!tpu.dma_semaphore, #tpu.memory_space<semaphore_mem>>)
      %dma_wait3A = arith.constant 0 : i32
      %dma_wait3A_17 = tpu.memref_slice %arg6[%arg0, %mul3A_12, %dma_wait3A] : memref<2x10112x128xf32, #tpu.memory_space<hbm>> -> memref<1x632x128xf32, #tpu.memory_space<hbm>>
      %dma_wait3A_18 = tpu.memref_squeeze %dma_wait3A_17 : memref<1x632x128xf32, #tpu.memory_space<hbm>> -> memref<632x128xf32, #tpu.memory_space<hbm>>
      %dma_wait3A_19 = arith.constant 0 : i32
      %dma_wait3A_20 = tpu.memref_slice %arg13[%mul3A_10, %dma_wait3A_19] : memref<10112x128xf32, #tpu.memory_space<vmem_shared>> -> memref<632x128xf32, #tpu.memory_space<vmem_shared>>
      tpu.wait_dma2 semaphore(%run_scoped3A : memref<!tpu.dma_semaphore, #tpu.memory_space<semaphore_mem>>) src(%dma_wait3A_20 : memref<632x128xf32, #tpu.memory_space<vmem_shared>>) dst(%dma_wait3A_18 : memref<632x128xf32, #tpu.memory_space<hbm>>)
      tpu.yield
    }) : () -> ()
    return
  }
}

#map = affine_map<(d0, d1) -> (0, 0)>
#map1 = affine_map<(d0, d1) -> (0, 0, 0)>
module attributes {stable_mosaic.version = 14 : i64} {
  func.func @body(%arg0: i32, %arg1: i32, %arg2: memref<10000x128xf32, #tpu.memory_space<hbm>>, %arg3: memref<32x128x80xi32, #tpu.memory_space<hbm>>, %arg4: memref<32x128x80xi32, #tpu.memory_space<hbm>>, %arg5: memref<632x128xf32, #tpu.memory_space<hbm>>, %arg6: memref<2x10112x128xf32, #tpu.memory_space<hbm>>, %arg7: memref<8x80xi32, #tpu.memory_space<vmem>>, %arg8: memref<8x80xi32, #tpu.memory_space<vmem>>, %arg9: memref<80x128xf32, #tpu.memory_space<vmem>>, %arg10: memref<80x128xf32, #tpu.memory_space<vmem>>, %arg11: memref<80x128xf32, #tpu.memory_space<vmem>>, %arg12: memref<80x128xf32, #tpu.memory_space<vmem>>, %arg13: memref<10112x128xf32, #tpu.memory_space<vmem_shared>>, %arg14: memref<!tpu.dma_semaphore, #tpu.memory_space<semaphore_mem>>, %arg15: memref<!tpu.dma_semaphore, #tpu.memory_space<semaphore_mem>>, %arg16: memref<!tpu.dma_semaphore, #tpu.memory_space<semaphore_mem>>, %arg17: memref<!tpu.dma_semaphore, #tpu.memory_space<semaphore_mem>>, %arg18: memref<!tpu.dma_semaphore, #tpu.memory_space<semaphore_mem>>, %arg19: memref<!tpu.dma_semaphore, #tpu.memory_space<semaphore_mem>>, %arg20: memref<!tpu.dma_semaphore, #tpu.memory_space<semaphore_mem>>, %arg21: memref<!tpu.dma_semaphore, #tpu.memory_space<semaphore_mem>>) attributes {dimension_semantics = [#tpu.dimension_semantics<core_parallel>, #tpu.dimension_semantics<subcore_parallel>], iteration_bounds = array<i64: 2, 16>, scalar_prefetch = 0 : i64, scratch_operands = 15 : i64, tpu.core_type = #tpu.core_type<sc_vector_subcore>, window_params = [{transform_indices = #map}, {transform_indices = #map1}, {transform_indices = #map1}, {transform_indices = #map}, {transform_indices = #map1}]} {
    %mul3A = arith.constant 16 : i32
    %mul3A_0 = arith.muli %arg0, %mul3A : i32
    %add3A = arith.addi %mul3A_0, %arg1 : i32
    %mul3A_1 = arith.constant 632 : i32
    %mul3A_2 = arith.muli %arg1, %mul3A_1 : i32
    "tpu.region"() ({
      %run_scoped3A = tpu.sem_alloc : memref<!tpu.dma_semaphore, #tpu.memory_space<semaphore_mem>>
      %dma_start3A = arith.constant 0 : i32
      %dma_start3A_13 = tpu.memref_slice %arg13[%mul3A_2, %dma_start3A] : memref<10112x128xf32, #tpu.memory_space<vmem_shared>> -> memref<632x128xf32, #tpu.memory_space<vmem_shared>>
      tpu.enqueue_dma source(%arg5 : memref<632x128xf32, #tpu.memory_space<hbm>>) target(%dma_start3A_13 : memref<632x128xf32, #tpu.memory_space<vmem_shared>>) target_semaphore(%run_scoped3A : memref<!tpu.dma_semaphore, #tpu.memory_space<semaphore_mem>>)
      %dma_wait3A = arith.constant 0 : i32
      %dma_wait3A_14 = tpu.memref_slice %arg13[%mul3A_2, %dma_wait3A] : memref<10112x128xf32, #tpu.memory_space<vmem_shared>> -> memref<632x128xf32, #tpu.memory_space<vmem_shared>>
      tpu.wait_dma2 semaphore(%run_scoped3A : memref<!tpu.dma_semaphore, #tpu.memory_space<semaphore_mem>>) src(%arg5 : memref<632x128xf32, #tpu.memory_space<hbm>>) dst(%dma_wait3A_14 : memref<632x128xf32, #tpu.memory_space<vmem_shared>>)
      tpu.yield
    }) : () -> ()
    %barrier3A = arith.constant 0 : index
    tpu.barrier barrier_id(%barrier3A)
    %scan3A = arith.constant 0 : i32
    %scan3A_3 = arith.constant 0 : i32
    %scan3A_4 = arith.constant 16 : i32
    %scan3A_5 = arith.addi %scan3A_3, %scan3A_4 : i32
    %scan3A_6 = arith.constant 1 : i32
    scf.for %scan3A_13 = %scan3A_3 to %scan3A_5 step %scan3A_6  : i32 {
      %mul3A_14 = arith.constant 8 : i32
      %mul3A_15 = arith.muli %scan3A_13, %mul3A_14 : i32
      %multiple_of3A = tpu.assume_multiple %mul3A_15, 8 : i32
      "tpu.region"() ({
        %run_scoped3A = tpu.sem_alloc : memref<!tpu.dma_semaphore, #tpu.memory_space<semaphore_mem>>
        %dma_start3A_238 = arith.constant 0 : i32
        %dma_start3A_239 = tpu.memref_slice %arg3[%add3A, %multiple_of3A, %dma_start3A_238] : memref<32x128x80xi32, #tpu.memory_space<hbm>> -> memref<1x8x80xi32, #tpu.memory_space<hbm>>
        %dma_start3A_240 = tpu.memref_squeeze %dma_start3A_239 : memref<1x8x80xi32, #tpu.memory_space<hbm>> -> memref<8x80xi32, #tpu.memory_space<hbm>>
        %dma_start3A_241 = arith.constant 0 : i32
        %dma_start3A_242 = tpu.memref_slice %arg3[%add3A, %multiple_of3A, %dma_start3A_241] : memref<32x128x80xi32, #tpu.memory_space<hbm>> -> memref<1x8x80xi32, #tpu.memory_space<hbm>>
        %dma_start3A_243 = tpu.memref_squeeze %dma_start3A_242 : memref<1x8x80xi32, #tpu.memory_space<hbm>> -> memref<8x80xi32, #tpu.memory_space<hbm>>
        tpu.enqueue_dma source(%dma_start3A_243 : memref<8x80xi32, #tpu.memory_space<hbm>>) target(%arg7 : memref<8x80xi32, #tpu.memory_space<vmem>>) target_semaphore(%run_scoped3A : memref<!tpu.dma_semaphore, #tpu.memory_space<semaphore_mem>>)
        %dma_wait3A_244 = arith.constant 0 : i32
        %dma_wait3A_245 = tpu.memref_slice %arg3[%add3A, %multiple_of3A, %dma_wait3A_244] : memref<32x128x80xi32, #tpu.memory_space<hbm>> -> memref<1x8x80xi32, #tpu.memory_space<hbm>>
        %dma_wait3A_246 = tpu.memref_squeeze %dma_wait3A_245 : memref<1x8x80xi32, #tpu.memory_space<hbm>> -> memref<8x80xi32, #tpu.memory_space<hbm>>
        %dma_wait3A_247 = arith.constant 0 : i32
        %dma_wait3A_248 = tpu.memref_slice %arg3[%add3A, %multiple_of3A, %dma_wait3A_247] : memref<32x128x80xi32, #tpu.memory_space<hbm>> -> memref<1x8x80xi32, #tpu.memory_space<hbm>>
        %dma_wait3A_249 = tpu.memref_squeeze %dma_wait3A_248 : memref<1x8x80xi32, #tpu.memory_space<hbm>> -> memref<8x80xi32, #tpu.memory_space<hbm>>
        tpu.wait_dma2 semaphore(%run_scoped3A : memref<!tpu.dma_semaphore, #tpu.memory_space<semaphore_mem>>) src(%dma_wait3A_249 : memref<8x80xi32, #tpu.memory_space<hbm>>) dst(%arg7 : memref<8x80xi32, #tpu.memory_space<vmem>>)
        tpu.yield
      }) : () -> ()
      "tpu.region"() ({
        %run_scoped3A = tpu.sem_alloc : memref<!tpu.dma_semaphore, #tpu.memory_space<semaphore_mem>>
        %dma_start3A_238 = arith.constant 0 : i32
        %dma_start3A_239 = tpu.memref_slice %arg4[%add3A, %multiple_of3A, %dma_start3A_238] : memref<32x128x80xi32, #tpu.memory_space<hbm>> -> memref<1x8x80xi32, #tpu.memory_space<hbm>>
        %dma_start3A_240 = tpu.memref_squeeze %dma_start3A_239 : memref<1x8x80xi32, #tpu.memory_space<hbm>> -> memref<8x80xi32, #tpu.memory_space<hbm>>
        %dma_start3A_241 = arith.constant 0 : i32
        %dma_start3A_242 = tpu.memref_slice %arg4[%add3A, %multiple_of3A, %dma_start3A_241] : memref<32x128x80xi32, #tpu.memory_space<hbm>> -> memref<1x8x80xi32, #tpu.memory_space<hbm>>
        %dma_start3A_243 = tpu.memref_squeeze %dma_start3A_242 : memref<1x8x80xi32, #tpu.memory_space<hbm>> -> memref<8x80xi32, #tpu.memory_space<hbm>>
        tpu.enqueue_dma source(%dma_start3A_243 : memref<8x80xi32, #tpu.memory_space<hbm>>) target(%arg8 : memref<8x80xi32, #tpu.memory_space<vmem>>) target_semaphore(%run_scoped3A : memref<!tpu.dma_semaphore, #tpu.memory_space<semaphore_mem>>)
        %dma_wait3A_244 = arith.constant 0 : i32
        %dma_wait3A_245 = tpu.memref_slice %arg4[%add3A, %multiple_of3A, %dma_wait3A_244] : memref<32x128x80xi32, #tpu.memory_space<hbm>> -> memref<1x8x80xi32, #tpu.memory_space<hbm>>
        %dma_wait3A_246 = tpu.memref_squeeze %dma_wait3A_245 : memref<1x8x80xi32, #tpu.memory_space<hbm>> -> memref<8x80xi32, #tpu.memory_space<hbm>>
        %dma_wait3A_247 = arith.constant 0 : i32
        %dma_wait3A_248 = tpu.memref_slice %arg4[%add3A, %multiple_of3A, %dma_wait3A_247] : memref<32x128x80xi32, #tpu.memory_space<hbm>> -> memref<1x8x80xi32, #tpu.memory_space<hbm>>
        %dma_wait3A_249 = tpu.memref_squeeze %dma_wait3A_248 : memref<1x8x80xi32, #tpu.memory_space<hbm>> -> memref<8x80xi32, #tpu.memory_space<hbm>>
        tpu.wait_dma2 semaphore(%run_scoped3A : memref<!tpu.dma_semaphore, #tpu.memory_space<semaphore_mem>>) src(%dma_wait3A_249 : memref<8x80xi32, #tpu.memory_space<hbm>>) dst(%arg8 : memref<8x80xi32, #tpu.memory_space<vmem>>)
        tpu.yield
      }) : () -> ()
      %dma_start3A = arith.constant 0 : i32
      %dma_start3A_16 = arith.constant 0 : i32
      %dma_start3A_17 = tpu.memref_slice %arg7[%dma_start3A, %dma_start3A_16] : memref<8x80xi32, #tpu.memory_space<vmem>> -> memref<1x80xi32, #tpu.memory_space<vmem>>
      %dma_start3A_18 = tpu.memref_squeeze %dma_start3A_17 : memref<1x80xi32, #tpu.memory_space<vmem>> -> memref<80xi32, #tpu.memory_space<vmem>>
      %dma_start3A_19 = arith.constant 0 : i32
      %dma_start3A_20 = arith.constant 0 : i32
      %dma_start3A_21 = tpu.memref_slice %arg2[%dma_start3A_19, %dma_start3A_20] : memref<10000x128xf32, #tpu.memory_space<hbm>> -> memref<10000x128xf32, #tpu.memory_space<hbm>>
      tpu.enqueue_indirect_dma source(%dma_start3A_21 : memref<10000x128xf32, #tpu.memory_space<hbm>>) target(%arg9 : memref<80x128xf32, #tpu.memory_space<vmem>>) offsets(%dma_start3A_18 : memref<80xi32, #tpu.memory_space<vmem>>) semaphore(%arg14 : memref<!tpu.dma_semaphore, #tpu.memory_space<semaphore_mem>>)
      %dma_start3A_22 = arith.constant 1 : i32
      %dma_start3A_23 = arith.constant 0 : i32
      %dma_start3A_24 = tpu.memref_slice %arg7[%dma_start3A_22, %dma_start3A_23] : memref<8x80xi32, #tpu.memory_space<vmem>> -> memref<1x80xi32, #tpu.memory_space<vmem>>
      %dma_start3A_25 = tpu.memref_squeeze %dma_start3A_24 : memref<1x80xi32, #tpu.memory_space<vmem>> -> memref<80xi32, #tpu.memory_space<vmem>>
      %dma_start3A_26 = arith.constant 0 : i32
      %dma_start3A_27 = arith.constant 0 : i32
      %dma_start3A_28 = tpu.memref_slice %arg2[%dma_start3A_26, %dma_start3A_27] : memref<10000x128xf32, #tpu.memory_space<hbm>> -> memref<10000x128xf32, #tpu.memory_space<hbm>>
      tpu.enqueue_indirect_dma source(%dma_start3A_28 : memref<10000x128xf32, #tpu.memory_space<hbm>>) target(%arg10 : memref<80x128xf32, #tpu.memory_space<vmem>>) offsets(%dma_start3A_25 : memref<80xi32, #tpu.memory_space<vmem>>) semaphore(%arg15 : memref<!tpu.dma_semaphore, #tpu.memory_space<semaphore_mem>>)
      %dma_wait3A = arith.constant 0 : i32
      %dma_wait3A_29 = arith.constant 0 : i32
      %dma_wait3A_30 = tpu.memref_slice %arg7[%dma_wait3A, %dma_wait3A_29] : memref<8x80xi32, #tpu.memory_space<vmem>> -> memref<1x80xi32, #tpu.memory_space<vmem>>
      %dma_wait3A_31 = tpu.memref_squeeze %dma_wait3A_30 : memref<1x80xi32, #tpu.memory_space<vmem>> -> memref<80xi32, #tpu.memory_space<vmem>>
      %dma_wait3A_32 = arith.constant 0 : i32
      %dma_wait3A_33 = arith.constant 0 : i32
      %dma_wait3A_34 = tpu.memref_slice %arg2[%dma_wait3A_32, %dma_wait3A_33] : memref<10000x128xf32, #tpu.memory_space<hbm>> -> memref<10000x128xf32, #tpu.memory_space<hbm>>
      tpu.wait_indirect_dma semaphore(%arg14 : memref<!tpu.dma_semaphore, #tpu.memory_space<semaphore_mem>>) src(%dma_wait3A_34 : memref<10000x128xf32, #tpu.memory_space<hbm>>) dst(%arg9 : memref<80x128xf32, #tpu.memory_space<vmem>>)
      %dma_start3A_35 = arith.constant 0 : i32
      %dma_start3A_36 = arith.constant 0 : i32
      %dma_start3A_37 = tpu.memref_slice %arg8[%dma_start3A_35, %dma_start3A_36] : memref<8x80xi32, #tpu.memory_space<vmem>> -> memref<1x80xi32, #tpu.memory_space<vmem>>
      %dma_start3A_38 = tpu.memref_squeeze %dma_start3A_37 : memref<1x80xi32, #tpu.memory_space<vmem>> -> memref<80xi32, #tpu.memory_space<vmem>>
      %dma_start3A_39 = arith.constant 0 : i32
      %dma_start3A_40 = arith.constant 0 : i32
      %dma_start3A_41 = tpu.memref_slice %arg13[%dma_start3A_39, %dma_start3A_40] : memref<10112x128xf32, #tpu.memory_space<vmem_shared>> -> memref<10112x128xf32, #tpu.memory_space<vmem_shared>>
      tpu.enqueue_indirect_dma source(%arg9 : memref<80x128xf32, #tpu.memory_space<vmem>>) target(%dma_start3A_41 : memref<10112x128xf32, #tpu.memory_space<vmem_shared>>) offsets(%dma_start3A_38 : memref<80xi32, #tpu.memory_space<vmem>>) semaphore(%arg18 : memref<!tpu.dma_semaphore, #tpu.memory_space<semaphore_mem>>) {add = true}
      %dma_start3A_42 = arith.constant 2 : i32
      %dma_start3A_43 = arith.constant 0 : i32
      %dma_start3A_44 = tpu.memref_slice %arg7[%dma_start3A_42, %dma_start3A_43] : memref<8x80xi32, #tpu.memory_space<vmem>> -> memref<1x80xi32, #tpu.memory_space<vmem>>
      %dma_start3A_45 = tpu.memref_squeeze %dma_start3A_44 : memref<1x80xi32, #tpu.memory_space<vmem>> -> memref<80xi32, #tpu.memory_space<vmem>>
      %dma_start3A_46 = arith.constant 0 : i32
      %dma_start3A_47 = arith.constant 0 : i32
      %dma_start3A_48 = tpu.memref_slice %arg2[%dma_start3A_46, %dma_start3A_47] : memref<10000x128xf32, #tpu.memory_space<hbm>> -> memref<10000x128xf32, #tpu.memory_space<hbm>>
      tpu.enqueue_indirect_dma source(%dma_start3A_48 : memref<10000x128xf32, #tpu.memory_space<hbm>>) target(%arg11 : memref<80x128xf32, #tpu.memory_space<vmem>>) offsets(%dma_start3A_45 : memref<80xi32, #tpu.memory_space<vmem>>) semaphore(%arg16 : memref<!tpu.dma_semaphore, #tpu.memory_space<semaphore_mem>>)
      %dma_wait3A_49 = arith.constant 1 : i32
      %dma_wait3A_50 = arith.constant 0 : i32
      %dma_wait3A_51 = tpu.memref_slice %arg7[%dma_wait3A_49, %dma_wait3A_50] : memref<8x80xi32, #tpu.memory_space<vmem>> -> memref<1x80xi32, #tpu.memory_space<vmem>>
      %dma_wait3A_52 = tpu.memref_squeeze %dma_wait3A_51 : memref<1x80xi32, #tpu.memory_space<vmem>> -> memref<80xi32, #tpu.memory_space<vmem>>
      %dma_wait3A_53 = arith.constant 0 : i32
      %dma_wait3A_54 = arith.constant 0 : i32
      %dma_wait3A_55 = tpu.memref_slice %arg2[%dma_wait3A_53, %dma_wait3A_54] : memref<10000x128xf32, #tpu.memory_space<hbm>> -> memref<10000x128xf32, #tpu.memory_space<hbm>>
      tpu.wait_indirect_dma semaphore(%arg15 : memref<!tpu.dma_semaphore, #tpu.memory_space<semaphore_mem>>) src(%dma_wait3A_55 : memref<10000x128xf32, #tpu.memory_space<hbm>>) dst(%arg10 : memref<80x128xf32, #tpu.memory_space<vmem>>)
      %dma_start3A_56 = arith.constant 1 : i32
      %dma_start3A_57 = arith.constant 0 : i32
      %dma_start3A_58 = tpu.memref_slice %arg8[%dma_start3A_56, %dma_start3A_57] : memref<8x80xi32, #tpu.memory_space<vmem>> -> memref<1x80xi32, #tpu.memory_space<vmem>>
      %dma_start3A_59 = tpu.memref_squeeze %dma_start3A_58 : memref<1x80xi32, #tpu.memory_space<vmem>> -> memref<80xi32, #tpu.memory_space<vmem>>
      %dma_start3A_60 = arith.constant 0 : i32
      %dma_start3A_61 = arith.constant 0 : i32
      %dma_start3A_62 = tpu.memref_slice %arg13[%dma_start3A_60, %dma_start3A_61] : memref<10112x128xf32, #tpu.memory_space<vmem_shared>> -> memref<10112x128xf32, #tpu.memory_space<vmem_shared>>
      tpu.enqueue_indirect_dma source(%arg10 : memref<80x128xf32, #tpu.memory_space<vmem>>) target(%dma_start3A_62 : memref<10112x128xf32, #tpu.memory_space<vmem_shared>>) offsets(%dma_start3A_59 : memref<80xi32, #tpu.memory_space<vmem>>) semaphore(%arg19 : memref<!tpu.dma_semaphore, #tpu.memory_space<semaphore_mem>>) {add = true}
      %dma_start3A_63 = arith.constant 3 : i32
      %dma_start3A_64 = arith.constant 0 : i32
      %dma_start3A_65 = tpu.memref_slice %arg7[%dma_start3A_63, %dma_start3A_64] : memref<8x80xi32, #tpu.memory_space<vmem>> -> memref<1x80xi32, #tpu.memory_space<vmem>>
      %dma_start3A_66 = tpu.memref_squeeze %dma_start3A_65 : memref<1x80xi32, #tpu.memory_space<vmem>> -> memref<80xi32, #tpu.memory_space<vmem>>
      %dma_start3A_67 = arith.constant 0 : i32
      %dma_start3A_68 = arith.constant 0 : i32
      %dma_start3A_69 = tpu.memref_slice %arg2[%dma_start3A_67, %dma_start3A_68] : memref<10000x128xf32, #tpu.memory_space<hbm>> -> memref<10000x128xf32, #tpu.memory_space<hbm>>
      tpu.enqueue_indirect_dma source(%dma_start3A_69 : memref<10000x128xf32, #tpu.memory_space<hbm>>) target(%arg12 : memref<80x128xf32, #tpu.memory_space<vmem>>) offsets(%dma_start3A_66 : memref<80xi32, #tpu.memory_space<vmem>>) semaphore(%arg17 : memref<!tpu.dma_semaphore, #tpu.memory_space<semaphore_mem>>)
      %dma_wait3A_70 = arith.constant 2 : i32
      %dma_wait3A_71 = arith.constant 0 : i32
      %dma_wait3A_72 = tpu.memref_slice %arg7[%dma_wait3A_70, %dma_wait3A_71] : memref<8x80xi32, #tpu.memory_space<vmem>> -> memref<1x80xi32, #tpu.memory_space<vmem>>
      %dma_wait3A_73 = tpu.memref_squeeze %dma_wait3A_72 : memref<1x80xi32, #tpu.memory_space<vmem>> -> memref<80xi32, #tpu.memory_space<vmem>>
      %dma_wait3A_74 = arith.constant 0 : i32
      %dma_wait3A_75 = arith.constant 0 : i32
      %dma_wait3A_76 = tpu.memref_slice %arg2[%dma_wait3A_74, %dma_wait3A_75] : memref<10000x128xf32, #tpu.memory_space<hbm>> -> memref<10000x128xf32, #tpu.memory_space<hbm>>
      tpu.wait_indirect_dma semaphore(%arg16 : memref<!tpu.dma_semaphore, #tpu.memory_space<semaphore_mem>>) src(%dma_wait3A_76 : memref<10000x128xf32, #tpu.memory_space<hbm>>) dst(%arg11 : memref<80x128xf32, #tpu.memory_space<vmem>>)
      %dma_start3A_77 = arith.constant 2 : i32
      %dma_start3A_78 = arith.constant 0 : i32
      %dma_start3A_79 = tpu.memref_slice %arg8[%dma_start3A_77, %dma_start3A_78] : memref<8x80xi32, #tpu.memory_space<vmem>> -> memref<1x80xi32, #tpu.memory_space<vmem>>
      %dma_start3A_80 = tpu.memref_squeeze %dma_start3A_79 : memref<1x80xi32, #tpu.memory_space<vmem>> -> memref<80xi32, #tpu.memory_space<vmem>>
      %dma_start3A_81 = arith.constant 0 : i32
      %dma_start3A_82 = arith.constant 0 : i32
      %dma_start3A_83 = tpu.memref_slice %arg13[%dma_start3A_81, %dma_start3A_82] : memref<10112x128xf32, #tpu.memory_space<vmem_shared>> -> memref<10112x128xf32, #tpu.memory_space<vmem_shared>>
      tpu.enqueue_indirect_dma source(%arg11 : memref<80x128xf32, #tpu.memory_space<vmem>>) target(%dma_start3A_83 : memref<10112x128xf32, #tpu.memory_space<vmem_shared>>) offsets(%dma_start3A_80 : memref<80xi32, #tpu.memory_space<vmem>>) semaphore(%arg20 : memref<!tpu.dma_semaphore, #tpu.memory_space<semaphore_mem>>) {add = true}
      %dma_wait3A_84 = arith.constant 0 : i32
      %dma_wait3A_85 = arith.constant 0 : i32
      %dma_wait3A_86 = tpu.memref_slice %arg8[%dma_wait3A_84, %dma_wait3A_85] : memref<8x80xi32, #tpu.memory_space<vmem>> -> memref<1x80xi32, #tpu.memory_space<vmem>>
      %dma_wait3A_87 = tpu.memref_squeeze %dma_wait3A_86 : memref<1x80xi32, #tpu.memory_space<vmem>> -> memref<80xi32, #tpu.memory_space<vmem>>
      %dma_wait3A_88 = arith.constant 0 : i32
      %dma_wait3A_89 = arith.constant 0 : i32
      %dma_wait3A_90 = tpu.memref_slice %arg13[%dma_wait3A_88, %dma_wait3A_89] : memref<10112x128xf32, #tpu.memory_space<vmem_shared>> -> memref<10112x128xf32, #tpu.memory_space<vmem_shared>>
      tpu.wait_indirect_dma semaphore(%arg18 : memref<!tpu.dma_semaphore, #tpu.memory_space<semaphore_mem>>) src(%arg9 : memref<80x128xf32, #tpu.memory_space<vmem>>) dst(%dma_wait3A_90 : memref<10112x128xf32, #tpu.memory_space<vmem_shared>>)
      %dma_start3A_91 = arith.constant 4 : i32
      %dma_start3A_92 = arith.constant 0 : i32
      %dma_start3A_93 = tpu.memref_slice %arg7[%dma_start3A_91, %dma_start3A_92] : memref<8x80xi32, #tpu.memory_space<vmem>> -> memref<1x80xi32, #tpu.memory_space<vmem>>
      %dma_start3A_94 = tpu.memref_squeeze %dma_start3A_93 : memref<1x80xi32, #tpu.memory_space<vmem>> -> memref<80xi32, #tpu.memory_space<vmem>>
      %dma_start3A_95 = arith.constant 0 : i32
      %dma_start3A_96 = arith.constant 0 : i32
      %dma_start3A_97 = tpu.memref_slice %arg2[%dma_start3A_95, %dma_start3A_96] : memref<10000x128xf32, #tpu.memory_space<hbm>> -> memref<10000x128xf32, #tpu.memory_space<hbm>>
      tpu.enqueue_indirect_dma source(%dma_start3A_97 : memref<10000x128xf32, #tpu.memory_space<hbm>>) target(%arg9 : memref<80x128xf32, #tpu.memory_space<vmem>>) offsets(%dma_start3A_94 : memref<80xi32, #tpu.memory_space<vmem>>) semaphore(%arg14 : memref<!tpu.dma_semaphore, #tpu.memory_space<semaphore_mem>>)
      %dma_wait3A_98 = arith.constant 3 : i32
      %dma_wait3A_99 = arith.constant 0 : i32
      %dma_wait3A_100 = tpu.memref_slice %arg7[%dma_wait3A_98, %dma_wait3A_99] : memref<8x80xi32, #tpu.memory_space<vmem>> -> memref<1x80xi32, #tpu.memory_space<vmem>>
      %dma_wait3A_101 = tpu.memref_squeeze %dma_wait3A_100 : memref<1x80xi32, #tpu.memory_space<vmem>> -> memref<80xi32, #tpu.memory_space<vmem>>
      %dma_wait3A_102 = arith.constant 0 : i32
      %dma_wait3A_103 = arith.constant 0 : i32
      %dma_wait3A_104 = tpu.memref_slice %arg2[%dma_wait3A_102, %dma_wait3A_103] : memref<10000x128xf32, #tpu.memory_space<hbm>> -> memref<10000x128xf32, #tpu.memory_space<hbm>>
      tpu.wait_indirect_dma semaphore(%arg17 : memref<!tpu.dma_semaphore, #tpu.memory_space<semaphore_mem>>) src(%dma_wait3A_104 : memref<10000x128xf32, #tpu.memory_space<hbm>>) dst(%arg12 : memref<80x128xf32, #tpu.memory_space<vmem>>)
      %dma_start3A_105 = arith.constant 3 : i32
      %dma_start3A_106 = arith.constant 0 : i32
      %dma_start3A_107 = tpu.memref_slice %arg8[%dma_start3A_105, %dma_start3A_106] : memref<8x80xi32, #tpu.memory_space<vmem>> -> memref<1x80xi32, #tpu.memory_space<vmem>>
      %dma_start3A_108 = tpu.memref_squeeze %dma_start3A_107 : memref<1x80xi32, #tpu.memory_space<vmem>> -> memref<80xi32, #tpu.memory_space<vmem>>
      %dma_start3A_109 = arith.constant 0 : i32
      %dma_start3A_110 = arith.constant 0 : i32
      %dma_start3A_111 = tpu.memref_slice %arg13[%dma_start3A_109, %dma_start3A_110] : memref<10112x128xf32, #tpu.memory_space<vmem_shared>> -> memref<10112x128xf32, #tpu.memory_space<vmem_shared>>
      tpu.enqueue_indirect_dma source(%arg12 : memref<80x128xf32, #tpu.memory_space<vmem>>) target(%dma_start3A_111 : memref<10112x128xf32, #tpu.memory_space<vmem_shared>>) offsets(%dma_start3A_108 : memref<80xi32, #tpu.memory_space<vmem>>) semaphore(%arg21 : memref<!tpu.dma_semaphore, #tpu.memory_space<semaphore_mem>>) {add = true}
      %dma_wait3A_112 = arith.constant 1 : i32
      %dma_wait3A_113 = arith.constant 0 : i32
      %dma_wait3A_114 = tpu.memref_slice %arg8[%dma_wait3A_112, %dma_wait3A_113] : memref<8x80xi32, #tpu.memory_space<vmem>> -> memref<1x80xi32, #tpu.memory_space<vmem>>
      %dma_wait3A_115 = tpu.memref_squeeze %dma_wait3A_114 : memref<1x80xi32, #tpu.memory_space<vmem>> -> memref<80xi32, #tpu.memory_space<vmem>>
      %dma_wait3A_116 = arith.constant 0 : i32
      %dma_wait3A_117 = arith.constant 0 : i32
      %dma_wait3A_118 = tpu.memref_slice %arg13[%dma_wait3A_116, %dma_wait3A_117] : memref<10112x128xf32, #tpu.memory_space<vmem_shared>> -> memref<10112x128xf32, #tpu.memory_space<vmem_shared>>
      tpu.wait_indirect_dma semaphore(%arg19 : memref<!tpu.dma_semaphore, #tpu.memory_space<semaphore_mem>>) src(%arg10 : memref<80x128xf32, #tpu.memory_space<vmem>>) dst(%dma_wait3A_118 : memref<10112x128xf32, #tpu.memory_space<vmem_shared>>)
      %dma_start3A_119 = arith.constant 5 : i32
      %dma_start3A_120 = arith.constant 0 : i32
      %dma_start3A_121 = tpu.memref_slice %arg7[%dma_start3A_119, %dma_start3A_120] : memref<8x80xi32, #tpu.memory_space<vmem>> -> memref<1x80xi32, #tpu.memory_space<vmem>>
      %dma_start3A_122 = tpu.memref_squeeze %dma_start3A_121 : memref<1x80xi32, #tpu.memory_space<vmem>> -> memref<80xi32, #tpu.memory_space<vmem>>
      %dma_start3A_123 = arith.constant 0 : i32
      %dma_start3A_124 = arith.constant 0 : i32
      %dma_start3A_125 = tpu.memref_slice %arg2[%dma_start3A_123, %dma_start3A_124] : memref<10000x128xf32, #tpu.memory_space<hbm>> -> memref<10000x128xf32, #tpu.memory_space<hbm>>
      tpu.enqueue_indirect_dma source(%dma_start3A_125 : memref<10000x128xf32, #tpu.memory_space<hbm>>) target(%arg10 : memref<80x128xf32, #tpu.memory_space<vmem>>) offsets(%dma_start3A_122 : memref<80xi32, #tpu.memory_space<vmem>>) semaphore(%arg15 : memref<!tpu.dma_semaphore, #tpu.memory_space<semaphore_mem>>)
      %dma_wait3A_126 = arith.constant 4 : i32
      %dma_wait3A_127 = arith.constant 0 : i32
      %dma_wait3A_128 = tpu.memref_slice %arg7[%dma_wait3A_126, %dma_wait3A_127] : memref<8x80xi32, #tpu.memory_space<vmem>> -> memref<1x80xi32, #tpu.memory_space<vmem>>
      %dma_wait3A_129 = tpu.memref_squeeze %dma_wait3A_128 : memref<1x80xi32, #tpu.memory_space<vmem>> -> memref<80xi32, #tpu.memory_space<vmem>>
      %dma_wait3A_130 = arith.constant 0 : i32
      %dma_wait3A_131 = arith.constant 0 : i32
      %dma_wait3A_132 = tpu.memref_slice %arg2[%dma_wait3A_130, %dma_wait3A_131] : memref<10000x128xf32, #tpu.memory_space<hbm>> -> memref<10000x128xf32, #tpu.memory_space<hbm>>
      tpu.wait_indirect_dma semaphore(%arg14 : memref<!tpu.dma_semaphore, #tpu.memory_space<semaphore_mem>>) src(%dma_wait3A_132 : memref<10000x128xf32, #tpu.memory_space<hbm>>) dst(%arg9 : memref<80x128xf32, #tpu.memory_space<vmem>>)
      %dma_start3A_133 = arith.constant 4 : i32
      %dma_start3A_134 = arith.constant 0 : i32
      %dma_start3A_135 = tpu.memref_slice %arg8[%dma_start3A_133, %dma_start3A_134] : memref<8x80xi32, #tpu.memory_space<vmem>> -> memref<1x80xi32, #tpu.memory_space<vmem>>
      %dma_start3A_136 = tpu.memref_squeeze %dma_start3A_135 : memref<1x80xi32, #tpu.memory_space<vmem>> -> memref<80xi32, #tpu.memory_space<vmem>>
      %dma_start3A_137 = arith.constant 0 : i32
      %dma_start3A_138 = arith.constant 0 : i32
      %dma_start3A_139 = tpu.memref_slice %arg13[%dma_start3A_137, %dma_start3A_138] : memref<10112x128xf32, #tpu.memory_space<vmem_shared>> -> memref<10112x128xf32, #tpu.memory_space<vmem_shared>>
      tpu.enqueue_indirect_dma source(%arg9 : memref<80x128xf32, #tpu.memory_space<vmem>>) target(%dma_start3A_139 : memref<10112x128xf32, #tpu.memory_space<vmem_shared>>) offsets(%dma_start3A_136 : memref<80xi32, #tpu.memory_space<vmem>>) semaphore(%arg18 : memref<!tpu.dma_semaphore, #tpu.memory_space<semaphore_mem>>) {add = true}
      %dma_wait3A_140 = arith.constant 2 : i32
      %dma_wait3A_141 = arith.constant 0 : i32
      %dma_wait3A_142 = tpu.memref_slice %arg8[%dma_wait3A_140, %dma_wait3A_141] : memref<8x80xi32, #tpu.memory_space<vmem>> -> memref<1x80xi32, #tpu.memory_space<vmem>>
      %dma_wait3A_143 = tpu.memref_squeeze %dma_wait3A_142 : memref<1x80xi32, #tpu.memory_space<vmem>> -> memref<80xi32, #tpu.memory_space<vmem>>
      %dma_wait3A_144 = arith.constant 0 : i32
      %dma_wait3A_145 = arith.constant 0 : i32
      %dma_wait3A_146 = tpu.memref_slice %arg13[%dma_wait3A_144, %dma_wait3A_145] : memref<10112x128xf32, #tpu.memory_space<vmem_shared>> -> memref<10112x128xf32, #tpu.memory_space<vmem_shared>>
      tpu.wait_indirect_dma semaphore(%arg20 : memref<!tpu.dma_semaphore, #tpu.memory_space<semaphore_mem>>) src(%arg11 : memref<80x128xf32, #tpu.memory_space<vmem>>) dst(%dma_wait3A_146 : memref<10112x128xf32, #tpu.memory_space<vmem_shared>>)
      %dma_start3A_147 = arith.constant 6 : i32
      %dma_start3A_148 = arith.constant 0 : i32
      %dma_start3A_149 = tpu.memref_slice %arg7[%dma_start3A_147, %dma_start3A_148] : memref<8x80xi32, #tpu.memory_space<vmem>> -> memref<1x80xi32, #tpu.memory_space<vmem>>
      %dma_start3A_150 = tpu.memref_squeeze %dma_start3A_149 : memref<1x80xi32, #tpu.memory_space<vmem>> -> memref<80xi32, #tpu.memory_space<vmem>>
      %dma_start3A_151 = arith.constant 0 : i32
      %dma_start3A_152 = arith.constant 0 : i32
      %dma_start3A_153 = tpu.memref_slice %arg2[%dma_start3A_151, %dma_start3A_152] : memref<10000x128xf32, #tpu.memory_space<hbm>> -> memref<10000x128xf32, #tpu.memory_space<hbm>>
      tpu.enqueue_indirect_dma source(%dma_start3A_153 : memref<10000x128xf32, #tpu.memory_space<hbm>>) target(%arg11 : memref<80x128xf32, #tpu.memory_space<vmem>>) offsets(%dma_start3A_150 : memref<80xi32, #tpu.memory_space<vmem>>) semaphore(%arg16 : memref<!tpu.dma_semaphore, #tpu.memory_space<semaphore_mem>>)
      %dma_wait3A_154 = arith.constant 5 : i32
      %dma_wait3A_155 = arith.constant 0 : i32
      %dma_wait3A_156 = tpu.memref_slice %arg7[%dma_wait3A_154, %dma_wait3A_155] : memref<8x80xi32, #tpu.memory_space<vmem>> -> memref<1x80xi32, #tpu.memory_space<vmem>>
      %dma_wait3A_157 = tpu.memref_squeeze %dma_wait3A_156 : memref<1x80xi32, #tpu.memory_space<vmem>> -> memref<80xi32, #tpu.memory_space<vmem>>
      %dma_wait3A_158 = arith.constant 0 : i32
      %dma_wait3A_159 = arith.constant 0 : i32
      %dma_wait3A_160 = tpu.memref_slice %arg2[%dma_wait3A_158, %dma_wait3A_159] : memref<10000x128xf32, #tpu.memory_space<hbm>> -> memref<10000x128xf32, #tpu.memory_space<hbm>>
      tpu.wait_indirect_dma semaphore(%arg15 : memref<!tpu.dma_semaphore, #tpu.memory_space<semaphore_mem>>) src(%dma_wait3A_160 : memref<10000x128xf32, #tpu.memory_space<hbm>>) dst(%arg10 : memref<80x128xf32, #tpu.memory_space<vmem>>)
      %dma_start3A_161 = arith.constant 5 : i32
      %dma_start3A_162 = arith.constant 0 : i32
      %dma_start3A_163 = tpu.memref_slice %arg8[%dma_start3A_161, %dma_start3A_162] : memref<8x80xi32, #tpu.memory_space<vmem>> -> memref<1x80xi32, #tpu.memory_space<vmem>>
      %dma_start3A_164 = tpu.memref_squeeze %dma_start3A_163 : memref<1x80xi32, #tpu.memory_space<vmem>> -> memref<80xi32, #tpu.memory_space<vmem>>
      %dma_start3A_165 = arith.constant 0 : i32
      %dma_start3A_166 = arith.constant 0 : i32
      %dma_start3A_167 = tpu.memref_slice %arg13[%dma_start3A_165, %dma_start3A_166] : memref<10112x128xf32, #tpu.memory_space<vmem_shared>> -> memref<10112x128xf32, #tpu.memory_space<vmem_shared>>
      tpu.enqueue_indirect_dma source(%arg10 : memref<80x128xf32, #tpu.memory_space<vmem>>) target(%dma_start3A_167 : memref<10112x128xf32, #tpu.memory_space<vmem_shared>>) offsets(%dma_start3A_164 : memref<80xi32, #tpu.memory_space<vmem>>) semaphore(%arg19 : memref<!tpu.dma_semaphore, #tpu.memory_space<semaphore_mem>>) {add = true}
      %dma_wait3A_168 = arith.constant 3 : i32
      %dma_wait3A_169 = arith.constant 0 : i32
      %dma_wait3A_170 = tpu.memref_slice %arg8[%dma_wait3A_168, %dma_wait3A_169] : memref<8x80xi32, #tpu.memory_space<vmem>> -> memref<1x80xi32, #tpu.memory_space<vmem>>
      %dma_wait3A_171 = tpu.memref_squeeze %dma_wait3A_170 : memref<1x80xi32, #tpu.memory_space<vmem>> -> memref<80xi32, #tpu.memory_space<vmem>>
      %dma_wait3A_172 = arith.constant 0 : i32
      %dma_wait3A_173 = arith.constant 0 : i32
      %dma_wait3A_174 = tpu.memref_slice %arg13[%dma_wait3A_172, %dma_wait3A_173] : memref<10112x128xf32, #tpu.memory_space<vmem_shared>> -> memref<10112x128xf32, #tpu.memory_space<vmem_shared>>
      tpu.wait_indirect_dma semaphore(%arg21 : memref<!tpu.dma_semaphore, #tpu.memory_space<semaphore_mem>>) src(%arg12 : memref<80x128xf32, #tpu.memory_space<vmem>>) dst(%dma_wait3A_174 : memref<10112x128xf32, #tpu.memory_space<vmem_shared>>)
      %dma_start3A_175 = arith.constant 7 : i32
      %dma_start3A_176 = arith.constant 0 : i32
      %dma_start3A_177 = tpu.memref_slice %arg7[%dma_start3A_175, %dma_start3A_176] : memref<8x80xi32, #tpu.memory_space<vmem>> -> memref<1x80xi32, #tpu.memory_space<vmem>>
      %dma_start3A_178 = tpu.memref_squeeze %dma_start3A_177 : memref<1x80xi32, #tpu.memory_space<vmem>> -> memref<80xi32, #tpu.memory_space<vmem>>
      %dma_start3A_179 = arith.constant 0 : i32
      %dma_start3A_180 = arith.constant 0 : i32
      %dma_start3A_181 = tpu.memref_slice %arg2[%dma_start3A_179, %dma_start3A_180] : memref<10000x128xf32, #tpu.memory_space<hbm>> -> memref<10000x128xf32, #tpu.memory_space<hbm>>
      tpu.enqueue_indirect_dma source(%dma_start3A_181 : memref<10000x128xf32, #tpu.memory_space<hbm>>) target(%arg12 : memref<80x128xf32, #tpu.memory_space<vmem>>) offsets(%dma_start3A_178 : memref<80xi32, #tpu.memory_space<vmem>>) semaphore(%arg17 : memref<!tpu.dma_semaphore, #tpu.memory_space<semaphore_mem>>)
      %dma_wait3A_182 = arith.constant 6 : i32
      %dma_wait3A_183 = arith.constant 0 : i32
      %dma_wait3A_184 = tpu.memref_slice %arg7[%dma_wait3A_182, %dma_wait3A_183] : memref<8x80xi32, #tpu.memory_space<vmem>> -> memref<1x80xi32, #tpu.memory_space<vmem>>
      %dma_wait3A_185 = tpu.memref_squeeze %dma_wait3A_184 : memref<1x80xi32, #tpu.memory_space<vmem>> -> memref<80xi32, #tpu.memory_space<vmem>>
      %dma_wait3A_186 = arith.constant 0 : i32
      %dma_wait3A_187 = arith.constant 0 : i32
      %dma_wait3A_188 = tpu.memref_slice %arg2[%dma_wait3A_186, %dma_wait3A_187] : memref<10000x128xf32, #tpu.memory_space<hbm>> -> memref<10000x128xf32, #tpu.memory_space<hbm>>
      tpu.wait_indirect_dma semaphore(%arg16 : memref<!tpu.dma_semaphore, #tpu.memory_space<semaphore_mem>>) src(%dma_wait3A_188 : memref<10000x128xf32, #tpu.memory_space<hbm>>) dst(%arg11 : memref<80x128xf32, #tpu.memory_space<vmem>>)
      %dma_start3A_189 = arith.constant 6 : i32
      %dma_start3A_190 = arith.constant 0 : i32
      %dma_start3A_191 = tpu.memref_slice %arg8[%dma_start3A_189, %dma_start3A_190] : memref<8x80xi32, #tpu.memory_space<vmem>> -> memref<1x80xi32, #tpu.memory_space<vmem>>
      %dma_start3A_192 = tpu.memref_squeeze %dma_start3A_191 : memref<1x80xi32, #tpu.memory_space<vmem>> -> memref<80xi32, #tpu.memory_space<vmem>>
      %dma_start3A_193 = arith.constant 0 : i32
      %dma_start3A_194 = arith.constant 0 : i32
      %dma_start3A_195 = tpu.memref_slice %arg13[%dma_start3A_193, %dma_start3A_194] : memref<10112x128xf32, #tpu.memory_space<vmem_shared>> -> memref<10112x128xf32, #tpu.memory_space<vmem_shared>>
      tpu.enqueue_indirect_dma source(%arg11 : memref<80x128xf32, #tpu.memory_space<vmem>>) target(%dma_start3A_195 : memref<10112x128xf32, #tpu.memory_space<vmem_shared>>) offsets(%dma_start3A_192 : memref<80xi32, #tpu.memory_space<vmem>>) semaphore(%arg20 : memref<!tpu.dma_semaphore, #tpu.memory_space<semaphore_mem>>) {add = true}
      %dma_wait3A_196 = arith.constant 7 : i32
      %dma_wait3A_197 = arith.constant 0 : i32
      %dma_wait3A_198 = tpu.memref_slice %arg7[%dma_wait3A_196, %dma_wait3A_197] : memref<8x80xi32, #tpu.memory_space<vmem>> -> memref<1x80xi32, #tpu.memory_space<vmem>>
      %dma_wait3A_199 = tpu.memref_squeeze %dma_wait3A_198 : memref<1x80xi32, #tpu.memory_space<vmem>> -> memref<80xi32, #tpu.memory_space<vmem>>
      %dma_wait3A_200 = arith.constant 0 : i32
      %dma_wait3A_201 = arith.constant 0 : i32
      %dma_wait3A_202 = tpu.memref_slice %arg2[%dma_wait3A_200, %dma_wait3A_201] : memref<10000x128xf32, #tpu.memory_space<hbm>> -> memref<10000x128xf32, #tpu.memory_space<hbm>>
      tpu.wait_indirect_dma semaphore(%arg17 : memref<!tpu.dma_semaphore, #tpu.memory_space<semaphore_mem>>) src(%dma_wait3A_202 : memref<10000x128xf32, #tpu.memory_space<hbm>>) dst(%arg12 : memref<80x128xf32, #tpu.memory_space<vmem>>)
      %dma_start3A_203 = arith.constant 7 : i32
      %dma_start3A_204 = arith.constant 0 : i32
      %dma_start3A_205 = tpu.memref_slice %arg8[%dma_start3A_203, %dma_start3A_204] : memref<8x80xi32, #tpu.memory_space<vmem>> -> memref<1x80xi32, #tpu.memory_space<vmem>>
      %dma_start3A_206 = tpu.memref_squeeze %dma_start3A_205 : memref<1x80xi32, #tpu.memory_space<vmem>> -> memref<80xi32, #tpu.memory_space<vmem>>
      %dma_start3A_207 = arith.constant 0 : i32
      %dma_start3A_208 = arith.constant 0 : i32
      %dma_start3A_209 = tpu.memref_slice %arg13[%dma_start3A_207, %dma_start3A_208] : memref<10112x128xf32, #tpu.memory_space<vmem_shared>> -> memref<10112x128xf32, #tpu.memory_space<vmem_shared>>
      tpu.enqueue_indirect_dma source(%arg12 : memref<80x128xf32, #tpu.memory_space<vmem>>) target(%dma_start3A_209 : memref<10112x128xf32, #tpu.memory_space<vmem_shared>>) offsets(%dma_start3A_206 : memref<80xi32, #tpu.memory_space<vmem>>) semaphore(%arg21 : memref<!tpu.dma_semaphore, #tpu.memory_space<semaphore_mem>>) {add = true}
      %dma_wait3A_210 = arith.constant 4 : i32
      %dma_wait3A_211 = arith.constant 0 : i32
      %dma_wait3A_212 = tpu.memref_slice %arg8[%dma_wait3A_210, %dma_wait3A_211] : memref<8x80xi32, #tpu.memory_space<vmem>> -> memref<1x80xi32, #tpu.memory_space<vmem>>
      %dma_wait3A_213 = tpu.memref_squeeze %dma_wait3A_212 : memref<1x80xi32, #tpu.memory_space<vmem>> -> memref<80xi32, #tpu.memory_space<vmem>>
      %dma_wait3A_214 = arith.constant 0 : i32
      %dma_wait3A_215 = arith.constant 0 : i32
      %dma_wait3A_216 = tpu.memref_slice %arg13[%dma_wait3A_214, %dma_wait3A_215] : memref<10112x128xf32, #tpu.memory_space<vmem_shared>> -> memref<10112x128xf32, #tpu.memory_space<vmem_shared>>
      tpu.wait_indirect_dma semaphore(%arg18 : memref<!tpu.dma_semaphore, #tpu.memory_space<semaphore_mem>>) src(%arg9 : memref<80x128xf32, #tpu.memory_space<vmem>>) dst(%dma_wait3A_216 : memref<10112x128xf32, #tpu.memory_space<vmem_shared>>)
      %dma_wait3A_217 = arith.constant 5 : i32
      %dma_wait3A_218 = arith.constant 0 : i32
      %dma_wait3A_219 = tpu.memref_slice %arg8[%dma_wait3A_217, %dma_wait3A_218] : memref<8x80xi32, #tpu.memory_space<vmem>> -> memref<1x80xi32, #tpu.memory_space<vmem>>
      %dma_wait3A_220 = tpu.memref_squeeze %dma_wait3A_219 : memref<1x80xi32, #tpu.memory_space<vmem>> -> memref<80xi32, #tpu.memory_space<vmem>>
      %dma_wait3A_221 = arith.constant 0 : i32
      %dma_wait3A_222 = arith.constant 0 : i32
      %dma_wait3A_223 = tpu.memref_slice %arg13[%dma_wait3A_221, %dma_wait3A_222] : memref<10112x128xf32, #tpu.memory_space<vmem_shared>> -> memref<10112x128xf32, #tpu.memory_space<vmem_shared>>
      tpu.wait_indirect_dma semaphore(%arg19 : memref<!tpu.dma_semaphore, #tpu.memory_space<semaphore_mem>>) src(%arg10 : memref<80x128xf32, #tpu.memory_space<vmem>>) dst(%dma_wait3A_223 : memref<10112x128xf32, #tpu.memory_space<vmem_shared>>)
      %dma_wait3A_224 = arith.constant 6 : i32
      %dma_wait3A_225 = arith.constant 0 : i32
      %dma_wait3A_226 = tpu.memref_slice %arg8[%dma_wait3A_224, %dma_wait3A_225] : memref<8x80xi32, #tpu.memory_space<vmem>> -> memref<1x80xi32, #tpu.memory_space<vmem>>
      %dma_wait3A_227 = tpu.memref_squeeze %dma_wait3A_226 : memref<1x80xi32, #tpu.memory_space<vmem>> -> memref<80xi32, #tpu.memory_space<vmem>>
      %dma_wait3A_228 = arith.constant 0 : i32
      %dma_wait3A_229 = arith.constant 0 : i32
      %dma_wait3A_230 = tpu.memref_slice %arg13[%dma_wait3A_228, %dma_wait3A_229] : memref<10112x128xf32, #tpu.memory_space<vmem_shared>> -> memref<10112x128xf32, #tpu.memory_space<vmem_shared>>
      tpu.wait_indirect_dma semaphore(%arg20 : memref<!tpu.dma_semaphore, #tpu.memory_space<semaphore_mem>>) src(%arg11 : memref<80x128xf32, #tpu.memory_space<vmem>>) dst(%dma_wait3A_230 : memref<10112x128xf32, #tpu.memory_space<vmem_shared>>)
      %dma_wait3A_231 = arith.constant 7 : i32
      %dma_wait3A_232 = arith.constant 0 : i32
      %dma_wait3A_233 = tpu.memref_slice %arg8[%dma_wait3A_231, %dma_wait3A_232] : memref<8x80xi32, #tpu.memory_space<vmem>> -> memref<1x80xi32, #tpu.memory_space<vmem>>
      %dma_wait3A_234 = tpu.memref_squeeze %dma_wait3A_233 : memref<1x80xi32, #tpu.memory_space<vmem>> -> memref<80xi32, #tpu.memory_space<vmem>>
      %dma_wait3A_235 = arith.constant 0 : i32
      %dma_wait3A_236 = arith.constant 0 : i32
      %dma_wait3A_237 = tpu.memref_slice %arg13[%dma_wait3A_235, %dma_wait3A_236] : memref<10112x128xf32, #tpu.memory_space<vmem_shared>> -> memref<10112x128xf32, #tpu.memory_space<vmem_shared>>
      tpu.wait_indirect_dma semaphore(%arg21 : memref<!tpu.dma_semaphore, #tpu.memory_space<semaphore_mem>>) src(%arg12 : memref<80x128xf32, #tpu.memory_space<vmem>>) dst(%dma_wait3A_237 : memref<10112x128xf32, #tpu.memory_space<vmem_shared>>)
    }
    %scan3A_7 = arith.constant 16 : i32
    %barrier3A_8 = arith.constant 0 : index
    tpu.barrier barrier_id(%barrier3A_8)
    %mul3A_9 = arith.constant 632 : i32
    %mul3A_10 = arith.muli %arg1, %mul3A_9 : i32
    %mul3A_11 = arith.constant 632 : i32
    %mul3A_12 = arith.muli %arg1, %mul3A_11 : i32
    "tpu.region"() ({
      %run_scoped3A = tpu.sem_alloc : memref<!tpu.dma_semaphore, #tpu.memory_space<semaphore_mem>>
      %dma_start3A = arith.constant 0 : i32
      %dma_start3A_13 = tpu.memref_slice %arg6[%arg0, %mul3A_12, %dma_start3A] : memref<2x10112x128xf32, #tpu.memory_space<hbm>> -> memref<1x632x128xf32, #tpu.memory_space<hbm>>
      %dma_start3A_14 = tpu.memref_squeeze %dma_start3A_13 : memref<1x632x128xf32, #tpu.memory_space<hbm>> -> memref<632x128xf32, #tpu.memory_space<hbm>>
      %dma_start3A_15 = arith.constant 0 : i32
      %dma_start3A_16 = tpu.memref_slice %arg13[%mul3A_10, %dma_start3A_15] : memref<10112x128xf32, #tpu.memory_space<vmem_shared>> -> memref<632x128xf32, #tpu.memory_space<vmem_shared>>
      tpu.enqueue_dma source(%dma_start3A_16 : memref<632x128xf32, #tpu.memory_space<vmem_shared>>) target(%dma_start3A_14 : memref<632x128xf32, #tpu.memory_space<hbm>>) target_semaphore(%run_scoped3A : memref<!tpu.dma_semaphore, #tpu.memory_space<semaphore_mem>>)
      %dma_wait3A = arith.constant 0 : i32
      %dma_wait3A_17 = tpu.memref_slice %arg6[%arg0, %mul3A_12, %dma_wait3A] : memref<2x10112x128xf32, #tpu.memory_space<hbm>> -> memref<1x632x128xf32, #tpu.memory_space<hbm>>
      %dma_wait3A_18 = tpu.memref_squeeze %dma_wait3A_17 : memref<1x632x128xf32, #tpu.memory_space<hbm>> -> memref<632x128xf32, #tpu.memory_space<hbm>>
      %dma_wait3A_19 = arith.constant 0 : i32
      %dma_wait3A_20 = tpu.memref_slice %arg13[%mul3A_10, %dma_wait3A_19] : memref<10112x128xf32, #tpu.memory_space<vmem_shared>> -> memref<632x128xf32, #tpu.memory_space<vmem_shared>>
      tpu.wait_dma2 semaphore(%run_scoped3A : memref<!tpu.dma_semaphore, #tpu.memory_space<semaphore_mem>>) src(%dma_wait3A_20 : memref<632x128xf32, #tpu.memory_space<vmem_shared>>) dst(%dma_wait3A_18 : memref<632x128xf32, #tpu.memory_space<hbm>>)
      tpu.yield
    }) : () -> ()
    return
  }
}

#map = affine_map<(d0, d1) -> (0, 0, 0)>
#map1 = affine_map<(d0, d1) -> (0, 0)>
module attributes {stable_mosaic.version = 14 : i64} {
  func.func @body(%arg0: i32, %arg1: i32, %arg2: memref<32x128x80xi32, #tpu.memory_space<hbm>>, %arg3: memref<632x128xf32, #tpu.memory_space<hbm>>, %arg4: memref<80x128xf32, #tpu.memory_space<hbm>>, %arg5: memref<2x10112x128xf32, #tpu.memory_space<hbm>>, %arg6: memref<128x80xi32, #tpu.memory_space<vmem>>, %arg7: memref<80x128xf32, #tpu.memory_space<vmem>>, %arg8: memref<10112x128xf32, #tpu.memory_space<vmem_shared>>) attributes {dimension_semantics = [#tpu.dimension_semantics<core_parallel>, #tpu.dimension_semantics<subcore_parallel>], iteration_bounds = array<i64: 2, 16>, scalar_prefetch = 0 : i64, scratch_operands = 3 : i64, tpu.core_type = #tpu.core_type<sc_vector_subcore>, window_params = [{transform_indices = #map}, {transform_indices = #map1}, {transform_indices = #map1}, {transform_indices = #map}]} {
    %mul3A = arith.constant 16 : i32
    %mul3A_0 = arith.muli %arg0, %mul3A : i32
    %add3A = arith.addi %mul3A_0, %arg1 : i32
    "tpu.region"() ({
      %run_scoped3A = tpu.sem_alloc : memref<!tpu.dma_semaphore, #tpu.memory_space<semaphore_mem>>
      %dma_start3A = arith.constant 0 : i32
      %dma_start3A_13 = arith.constant 0 : i32
      %dma_start3A_14 = tpu.memref_slice %arg2[%add3A, %dma_start3A, %dma_start3A_13] : memref<32x128x80xi32, #tpu.memory_space<hbm>> -> memref<1x128x80xi32, #tpu.memory_space<hbm>>
      %dma_start3A_15 = tpu.memref_squeeze %dma_start3A_14 : memref<1x128x80xi32, #tpu.memory_space<hbm>> -> memref<128x80xi32, #tpu.memory_space<hbm>>
      %dma_start3A_16 = arith.constant 0 : i32
      %dma_start3A_17 = arith.constant 0 : i32
      %dma_start3A_18 = tpu.memref_slice %arg2[%add3A, %dma_start3A_16, %dma_start3A_17] : memref<32x128x80xi32, #tpu.memory_space<hbm>> -> memref<1x128x80xi32, #tpu.memory_space<hbm>>
      %dma_start3A_19 = tpu.memref_squeeze %dma_start3A_18 : memref<1x128x80xi32, #tpu.memory_space<hbm>> -> memref<128x80xi32, #tpu.memory_space<hbm>>
      tpu.enqueue_dma source(%dma_start3A_19 : memref<128x80xi32, #tpu.memory_space<hbm>>) target(%arg6 : memref<128x80xi32, #tpu.memory_space<vmem>>) target_semaphore(%run_scoped3A : memref<!tpu.dma_semaphore, #tpu.memory_space<semaphore_mem>>)
      %dma_wait3A = arith.constant 0 : i32
      %dma_wait3A_20 = arith.constant 0 : i32
      %dma_wait3A_21 = tpu.memref_slice %arg2[%add3A, %dma_wait3A, %dma_wait3A_20] : memref<32x128x80xi32, #tpu.memory_space<hbm>> -> memref<1x128x80xi32, #tpu.memory_space<hbm>>
      %dma_wait3A_22 = tpu.memref_squeeze %dma_wait3A_21 : memref<1x128x80xi32, #tpu.memory_space<hbm>> -> memref<128x80xi32, #tpu.memory_space<hbm>>
      %dma_wait3A_23 = arith.constant 0 : i32
      %dma_wait3A_24 = arith.constant 0 : i32
      %dma_wait3A_25 = tpu.memref_slice %arg2[%add3A, %dma_wait3A_23, %dma_wait3A_24] : memref<32x128x80xi32, #tpu.memory_space<hbm>> -> memref<1x128x80xi32, #tpu.memory_space<hbm>>
      %dma_wait3A_26 = tpu.memref_squeeze %dma_wait3A_25 : memref<1x128x80xi32, #tpu.memory_space<hbm>> -> memref<128x80xi32, #tpu.memory_space<hbm>>
      tpu.wait_dma2 semaphore(%run_scoped3A : memref<!tpu.dma_semaphore, #tpu.memory_space<semaphore_mem>>) src(%dma_wait3A_26 : memref<128x80xi32, #tpu.memory_space<hbm>>) dst(%arg6 : memref<128x80xi32, #tpu.memory_space<vmem>>)
      tpu.yield
    }) : () -> ()
    "tpu.region"() ({
      %run_scoped3A = tpu.sem_alloc : memref<!tpu.dma_semaphore, #tpu.memory_space<semaphore_mem>>
      tpu.enqueue_dma source(%arg4 : memref<80x128xf32, #tpu.memory_space<hbm>>) target(%arg7 : memref<80x128xf32, #tpu.memory_space<vmem>>) target_semaphore(%run_scoped3A : memref<!tpu.dma_semaphore, #tpu.memory_space<semaphore_mem>>)
      tpu.wait_dma2 semaphore(%run_scoped3A : memref<!tpu.dma_semaphore, #tpu.memory_space<semaphore_mem>>) src(%arg4 : memref<80x128xf32, #tpu.memory_space<hbm>>) dst(%arg7 : memref<80x128xf32, #tpu.memory_space<vmem>>)
      tpu.yield
    }) : () -> ()
    %mul3A_1 = arith.constant 632 : i32
    %mul3A_2 = arith.muli %arg1, %mul3A_1 : i32
    "tpu.region"() ({
      %run_scoped3A = tpu.sem_alloc : memref<!tpu.dma_semaphore, #tpu.memory_space<semaphore_mem>>
      %dma_start3A = arith.constant 0 : i32
      %dma_start3A_13 = tpu.memref_slice %arg8[%mul3A_2, %dma_start3A] : memref<10112x128xf32, #tpu.memory_space<vmem_shared>> -> memref<632x128xf32, #tpu.memory_space<vmem_shared>>
      tpu.enqueue_dma source(%arg3 : memref<632x128xf32, #tpu.memory_space<hbm>>) target(%dma_start3A_13 : memref<632x128xf32, #tpu.memory_space<vmem_shared>>) target_semaphore(%run_scoped3A : memref<!tpu.dma_semaphore, #tpu.memory_space<semaphore_mem>>)
      %dma_wait3A = arith.constant 0 : i32
      %dma_wait3A_14 = tpu.memref_slice %arg8[%mul3A_2, %dma_wait3A] : memref<10112x128xf32, #tpu.memory_space<vmem_shared>> -> memref<632x128xf32, #tpu.memory_space<vmem_shared>>
      tpu.wait_dma2 semaphore(%run_scoped3A : memref<!tpu.dma_semaphore, #tpu.memory_space<semaphore_mem>>) src(%arg3 : memref<632x128xf32, #tpu.memory_space<hbm>>) dst(%dma_wait3A_14 : memref<632x128xf32, #tpu.memory_space<vmem_shared>>)
      tpu.yield
    }) : () -> ()
    %barrier3A = arith.constant 0 : index
    tpu.barrier barrier_id(%barrier3A)
    %scan3A = arith.constant 0 : i32
    %scan3A_3 = arith.constant 0 : i32
    %scan3A_4 = arith.constant 128 : i32
    %scan3A_5 = arith.addi %scan3A_3, %scan3A_4 : i32
    %scan3A_6 = arith.constant 1 : i32
    scf.for %scan3A_13 = %scan3A_3 to %scan3A_5 step %scan3A_6  : i32 {
      "tpu.region"() ({
        %run_scoped3A = tpu.sem_alloc : memref<!tpu.dma_semaphore, #tpu.memory_space<semaphore_mem>>
        %dma_start3A = arith.constant 0 : i32
        %dma_start3A_14 = tpu.memref_slice %arg6[%scan3A_13, %dma_start3A] : memref<128x80xi32, #tpu.memory_space<vmem>> -> memref<1x80xi32, #tpu.memory_space<vmem>>
        %dma_start3A_15 = tpu.memref_squeeze %dma_start3A_14 : memref<1x80xi32, #tpu.memory_space<vmem>> -> memref<80xi32, #tpu.memory_space<vmem>>
        %dma_start3A_16 = arith.constant 0 : i32
        %dma_start3A_17 = arith.constant 0 : i32
        %dma_start3A_18 = tpu.memref_slice %arg8[%dma_start3A_16, %dma_start3A_17] : memref<10112x128xf32, #tpu.memory_space<vmem_shared>> -> memref<10112x128xf32, #tpu.memory_space<vmem_shared>>
        tpu.enqueue_indirect_dma source(%arg7 : memref<80x128xf32, #tpu.memory_space<vmem>>) target(%dma_start3A_18 : memref<10112x128xf32, #tpu.memory_space<vmem_shared>>) offsets(%dma_start3A_15 : memref<80xi32, #tpu.memory_space<vmem>>) semaphore(%run_scoped3A : memref<!tpu.dma_semaphore, #tpu.memory_space<semaphore_mem>>) {add = true}
        %dma_wait3A = arith.constant 0 : i32
        %dma_wait3A_19 = tpu.memref_slice %arg6[%scan3A_13, %dma_wait3A] : memref<128x80xi32, #tpu.memory_space<vmem>> -> memref<1x80xi32, #tpu.memory_space<vmem>>
        %dma_wait3A_20 = tpu.memref_squeeze %dma_wait3A_19 : memref<1x80xi32, #tpu.memory_space<vmem>> -> memref<80xi32, #tpu.memory_space<vmem>>
        %dma_wait3A_21 = arith.constant 0 : i32
        %dma_wait3A_22 = arith.constant 0 : i32
        %dma_wait3A_23 = tpu.memref_slice %arg8[%dma_wait3A_21, %dma_wait3A_22] : memref<10112x128xf32, #tpu.memory_space<vmem_shared>> -> memref<10112x128xf32, #tpu.memory_space<vmem_shared>>
        tpu.wait_indirect_dma semaphore(%run_scoped3A : memref<!tpu.dma_semaphore, #tpu.memory_space<semaphore_mem>>) src(%arg7 : memref<80x128xf32, #tpu.memory_space<vmem>>) dst(%dma_wait3A_23 : memref<10112x128xf32, #tpu.memory_space<vmem_shared>>)
        tpu.yield
      }) : () -> ()
    }
    %scan3A_7 = arith.constant 128 : i32
    %barrier3A_8 = arith.constant 0 : index
    tpu.barrier barrier_id(%barrier3A_8)
    %mul3A_9 = arith.constant 632 : i32
    %mul3A_10 = arith.muli %arg1, %mul3A_9 : i32
    %mul3A_11 = arith.constant 632 : i32
    %mul3A_12 = arith.muli %arg1, %mul3A_11 : i32
    "tpu.region"() ({
      %run_scoped3A = tpu.sem_alloc : memref<!tpu.dma_semaphore, #tpu.memory_space<semaphore_mem>>
      %dma_start3A = arith.constant 0 : i32
      %dma_start3A_13 = tpu.memref_slice %arg5[%arg0, %mul3A_12, %dma_start3A] : memref<2x10112x128xf32, #tpu.memory_space<hbm>> -> memref<1x632x128xf32, #tpu.memory_space<hbm>>
      %dma_start3A_14 = tpu.memref_squeeze %dma_start3A_13 : memref<1x632x128xf32, #tpu.memory_space<hbm>> -> memref<632x128xf32, #tpu.memory_space<hbm>>
      %dma_start3A_15 = arith.constant 0 : i32
      %dma_start3A_16 = tpu.memref_slice %arg8[%mul3A_10, %dma_start3A_15] : memref<10112x128xf32, #tpu.memory_space<vmem_shared>> -> memref<632x128xf32, #tpu.memory_space<vmem_shared>>
      tpu.enqueue_dma source(%dma_start3A_16 : memref<632x128xf32, #tpu.memory_space<vmem_shared>>) target(%dma_start3A_14 : memref<632x128xf32, #tpu.memory_space<hbm>>) target_semaphore(%run_scoped3A : memref<!tpu.dma_semaphore, #tpu.memory_space<semaphore_mem>>)
      %dma_wait3A = arith.constant 0 : i32
      %dma_wait3A_17 = tpu.memref_slice %arg5[%arg0, %mul3A_12, %dma_wait3A] : memref<2x10112x128xf32, #tpu.memory_space<hbm>> -> memref<1x632x128xf32, #tpu.memory_space<hbm>>
      %dma_wait3A_18 = tpu.memref_squeeze %dma_wait3A_17 : memref<1x632x128xf32, #tpu.memory_space<hbm>> -> memref<632x128xf32, #tpu.memory_space<hbm>>
      %dma_wait3A_19 = arith.constant 0 : i32
      %dma_wait3A_20 = tpu.memref_slice %arg8[%mul3A_10, %dma_wait3A_19] : memref<10112x128xf32, #tpu.memory_space<vmem_shared>> -> memref<632x128xf32, #tpu.memory_space<vmem_shared>>
      tpu.wait_dma2 semaphore(%run_scoped3A : memref<!tpu.dma_semaphore, #tpu.memory_space<semaphore_mem>>) src(%dma_wait3A_20 : memref<632x128xf32, #tpu.memory_space<vmem_shared>>) dst(%dma_wait3A_18 : memref<632x128xf32, #tpu.memory_space<hbm>>)
      tpu.yield
    }) : () -> ()
    return
  }
}

#map = affine_map<(d0, d1) -> (0, 0)>
#map1 = affine_map<(d0, d1) -> (0, 0, 0)>
module attributes {stable_mosaic.version = 14 : i64} {
  func.func @body(%arg0: i32, %arg1: i32, %arg2: memref<10000x128xf32, #tpu.memory_space<hbm>>, %arg3: memref<32x128x80xi32, #tpu.memory_space<hbm>>, %arg4: memref<32x128x80xi32, #tpu.memory_space<hbm>>, %arg5: memref<632x128xf32, #tpu.memory_space<hbm>>, %arg6: memref<2x10112x128xf32, #tpu.memory_space<hbm>>, %arg7: memref<8x80xi32, #tpu.memory_space<vmem>>, %arg8: memref<8x80xi32, #tpu.memory_space<vmem>>, %arg9: memref<80x128xf32, #tpu.memory_space<vmem>>, %arg10: memref<80x128xf32, #tpu.memory_space<vmem>>, %arg11: memref<80x128xf32, #tpu.memory_space<vmem>>, %arg12: memref<80x128xf32, #tpu.memory_space<vmem>>, %arg13: memref<10112x128xf32, #tpu.memory_space<vmem_shared>>, %arg14: memref<!tpu.dma_semaphore, #tpu.memory_space<semaphore_mem>>, %arg15: memref<!tpu.dma_semaphore, #tpu.memory_space<semaphore_mem>>, %arg16: memref<!tpu.dma_semaphore, #tpu.memory_space<semaphore_mem>>, %arg17: memref<!tpu.dma_semaphore, #tpu.memory_space<semaphore_mem>>, %arg18: memref<!tpu.dma_semaphore, #tpu.memory_space<semaphore_mem>>, %arg19: memref<!tpu.dma_semaphore, #tpu.memory_space<semaphore_mem>>, %arg20: memref<!tpu.dma_semaphore, #tpu.memory_space<semaphore_mem>>, %arg21: memref<!tpu.dma_semaphore, #tpu.memory_space<semaphore_mem>>) attributes {dimension_semantics = [#tpu.dimension_semantics<core_parallel>, #tpu.dimension_semantics<subcore_parallel>], iteration_bounds = array<i64: 2, 16>, scalar_prefetch = 0 : i64, scratch_operands = 15 : i64, tpu.core_type = #tpu.core_type<sc_vector_subcore>, window_params = [{transform_indices = #map}, {transform_indices = #map1}, {transform_indices = #map1}, {transform_indices = #map}, {transform_indices = #map1}]} {
    %mul3A = arith.constant 16 : i32
    %mul3A_0 = arith.muli %arg0, %mul3A : i32
    %add3A = arith.addi %mul3A_0, %arg1 : i32
    %mul3A_1 = arith.constant 632 : i32
    %mul3A_2 = arith.muli %arg1, %mul3A_1 : i32
    "tpu.region"() ({
      %run_scoped3A = tpu.sem_alloc : memref<!tpu.dma_semaphore, #tpu.memory_space<semaphore_mem>>
      %dma_start3A = arith.constant 0 : i32
      %dma_start3A_13 = tpu.memref_slice %arg13[%mul3A_2, %dma_start3A] : memref<10112x128xf32, #tpu.memory_space<vmem_shared>> -> memref<632x128xf32, #tpu.memory_space<vmem_shared>>
      tpu.enqueue_dma source(%arg5 : memref<632x128xf32, #tpu.memory_space<hbm>>) target(%dma_start3A_13 : memref<632x128xf32, #tpu.memory_space<vmem_shared>>) target_semaphore(%run_scoped3A : memref<!tpu.dma_semaphore, #tpu.memory_space<semaphore_mem>>)
      %dma_wait3A = arith.constant 0 : i32
      %dma_wait3A_14 = tpu.memref_slice %arg13[%mul3A_2, %dma_wait3A] : memref<10112x128xf32, #tpu.memory_space<vmem_shared>> -> memref<632x128xf32, #tpu.memory_space<vmem_shared>>
      tpu.wait_dma2 semaphore(%run_scoped3A : memref<!tpu.dma_semaphore, #tpu.memory_space<semaphore_mem>>) src(%arg5 : memref<632x128xf32, #tpu.memory_space<hbm>>) dst(%dma_wait3A_14 : memref<632x128xf32, #tpu.memory_space<vmem_shared>>)
      tpu.yield
    }) : () -> ()
    %barrier3A = arith.constant 0 : index
    tpu.barrier barrier_id(%barrier3A)
    %scan3A = arith.constant 0 : i32
    %scan3A_3 = arith.constant 0 : i32
    %scan3A_4 = arith.constant 16 : i32
    %scan3A_5 = arith.addi %scan3A_3, %scan3A_4 : i32
    %scan3A_6 = arith.constant 1 : i32
    scf.for %scan3A_13 = %scan3A_3 to %scan3A_5 step %scan3A_6  : i32 {
      %mul3A_14 = arith.constant 8 : i32
      %mul3A_15 = arith.muli %scan3A_13, %mul3A_14 : i32
      %multiple_of3A = tpu.assume_multiple %mul3A_15, 8 : i32
      "tpu.region"() ({
        %run_scoped3A = tpu.sem_alloc : memref<!tpu.dma_semaphore, #tpu.memory_space<semaphore_mem>>
        %dma_start3A_238 = arith.constant 0 : i32
        %dma_start3A_239 = tpu.memref_slice %arg3[%add3A, %multiple_of3A, %dma_start3A_238] : memref<32x128x80xi32, #tpu.memory_space<hbm>> -> memref<1x8x80xi32, #tpu.memory_space<hbm>>
        %dma_start3A_240 = tpu.memref_squeeze %dma_start3A_239 : memref<1x8x80xi32, #tpu.memory_space<hbm>> -> memref<8x80xi32, #tpu.memory_space<hbm>>
        %dma_start3A_241 = arith.constant 0 : i32
        %dma_start3A_242 = tpu.memref_slice %arg3[%add3A, %multiple_of3A, %dma_start3A_241] : memref<32x128x80xi32, #tpu.memory_space<hbm>> -> memref<1x8x80xi32, #tpu.memory_space<hbm>>
        %dma_start3A_243 = tpu.memref_squeeze %dma_start3A_242 : memref<1x8x80xi32, #tpu.memory_space<hbm>> -> memref<8x80xi32, #tpu.memory_space<hbm>>
        tpu.enqueue_dma source(%dma_start3A_243 : memref<8x80xi32, #tpu.memory_space<hbm>>) target(%arg7 : memref<8x80xi32, #tpu.memory_space<vmem>>) target_semaphore(%run_scoped3A : memref<!tpu.dma_semaphore, #tpu.memory_space<semaphore_mem>>)
        %dma_wait3A_244 = arith.constant 0 : i32
        %dma_wait3A_245 = tpu.memref_slice %arg3[%add3A, %multiple_of3A, %dma_wait3A_244] : memref<32x128x80xi32, #tpu.memory_space<hbm>> -> memref<1x8x80xi32, #tpu.memory_space<hbm>>
        %dma_wait3A_246 = tpu.memref_squeeze %dma_wait3A_245 : memref<1x8x80xi32, #tpu.memory_space<hbm>> -> memref<8x80xi32, #tpu.memory_space<hbm>>
        %dma_wait3A_247 = arith.constant 0 : i32
        %dma_wait3A_248 = tpu.memref_slice %arg3[%add3A, %multiple_of3A, %dma_wait3A_247] : memref<32x128x80xi32, #tpu.memory_space<hbm>> -> memref<1x8x80xi32, #tpu.memory_space<hbm>>
        %dma_wait3A_249 = tpu.memref_squeeze %dma_wait3A_248 : memref<1x8x80xi32, #tpu.memory_space<hbm>> -> memref<8x80xi32, #tpu.memory_space<hbm>>
        tpu.wait_dma2 semaphore(%run_scoped3A : memref<!tpu.dma_semaphore, #tpu.memory_space<semaphore_mem>>) src(%dma_wait3A_249 : memref<8x80xi32, #tpu.memory_space<hbm>>) dst(%arg7 : memref<8x80xi32, #tpu.memory_space<vmem>>)
        tpu.yield
      }) : () -> ()
      "tpu.region"() ({
        %run_scoped3A = tpu.sem_alloc : memref<!tpu.dma_semaphore, #tpu.memory_space<semaphore_mem>>
        %dma_start3A_238 = arith.constant 0 : i32
        %dma_start3A_239 = tpu.memref_slice %arg4[%add3A, %multiple_of3A, %dma_start3A_238] : memref<32x128x80xi32, #tpu.memory_space<hbm>> -> memref<1x8x80xi32, #tpu.memory_space<hbm>>
        %dma_start3A_240 = tpu.memref_squeeze %dma_start3A_239 : memref<1x8x80xi32, #tpu.memory_space<hbm>> -> memref<8x80xi32, #tpu.memory_space<hbm>>
        %dma_start3A_241 = arith.constant 0 : i32
        %dma_start3A_242 = tpu.memref_slice %arg4[%add3A, %multiple_of3A, %dma_start3A_241] : memref<32x128x80xi32, #tpu.memory_space<hbm>> -> memref<1x8x80xi32, #tpu.memory_space<hbm>>
        %dma_start3A_243 = tpu.memref_squeeze %dma_start3A_242 : memref<1x8x80xi32, #tpu.memory_space<hbm>> -> memref<8x80xi32, #tpu.memory_space<hbm>>
        tpu.enqueue_dma source(%dma_start3A_243 : memref<8x80xi32, #tpu.memory_space<hbm>>) target(%arg8 : memref<8x80xi32, #tpu.memory_space<vmem>>) target_semaphore(%run_scoped3A : memref<!tpu.dma_semaphore, #tpu.memory_space<semaphore_mem>>)
        %dma_wait3A_244 = arith.constant 0 : i32
        %dma_wait3A_245 = tpu.memref_slice %arg4[%add3A, %multiple_of3A, %dma_wait3A_244] : memref<32x128x80xi32, #tpu.memory_space<hbm>> -> memref<1x8x80xi32, #tpu.memory_space<hbm>>
        %dma_wait3A_246 = tpu.memref_squeeze %dma_wait3A_245 : memref<1x8x80xi32, #tpu.memory_space<hbm>> -> memref<8x80xi32, #tpu.memory_space<hbm>>
        %dma_wait3A_247 = arith.constant 0 : i32
        %dma_wait3A_248 = tpu.memref_slice %arg4[%add3A, %multiple_of3A, %dma_wait3A_247] : memref<32x128x80xi32, #tpu.memory_space<hbm>> -> memref<1x8x80xi32, #tpu.memory_space<hbm>>
        %dma_wait3A_249 = tpu.memref_squeeze %dma_wait3A_248 : memref<1x8x80xi32, #tpu.memory_space<hbm>> -> memref<8x80xi32, #tpu.memory_space<hbm>>
        tpu.wait_dma2 semaphore(%run_scoped3A : memref<!tpu.dma_semaphore, #tpu.memory_space<semaphore_mem>>) src(%dma_wait3A_249 : memref<8x80xi32, #tpu.memory_space<hbm>>) dst(%arg8 : memref<8x80xi32, #tpu.memory_space<vmem>>)
        tpu.yield
      }) : () -> ()
      %dma_start3A = arith.constant 0 : i32
      %dma_start3A_16 = arith.constant 0 : i32
      %dma_start3A_17 = tpu.memref_slice %arg7[%dma_start3A, %dma_start3A_16] : memref<8x80xi32, #tpu.memory_space<vmem>> -> memref<1x80xi32, #tpu.memory_space<vmem>>
      %dma_start3A_18 = tpu.memref_squeeze %dma_start3A_17 : memref<1x80xi32, #tpu.memory_space<vmem>> -> memref<80xi32, #tpu.memory_space<vmem>>
      %dma_start3A_19 = arith.constant 0 : i32
      %dma_start3A_20 = arith.constant 0 : i32
      %dma_start3A_21 = tpu.memref_slice %arg2[%dma_start3A_19, %dma_start3A_20] : memref<10000x128xf32, #tpu.memory_space<hbm>> -> memref<10000x128xf32, #tpu.memory_space<hbm>>
      tpu.enqueue_indirect_dma source(%dma_start3A_21 : memref<10000x128xf32, #tpu.memory_space<hbm>>) target(%arg9 : memref<80x128xf32, #tpu.memory_space<vmem>>) offsets(%dma_start3A_18 : memref<80xi32, #tpu.memory_space<vmem>>) semaphore(%arg14 : memref<!tpu.dma_semaphore, #tpu.memory_space<semaphore_mem>>)
      %dma_start3A_22 = arith.constant 1 : i32
      %dma_start3A_23 = arith.constant 0 : i32
      %dma_start3A_24 = tpu.memref_slice %arg7[%dma_start3A_22, %dma_start3A_23] : memref<8x80xi32, #tpu.memory_space<vmem>> -> memref<1x80xi32, #tpu.memory_space<vmem>>
      %dma_start3A_25 = tpu.memref_squeeze %dma_start3A_24 : memref<1x80xi32, #tpu.memory_space<vmem>> -> memref<80xi32, #tpu.memory_space<vmem>>
      %dma_start3A_26 = arith.constant 0 : i32
      %dma_start3A_27 = arith.constant 0 : i32
      %dma_start3A_28 = tpu.memref_slice %arg2[%dma_start3A_26, %dma_start3A_27] : memref<10000x128xf32, #tpu.memory_space<hbm>> -> memref<10000x128xf32, #tpu.memory_space<hbm>>
      tpu.enqueue_indirect_dma source(%dma_start3A_28 : memref<10000x128xf32, #tpu.memory_space<hbm>>) target(%arg10 : memref<80x128xf32, #tpu.memory_space<vmem>>) offsets(%dma_start3A_25 : memref<80xi32, #tpu.memory_space<vmem>>) semaphore(%arg15 : memref<!tpu.dma_semaphore, #tpu.memory_space<semaphore_mem>>)
      %dma_wait3A = arith.constant 0 : i32
      %dma_wait3A_29 = arith.constant 0 : i32
      %dma_wait3A_30 = tpu.memref_slice %arg7[%dma_wait3A, %dma_wait3A_29] : memref<8x80xi32, #tpu.memory_space<vmem>> -> memref<1x80xi32, #tpu.memory_space<vmem>>
      %dma_wait3A_31 = tpu.memref_squeeze %dma_wait3A_30 : memref<1x80xi32, #tpu.memory_space<vmem>> -> memref<80xi32, #tpu.memory_space<vmem>>
      %dma_wait3A_32 = arith.constant 0 : i32
      %dma_wait3A_33 = arith.constant 0 : i32
      %dma_wait3A_34 = tpu.memref_slice %arg2[%dma_wait3A_32, %dma_wait3A_33] : memref<10000x128xf32, #tpu.memory_space<hbm>> -> memref<10000x128xf32, #tpu.memory_space<hbm>>
      tpu.wait_indirect_dma semaphore(%arg14 : memref<!tpu.dma_semaphore, #tpu.memory_space<semaphore_mem>>) src(%dma_wait3A_34 : memref<10000x128xf32, #tpu.memory_space<hbm>>) dst(%arg9 : memref<80x128xf32, #tpu.memory_space<vmem>>)
      %dma_start3A_35 = arith.constant 0 : i32
      %dma_start3A_36 = arith.constant 0 : i32
      %dma_start3A_37 = tpu.memref_slice %arg8[%dma_start3A_35, %dma_start3A_36] : memref<8x80xi32, #tpu.memory_space<vmem>> -> memref<1x80xi32, #tpu.memory_space<vmem>>
      %dma_start3A_38 = tpu.memref_squeeze %dma_start3A_37 : memref<1x80xi32, #tpu.memory_space<vmem>> -> memref<80xi32, #tpu.memory_space<vmem>>
      %dma_start3A_39 = arith.constant 0 : i32
      %dma_start3A_40 = arith.constant 0 : i32
      %dma_start3A_41 = tpu.memref_slice %arg13[%dma_start3A_39, %dma_start3A_40] : memref<10112x128xf32, #tpu.memory_space<vmem_shared>> -> memref<10112x128xf32, #tpu.memory_space<vmem_shared>>
      tpu.enqueue_indirect_dma source(%arg9 : memref<80x128xf32, #tpu.memory_space<vmem>>) target(%dma_start3A_41 : memref<10112x128xf32, #tpu.memory_space<vmem_shared>>) offsets(%dma_start3A_38 : memref<80xi32, #tpu.memory_space<vmem>>) semaphore(%arg18 : memref<!tpu.dma_semaphore, #tpu.memory_space<semaphore_mem>>) {add = true}
      %dma_start3A_42 = arith.constant 2 : i32
      %dma_start3A_43 = arith.constant 0 : i32
      %dma_start3A_44 = tpu.memref_slice %arg7[%dma_start3A_42, %dma_start3A_43] : memref<8x80xi32, #tpu.memory_space<vmem>> -> memref<1x80xi32, #tpu.memory_space<vmem>>
      %dma_start3A_45 = tpu.memref_squeeze %dma_start3A_44 : memref<1x80xi32, #tpu.memory_space<vmem>> -> memref<80xi32, #tpu.memory_space<vmem>>
      %dma_start3A_46 = arith.constant 0 : i32
      %dma_start3A_47 = arith.constant 0 : i32
      %dma_start3A_48 = tpu.memref_slice %arg2[%dma_start3A_46, %dma_start3A_47] : memref<10000x128xf32, #tpu.memory_space<hbm>> -> memref<10000x128xf32, #tpu.memory_space<hbm>>
      tpu.enqueue_indirect_dma source(%dma_start3A_48 : memref<10000x128xf32, #tpu.memory_space<hbm>>) target(%arg11 : memref<80x128xf32, #tpu.memory_space<vmem>>) offsets(%dma_start3A_45 : memref<80xi32, #tpu.memory_space<vmem>>) semaphore(%arg16 : memref<!tpu.dma_semaphore, #tpu.memory_space<semaphore_mem>>)
      %dma_wait3A_49 = arith.constant 1 : i32
      %dma_wait3A_50 = arith.constant 0 : i32
      %dma_wait3A_51 = tpu.memref_slice %arg7[%dma_wait3A_49, %dma_wait3A_50] : memref<8x80xi32, #tpu.memory_space<vmem>> -> memref<1x80xi32, #tpu.memory_space<vmem>>
      %dma_wait3A_52 = tpu.memref_squeeze %dma_wait3A_51 : memref<1x80xi32, #tpu.memory_space<vmem>> -> memref<80xi32, #tpu.memory_space<vmem>>
      %dma_wait3A_53 = arith.constant 0 : i32
      %dma_wait3A_54 = arith.constant 0 : i32
      %dma_wait3A_55 = tpu.memref_slice %arg2[%dma_wait3A_53, %dma_wait3A_54] : memref<10000x128xf32, #tpu.memory_space<hbm>> -> memref<10000x128xf32, #tpu.memory_space<hbm>>
      tpu.wait_indirect_dma semaphore(%arg15 : memref<!tpu.dma_semaphore, #tpu.memory_space<semaphore_mem>>) src(%dma_wait3A_55 : memref<10000x128xf32, #tpu.memory_space<hbm>>) dst(%arg10 : memref<80x128xf32, #tpu.memory_space<vmem>>)
      %dma_start3A_56 = arith.constant 1 : i32
      %dma_start3A_57 = arith.constant 0 : i32
      %dma_start3A_58 = tpu.memref_slice %arg8[%dma_start3A_56, %dma_start3A_57] : memref<8x80xi32, #tpu.memory_space<vmem>> -> memref<1x80xi32, #tpu.memory_space<vmem>>
      %dma_start3A_59 = tpu.memref_squeeze %dma_start3A_58 : memref<1x80xi32, #tpu.memory_space<vmem>> -> memref<80xi32, #tpu.memory_space<vmem>>
      %dma_start3A_60 = arith.constant 0 : i32
      %dma_start3A_61 = arith.constant 0 : i32
      %dma_start3A_62 = tpu.memref_slice %arg13[%dma_start3A_60, %dma_start3A_61] : memref<10112x128xf32, #tpu.memory_space<vmem_shared>> -> memref<10112x128xf32, #tpu.memory_space<vmem_shared>>
      tpu.enqueue_indirect_dma source(%arg10 : memref<80x128xf32, #tpu.memory_space<vmem>>) target(%dma_start3A_62 : memref<10112x128xf32, #tpu.memory_space<vmem_shared>>) offsets(%dma_start3A_59 : memref<80xi32, #tpu.memory_space<vmem>>) semaphore(%arg19 : memref<!tpu.dma_semaphore, #tpu.memory_space<semaphore_mem>>) {add = true}
      %dma_start3A_63 = arith.constant 3 : i32
      %dma_start3A_64 = arith.constant 0 : i32
      %dma_start3A_65 = tpu.memref_slice %arg7[%dma_start3A_63, %dma_start3A_64] : memref<8x80xi32, #tpu.memory_space<vmem>> -> memref<1x80xi32, #tpu.memory_space<vmem>>
      %dma_start3A_66 = tpu.memref_squeeze %dma_start3A_65 : memref<1x80xi32, #tpu.memory_space<vmem>> -> memref<80xi32, #tpu.memory_space<vmem>>
      %dma_start3A_67 = arith.constant 0 : i32
      %dma_start3A_68 = arith.constant 0 : i32
      %dma_start3A_69 = tpu.memref_slice %arg2[%dma_start3A_67, %dma_start3A_68] : memref<10000x128xf32, #tpu.memory_space<hbm>> -> memref<10000x128xf32, #tpu.memory_space<hbm>>
      tpu.enqueue_indirect_dma source(%dma_start3A_69 : memref<10000x128xf32, #tpu.memory_space<hbm>>) target(%arg12 : memref<80x128xf32, #tpu.memory_space<vmem>>) offsets(%dma_start3A_66 : memref<80xi32, #tpu.memory_space<vmem>>) semaphore(%arg17 : memref<!tpu.dma_semaphore, #tpu.memory_space<semaphore_mem>>)
      %dma_wait3A_70 = arith.constant 2 : i32
      %dma_wait3A_71 = arith.constant 0 : i32
      %dma_wait3A_72 = tpu.memref_slice %arg7[%dma_wait3A_70, %dma_wait3A_71] : memref<8x80xi32, #tpu.memory_space<vmem>> -> memref<1x80xi32, #tpu.memory_space<vmem>>
      %dma_wait3A_73 = tpu.memref_squeeze %dma_wait3A_72 : memref<1x80xi32, #tpu.memory_space<vmem>> -> memref<80xi32, #tpu.memory_space<vmem>>
      %dma_wait3A_74 = arith.constant 0 : i32
      %dma_wait3A_75 = arith.constant 0 : i32
      %dma_wait3A_76 = tpu.memref_slice %arg2[%dma_wait3A_74, %dma_wait3A_75] : memref<10000x128xf32, #tpu.memory_space<hbm>> -> memref<10000x128xf32, #tpu.memory_space<hbm>>
      tpu.wait_indirect_dma semaphore(%arg16 : memref<!tpu.dma_semaphore, #tpu.memory_space<semaphore_mem>>) src(%dma_wait3A_76 : memref<10000x128xf32, #tpu.memory_space<hbm>>) dst(%arg11 : memref<80x128xf32, #tpu.memory_space<vmem>>)
      %dma_start3A_77 = arith.constant 2 : i32
      %dma_start3A_78 = arith.constant 0 : i32
      %dma_start3A_79 = tpu.memref_slice %arg8[%dma_start3A_77, %dma_start3A_78] : memref<8x80xi32, #tpu.memory_space<vmem>> -> memref<1x80xi32, #tpu.memory_space<vmem>>
      %dma_start3A_80 = tpu.memref_squeeze %dma_start3A_79 : memref<1x80xi32, #tpu.memory_space<vmem>> -> memref<80xi32, #tpu.memory_space<vmem>>
      %dma_start3A_81 = arith.constant 0 : i32
      %dma_start3A_82 = arith.constant 0 : i32
      %dma_start3A_83 = tpu.memref_slice %arg13[%dma_start3A_81, %dma_start3A_82] : memref<10112x128xf32, #tpu.memory_space<vmem_shared>> -> memref<10112x128xf32, #tpu.memory_space<vmem_shared>>
      tpu.enqueue_indirect_dma source(%arg11 : memref<80x128xf32, #tpu.memory_space<vmem>>) target(%dma_start3A_83 : memref<10112x128xf32, #tpu.memory_space<vmem_shared>>) offsets(%dma_start3A_80 : memref<80xi32, #tpu.memory_space<vmem>>) semaphore(%arg20 : memref<!tpu.dma_semaphore, #tpu.memory_space<semaphore_mem>>) {add = true}
      %dma_wait3A_84 = arith.constant 0 : i32
      %dma_wait3A_85 = arith.constant 0 : i32
      %dma_wait3A_86 = tpu.memref_slice %arg8[%dma_wait3A_84, %dma_wait3A_85] : memref<8x80xi32, #tpu.memory_space<vmem>> -> memref<1x80xi32, #tpu.memory_space<vmem>>
      %dma_wait3A_87 = tpu.memref_squeeze %dma_wait3A_86 : memref<1x80xi32, #tpu.memory_space<vmem>> -> memref<80xi32, #tpu.memory_space<vmem>>
      %dma_wait3A_88 = arith.constant 0 : i32
      %dma_wait3A_89 = arith.constant 0 : i32
      %dma_wait3A_90 = tpu.memref_slice %arg13[%dma_wait3A_88, %dma_wait3A_89] : memref<10112x128xf32, #tpu.memory_space<vmem_shared>> -> memref<10112x128xf32, #tpu.memory_space<vmem_shared>>
      tpu.wait_indirect_dma semaphore(%arg18 : memref<!tpu.dma_semaphore, #tpu.memory_space<semaphore_mem>>) src(%arg9 : memref<80x128xf32, #tpu.memory_space<vmem>>) dst(%dma_wait3A_90 : memref<10112x128xf32, #tpu.memory_space<vmem_shared>>)
      %dma_start3A_91 = arith.constant 4 : i32
      %dma_start3A_92 = arith.constant 0 : i32
      %dma_start3A_93 = tpu.memref_slice %arg7[%dma_start3A_91, %dma_start3A_92] : memref<8x80xi32, #tpu.memory_space<vmem>> -> memref<1x80xi32, #tpu.memory_space<vmem>>
      %dma_start3A_94 = tpu.memref_squeeze %dma_start3A_93 : memref<1x80xi32, #tpu.memory_space<vmem>> -> memref<80xi32, #tpu.memory_space<vmem>>
      %dma_start3A_95 = arith.constant 0 : i32
      %dma_start3A_96 = arith.constant 0 : i32
      %dma_start3A_97 = tpu.memref_slice %arg2[%dma_start3A_95, %dma_start3A_96] : memref<10000x128xf32, #tpu.memory_space<hbm>> -> memref<10000x128xf32, #tpu.memory_space<hbm>>
      tpu.enqueue_indirect_dma source(%dma_start3A_97 : memref<10000x128xf32, #tpu.memory_space<hbm>>) target(%arg9 : memref<80x128xf32, #tpu.memory_space<vmem>>) offsets(%dma_start3A_94 : memref<80xi32, #tpu.memory_space<vmem>>) semaphore(%arg14 : memref<!tpu.dma_semaphore, #tpu.memory_space<semaphore_mem>>)
      %dma_wait3A_98 = arith.constant 3 : i32
      %dma_wait3A_99 = arith.constant 0 : i32
      %dma_wait3A_100 = tpu.memref_slice %arg7[%dma_wait3A_98, %dma_wait3A_99] : memref<8x80xi32, #tpu.memory_space<vmem>> -> memref<1x80xi32, #tpu.memory_space<vmem>>
      %dma_wait3A_101 = tpu.memref_squeeze %dma_wait3A_100 : memref<1x80xi32, #tpu.memory_space<vmem>> -> memref<80xi32, #tpu.memory_space<vmem>>
      %dma_wait3A_102 = arith.constant 0 : i32
      %dma_wait3A_103 = arith.constant 0 : i32
      %dma_wait3A_104 = tpu.memref_slice %arg2[%dma_wait3A_102, %dma_wait3A_103] : memref<10000x128xf32, #tpu.memory_space<hbm>> -> memref<10000x128xf32, #tpu.memory_space<hbm>>
      tpu.wait_indirect_dma semaphore(%arg17 : memref<!tpu.dma_semaphore, #tpu.memory_space<semaphore_mem>>) src(%dma_wait3A_104 : memref<10000x128xf32, #tpu.memory_space<hbm>>) dst(%arg12 : memref<80x128xf32, #tpu.memory_space<vmem>>)
      %dma_start3A_105 = arith.constant 3 : i32
      %dma_start3A_106 = arith.constant 0 : i32
      %dma_start3A_107 = tpu.memref_slice %arg8[%dma_start3A_105, %dma_start3A_106] : memref<8x80xi32, #tpu.memory_space<vmem>> -> memref<1x80xi32, #tpu.memory_space<vmem>>
      %dma_start3A_108 = tpu.memref_squeeze %dma_start3A_107 : memref<1x80xi32, #tpu.memory_space<vmem>> -> memref<80xi32, #tpu.memory_space<vmem>>
      %dma_start3A_109 = arith.constant 0 : i32
      %dma_start3A_110 = arith.constant 0 : i32
      %dma_start3A_111 = tpu.memref_slice %arg13[%dma_start3A_109, %dma_start3A_110] : memref<10112x128xf32, #tpu.memory_space<vmem_shared>> -> memref<10112x128xf32, #tpu.memory_space<vmem_shared>>
      tpu.enqueue_indirect_dma source(%arg12 : memref<80x128xf32, #tpu.memory_space<vmem>>) target(%dma_start3A_111 : memref<10112x128xf32, #tpu.memory_space<vmem_shared>>) offsets(%dma_start3A_108 : memref<80xi32, #tpu.memory_space<vmem>>) semaphore(%arg21 : memref<!tpu.dma_semaphore, #tpu.memory_space<semaphore_mem>>) {add = true}
      %dma_wait3A_112 = arith.constant 1 : i32
      %dma_wait3A_113 = arith.constant 0 : i32
      %dma_wait3A_114 = tpu.memref_slice %arg8[%dma_wait3A_112, %dma_wait3A_113] : memref<8x80xi32, #tpu.memory_space<vmem>> -> memref<1x80xi32, #tpu.memory_space<vmem>>
      %dma_wait3A_115 = tpu.memref_squeeze %dma_wait3A_114 : memref<1x80xi32, #tpu.memory_space<vmem>> -> memref<80xi32, #tpu.memory_space<vmem>>
      %dma_wait3A_116 = arith.constant 0 : i32
      %dma_wait3A_117 = arith.constant 0 : i32
      %dma_wait3A_118 = tpu.memref_slice %arg13[%dma_wait3A_116, %dma_wait3A_117] : memref<10112x128xf32, #tpu.memory_space<vmem_shared>> -> memref<10112x128xf32, #tpu.memory_space<vmem_shared>>
      tpu.wait_indirect_dma semaphore(%arg19 : memref<!tpu.dma_semaphore, #tpu.memory_space<semaphore_mem>>) src(%arg10 : memref<80x128xf32, #tpu.memory_space<vmem>>) dst(%dma_wait3A_118 : memref<10112x128xf32, #tpu.memory_space<vmem_shared>>)
      %dma_start3A_119 = arith.constant 5 : i32
      %dma_start3A_120 = arith.constant 0 : i32
      %dma_start3A_121 = tpu.memref_slice %arg7[%dma_start3A_119, %dma_start3A_120] : memref<8x80xi32, #tpu.memory_space<vmem>> -> memref<1x80xi32, #tpu.memory_space<vmem>>
      %dma_start3A_122 = tpu.memref_squeeze %dma_start3A_121 : memref<1x80xi32, #tpu.memory_space<vmem>> -> memref<80xi32, #tpu.memory_space<vmem>>
      %dma_start3A_123 = arith.constant 0 : i32
      %dma_start3A_124 = arith.constant 0 : i32
      %dma_start3A_125 = tpu.memref_slice %arg2[%dma_start3A_123, %dma_start3A_124] : memref<10000x128xf32, #tpu.memory_space<hbm>> -> memref<10000x128xf32, #tpu.memory_space<hbm>>
      tpu.enqueue_indirect_dma source(%dma_start3A_125 : memref<10000x128xf32, #tpu.memory_space<hbm>>) target(%arg10 : memref<80x128xf32, #tpu.memory_space<vmem>>) offsets(%dma_start3A_122 : memref<80xi32, #tpu.memory_space<vmem>>) semaphore(%arg15 : memref<!tpu.dma_semaphore, #tpu.memory_space<semaphore_mem>>)
      %dma_wait3A_126 = arith.constant 4 : i32
      %dma_wait3A_127 = arith.constant 0 : i32
      %dma_wait3A_128 = tpu.memref_slice %arg7[%dma_wait3A_126, %dma_wait3A_127] : memref<8x80xi32, #tpu.memory_space<vmem>> -> memref<1x80xi32, #tpu.memory_space<vmem>>
      %dma_wait3A_129 = tpu.memref_squeeze %dma_wait3A_128 : memref<1x80xi32, #tpu.memory_space<vmem>> -> memref<80xi32, #tpu.memory_space<vmem>>
      %dma_wait3A_130 = arith.constant 0 : i32
      %dma_wait3A_131 = arith.constant 0 : i32
      %dma_wait3A_132 = tpu.memref_slice %arg2[%dma_wait3A_130, %dma_wait3A_131] : memref<10000x128xf32, #tpu.memory_space<hbm>> -> memref<10000x128xf32, #tpu.memory_space<hbm>>
      tpu.wait_indirect_dma semaphore(%arg14 : memref<!tpu.dma_semaphore, #tpu.memory_space<semaphore_mem>>) src(%dma_wait3A_132 : memref<10000x128xf32, #tpu.memory_space<hbm>>) dst(%arg9 : memref<80x128xf32, #tpu.memory_space<vmem>>)
      %dma_start3A_133 = arith.constant 4 : i32
      %dma_start3A_134 = arith.constant 0 : i32
      %dma_start3A_135 = tpu.memref_slice %arg8[%dma_start3A_133, %dma_start3A_134] : memref<8x80xi32, #tpu.memory_space<vmem>> -> memref<1x80xi32, #tpu.memory_space<vmem>>
      %dma_start3A_136 = tpu.memref_squeeze %dma_start3A_135 : memref<1x80xi32, #tpu.memory_space<vmem>> -> memref<80xi32, #tpu.memory_space<vmem>>
      %dma_start3A_137 = arith.constant 0 : i32
      %dma_start3A_138 = arith.constant 0 : i32
      %dma_start3A_139 = tpu.memref_slice %arg13[%dma_start3A_137, %dma_start3A_138] : memref<10112x128xf32, #tpu.memory_space<vmem_shared>> -> memref<10112x128xf32, #tpu.memory_space<vmem_shared>>
      tpu.enqueue_indirect_dma source(%arg9 : memref<80x128xf32, #tpu.memory_space<vmem>>) target(%dma_start3A_139 : memref<10112x128xf32, #tpu.memory_space<vmem_shared>>) offsets(%dma_start3A_136 : memref<80xi32, #tpu.memory_space<vmem>>) semaphore(%arg18 : memref<!tpu.dma_semaphore, #tpu.memory_space<semaphore_mem>>) {add = true}
      %dma_wait3A_140 = arith.constant 2 : i32
      %dma_wait3A_141 = arith.constant 0 : i32
      %dma_wait3A_142 = tpu.memref_slice %arg8[%dma_wait3A_140, %dma_wait3A_141] : memref<8x80xi32, #tpu.memory_space<vmem>> -> memref<1x80xi32, #tpu.memory_space<vmem>>
      %dma_wait3A_143 = tpu.memref_squeeze %dma_wait3A_142 : memref<1x80xi32, #tpu.memory_space<vmem>> -> memref<80xi32, #tpu.memory_space<vmem>>
      %dma_wait3A_144 = arith.constant 0 : i32
      %dma_wait3A_145 = arith.constant 0 : i32
      %dma_wait3A_146 = tpu.memref_slice %arg13[%dma_wait3A_144, %dma_wait3A_145] : memref<10112x128xf32, #tpu.memory_space<vmem_shared>> -> memref<10112x128xf32, #tpu.memory_space<vmem_shared>>
      tpu.wait_indirect_dma semaphore(%arg20 : memref<!tpu.dma_semaphore, #tpu.memory_space<semaphore_mem>>) src(%arg11 : memref<80x128xf32, #tpu.memory_space<vmem>>) dst(%dma_wait3A_146 : memref<10112x128xf32, #tpu.memory_space<vmem_shared>>)
      %dma_start3A_147 = arith.constant 6 : i32
      %dma_start3A_148 = arith.constant 0 : i32
      %dma_start3A_149 = tpu.memref_slice %arg7[%dma_start3A_147, %dma_start3A_148] : memref<8x80xi32, #tpu.memory_space<vmem>> -> memref<1x80xi32, #tpu.memory_space<vmem>>
      %dma_start3A_150 = tpu.memref_squeeze %dma_start3A_149 : memref<1x80xi32, #tpu.memory_space<vmem>> -> memref<80xi32, #tpu.memory_space<vmem>>
      %dma_start3A_151 = arith.constant 0 : i32
      %dma_start3A_152 = arith.constant 0 : i32
      %dma_start3A_153 = tpu.memref_slice %arg2[%dma_start3A_151, %dma_start3A_152] : memref<10000x128xf32, #tpu.memory_space<hbm>> -> memref<10000x128xf32, #tpu.memory_space<hbm>>
      tpu.enqueue_indirect_dma source(%dma_start3A_153 : memref<10000x128xf32, #tpu.memory_space<hbm>>) target(%arg11 : memref<80x128xf32, #tpu.memory_space<vmem>>) offsets(%dma_start3A_150 : memref<80xi32, #tpu.memory_space<vmem>>) semaphore(%arg16 : memref<!tpu.dma_semaphore, #tpu.memory_space<semaphore_mem>>)
      %dma_wait3A_154 = arith.constant 5 : i32
      %dma_wait3A_155 = arith.constant 0 : i32
      %dma_wait3A_156 = tpu.memref_slice %arg7[%dma_wait3A_154, %dma_wait3A_155] : memref<8x80xi32, #tpu.memory_space<vmem>> -> memref<1x80xi32, #tpu.memory_space<vmem>>
      %dma_wait3A_157 = tpu.memref_squeeze %dma_wait3A_156 : memref<1x80xi32, #tpu.memory_space<vmem>> -> memref<80xi32, #tpu.memory_space<vmem>>
      %dma_wait3A_158 = arith.constant 0 : i32
      %dma_wait3A_159 = arith.constant 0 : i32
      %dma_wait3A_160 = tpu.memref_slice %arg2[%dma_wait3A_158, %dma_wait3A_159] : memref<10000x128xf32, #tpu.memory_space<hbm>> -> memref<10000x128xf32, #tpu.memory_space<hbm>>
      tpu.wait_indirect_dma semaphore(%arg15 : memref<!tpu.dma_semaphore, #tpu.memory_space<semaphore_mem>>) src(%dma_wait3A_160 : memref<10000x128xf32, #tpu.memory_space<hbm>>) dst(%arg10 : memref<80x128xf32, #tpu.memory_space<vmem>>)
      %dma_start3A_161 = arith.constant 5 : i32
      %dma_start3A_162 = arith.constant 0 : i32
      %dma_start3A_163 = tpu.memref_slice %arg8[%dma_start3A_161, %dma_start3A_162] : memref<8x80xi32, #tpu.memory_space<vmem>> -> memref<1x80xi32, #tpu.memory_space<vmem>>
      %dma_start3A_164 = tpu.memref_squeeze %dma_start3A_163 : memref<1x80xi32, #tpu.memory_space<vmem>> -> memref<80xi32, #tpu.memory_space<vmem>>
      %dma_start3A_165 = arith.constant 0 : i32
      %dma_start3A_166 = arith.constant 0 : i32
      %dma_start3A_167 = tpu.memref_slice %arg13[%dma_start3A_165, %dma_start3A_166] : memref<10112x128xf32, #tpu.memory_space<vmem_shared>> -> memref<10112x128xf32, #tpu.memory_space<vmem_shared>>
      tpu.enqueue_indirect_dma source(%arg10 : memref<80x128xf32, #tpu.memory_space<vmem>>) target(%dma_start3A_167 : memref<10112x128xf32, #tpu.memory_space<vmem_shared>>) offsets(%dma_start3A_164 : memref<80xi32, #tpu.memory_space<vmem>>) semaphore(%arg19 : memref<!tpu.dma_semaphore, #tpu.memory_space<semaphore_mem>>) {add = true}
      %dma_wait3A_168 = arith.constant 3 : i32
      %dma_wait3A_169 = arith.constant 0 : i32
      %dma_wait3A_170 = tpu.memref_slice %arg8[%dma_wait3A_168, %dma_wait3A_169] : memref<8x80xi32, #tpu.memory_space<vmem>> -> memref<1x80xi32, #tpu.memory_space<vmem>>
      %dma_wait3A_171 = tpu.memref_squeeze %dma_wait3A_170 : memref<1x80xi32, #tpu.memory_space<vmem>> -> memref<80xi32, #tpu.memory_space<vmem>>
      %dma_wait3A_172 = arith.constant 0 : i32
      %dma_wait3A_173 = arith.constant 0 : i32
      %dma_wait3A_174 = tpu.memref_slice %arg13[%dma_wait3A_172, %dma_wait3A_173] : memref<10112x128xf32, #tpu.memory_space<vmem_shared>> -> memref<10112x128xf32, #tpu.memory_space<vmem_shared>>
      tpu.wait_indirect_dma semaphore(%arg21 : memref<!tpu.dma_semaphore, #tpu.memory_space<semaphore_mem>>) src(%arg12 : memref<80x128xf32, #tpu.memory_space<vmem>>) dst(%dma_wait3A_174 : memref<10112x128xf32, #tpu.memory_space<vmem_shared>>)
      %dma_start3A_175 = arith.constant 7 : i32
      %dma_start3A_176 = arith.constant 0 : i32
      %dma_start3A_177 = tpu.memref_slice %arg7[%dma_start3A_175, %dma_start3A_176] : memref<8x80xi32, #tpu.memory_space<vmem>> -> memref<1x80xi32, #tpu.memory_space<vmem>>
      %dma_start3A_178 = tpu.memref_squeeze %dma_start3A_177 : memref<1x80xi32, #tpu.memory_space<vmem>> -> memref<80xi32, #tpu.memory_space<vmem>>
      %dma_start3A_179 = arith.constant 0 : i32
      %dma_start3A_180 = arith.constant 0 : i32
      %dma_start3A_181 = tpu.memref_slice %arg2[%dma_start3A_179, %dma_start3A_180] : memref<10000x128xf32, #tpu.memory_space<hbm>> -> memref<10000x128xf32, #tpu.memory_space<hbm>>
      tpu.enqueue_indirect_dma source(%dma_start3A_181 : memref<10000x128xf32, #tpu.memory_space<hbm>>) target(%arg12 : memref<80x128xf32, #tpu.memory_space<vmem>>) offsets(%dma_start3A_178 : memref<80xi32, #tpu.memory_space<vmem>>) semaphore(%arg17 : memref<!tpu.dma_semaphore, #tpu.memory_space<semaphore_mem>>)
      %dma_wait3A_182 = arith.constant 6 : i32
      %dma_wait3A_183 = arith.constant 0 : i32
      %dma_wait3A_184 = tpu.memref_slice %arg7[%dma_wait3A_182, %dma_wait3A_183] : memref<8x80xi32, #tpu.memory_space<vmem>> -> memref<1x80xi32, #tpu.memory_space<vmem>>
      %dma_wait3A_185 = tpu.memref_squeeze %dma_wait3A_184 : memref<1x80xi32, #tpu.memory_space<vmem>> -> memref<80xi32, #tpu.memory_space<vmem>>
      %dma_wait3A_186 = arith.constant 0 : i32
      %dma_wait3A_187 = arith.constant 0 : i32
      %dma_wait3A_188 = tpu.memref_slice %arg2[%dma_wait3A_186, %dma_wait3A_187] : memref<10000x128xf32, #tpu.memory_space<hbm>> -> memref<10000x128xf32, #tpu.memory_space<hbm>>
      tpu.wait_indirect_dma semaphore(%arg16 : memref<!tpu.dma_semaphore, #tpu.memory_space<semaphore_mem>>) src(%dma_wait3A_188 : memref<10000x128xf32, #tpu.memory_space<hbm>>) dst(%arg11 : memref<80x128xf32, #tpu.memory_space<vmem>>)
      %dma_start3A_189 = arith.constant 6 : i32
      %dma_start3A_190 = arith.constant 0 : i32
      %dma_start3A_191 = tpu.memref_slice %arg8[%dma_start3A_189, %dma_start3A_190] : memref<8x80xi32, #tpu.memory_space<vmem>> -> memref<1x80xi32, #tpu.memory_space<vmem>>
      %dma_start3A_192 = tpu.memref_squeeze %dma_start3A_191 : memref<1x80xi32, #tpu.memory_space<vmem>> -> memref<80xi32, #tpu.memory_space<vmem>>
      %dma_start3A_193 = arith.constant 0 : i32
      %dma_start3A_194 = arith.constant 0 : i32
      %dma_start3A_195 = tpu.memref_slice %arg13[%dma_start3A_193, %dma_start3A_194] : memref<10112x128xf32, #tpu.memory_space<vmem_shared>> -> memref<10112x128xf32, #tpu.memory_space<vmem_shared>>
      tpu.enqueue_indirect_dma source(%arg11 : memref<80x128xf32, #tpu.memory_space<vmem>>) target(%dma_start3A_195 : memref<10112x128xf32, #tpu.memory_space<vmem_shared>>) offsets(%dma_start3A_192 : memref<80xi32, #tpu.memory_space<vmem>>) semaphore(%arg20 : memref<!tpu.dma_semaphore, #tpu.memory_space<semaphore_mem>>) {add = true}
      %dma_wait3A_196 = arith.constant 7 : i32
      %dma_wait3A_197 = arith.constant 0 : i32
      %dma_wait3A_198 = tpu.memref_slice %arg7[%dma_wait3A_196, %dma_wait3A_197] : memref<8x80xi32, #tpu.memory_space<vmem>> -> memref<1x80xi32, #tpu.memory_space<vmem>>
      %dma_wait3A_199 = tpu.memref_squeeze %dma_wait3A_198 : memref<1x80xi32, #tpu.memory_space<vmem>> -> memref<80xi32, #tpu.memory_space<vmem>>
      %dma_wait3A_200 = arith.constant 0 : i32
      %dma_wait3A_201 = arith.constant 0 : i32
      %dma_wait3A_202 = tpu.memref_slice %arg2[%dma_wait3A_200, %dma_wait3A_201] : memref<10000x128xf32, #tpu.memory_space<hbm>> -> memref<10000x128xf32, #tpu.memory_space<hbm>>
      tpu.wait_indirect_dma semaphore(%arg17 : memref<!tpu.dma_semaphore, #tpu.memory_space<semaphore_mem>>) src(%dma_wait3A_202 : memref<10000x128xf32, #tpu.memory_space<hbm>>) dst(%arg12 : memref<80x128xf32, #tpu.memory_space<vmem>>)
      %dma_start3A_203 = arith.constant 7 : i32
      %dma_start3A_204 = arith.constant 0 : i32
      %dma_start3A_205 = tpu.memref_slice %arg8[%dma_start3A_203, %dma_start3A_204] : memref<8x80xi32, #tpu.memory_space<vmem>> -> memref<1x80xi32, #tpu.memory_space<vmem>>
      %dma_start3A_206 = tpu.memref_squeeze %dma_start3A_205 : memref<1x80xi32, #tpu.memory_space<vmem>> -> memref<80xi32, #tpu.memory_space<vmem>>
      %dma_start3A_207 = arith.constant 0 : i32
      %dma_start3A_208 = arith.constant 0 : i32
      %dma_start3A_209 = tpu.memref_slice %arg13[%dma_start3A_207, %dma_start3A_208] : memref<10112x128xf32, #tpu.memory_space<vmem_shared>> -> memref<10112x128xf32, #tpu.memory_space<vmem_shared>>
      tpu.enqueue_indirect_dma source(%arg12 : memref<80x128xf32, #tpu.memory_space<vmem>>) target(%dma_start3A_209 : memref<10112x128xf32, #tpu.memory_space<vmem_shared>>) offsets(%dma_start3A_206 : memref<80xi32, #tpu.memory_space<vmem>>) semaphore(%arg21 : memref<!tpu.dma_semaphore, #tpu.memory_space<semaphore_mem>>) {add = true}
      %dma_wait3A_210 = arith.constant 4 : i32
      %dma_wait3A_211 = arith.constant 0 : i32
      %dma_wait3A_212 = tpu.memref_slice %arg8[%dma_wait3A_210, %dma_wait3A_211] : memref<8x80xi32, #tpu.memory_space<vmem>> -> memref<1x80xi32, #tpu.memory_space<vmem>>
      %dma_wait3A_213 = tpu.memref_squeeze %dma_wait3A_212 : memref<1x80xi32, #tpu.memory_space<vmem>> -> memref<80xi32, #tpu.memory_space<vmem>>
      %dma_wait3A_214 = arith.constant 0 : i32
      %dma_wait3A_215 = arith.constant 0 : i32
      %dma_wait3A_216 = tpu.memref_slice %arg13[%dma_wait3A_214, %dma_wait3A_215] : memref<10112x128xf32, #tpu.memory_space<vmem_shared>> -> memref<10112x128xf32, #tpu.memory_space<vmem_shared>>
      tpu.wait_indirect_dma semaphore(%arg18 : memref<!tpu.dma_semaphore, #tpu.memory_space<semaphore_mem>>) src(%arg9 : memref<80x128xf32, #tpu.memory_space<vmem>>) dst(%dma_wait3A_216 : memref<10112x128xf32, #tpu.memory_space<vmem_shared>>)
      %dma_wait3A_217 = arith.constant 5 : i32
      %dma_wait3A_218 = arith.constant 0 : i32
      %dma_wait3A_219 = tpu.memref_slice %arg8[%dma_wait3A_217, %dma_wait3A_218] : memref<8x80xi32, #tpu.memory_space<vmem>> -> memref<1x80xi32, #tpu.memory_space<vmem>>
      %dma_wait3A_220 = tpu.memref_squeeze %dma_wait3A_219 : memref<1x80xi32, #tpu.memory_space<vmem>> -> memref<80xi32, #tpu.memory_space<vmem>>
      %dma_wait3A_221 = arith.constant 0 : i32
      %dma_wait3A_222 = arith.constant 0 : i32
      %dma_wait3A_223 = tpu.memref_slice %arg13[%dma_wait3A_221, %dma_wait3A_222] : memref<10112x128xf32, #tpu.memory_space<vmem_shared>> -> memref<10112x128xf32, #tpu.memory_space<vmem_shared>>
      tpu.wait_indirect_dma semaphore(%arg19 : memref<!tpu.dma_semaphore, #tpu.memory_space<semaphore_mem>>) src(%arg10 : memref<80x128xf32, #tpu.memory_space<vmem>>) dst(%dma_wait3A_223 : memref<10112x128xf32, #tpu.memory_space<vmem_shared>>)
      %dma_wait3A_224 = arith.constant 6 : i32
      %dma_wait3A_225 = arith.constant 0 : i32
      %dma_wait3A_226 = tpu.memref_slice %arg8[%dma_wait3A_224, %dma_wait3A_225] : memref<8x80xi32, #tpu.memory_space<vmem>> -> memref<1x80xi32, #tpu.memory_space<vmem>>
      %dma_wait3A_227 = tpu.memref_squeeze %dma_wait3A_226 : memref<1x80xi32, #tpu.memory_space<vmem>> -> memref<80xi32, #tpu.memory_space<vmem>>
      %dma_wait3A_228 = arith.constant 0 : i32
      %dma_wait3A_229 = arith.constant 0 : i32
      %dma_wait3A_230 = tpu.memref_slice %arg13[%dma_wait3A_228, %dma_wait3A_229] : memref<10112x128xf32, #tpu.memory_space<vmem_shared>> -> memref<10112x128xf32, #tpu.memory_space<vmem_shared>>
      tpu.wait_indirect_dma semaphore(%arg20 : memref<!tpu.dma_semaphore, #tpu.memory_space<semaphore_mem>>) src(%arg11 : memref<80x128xf32, #tpu.memory_space<vmem>>) dst(%dma_wait3A_230 : memref<10112x128xf32, #tpu.memory_space<vmem_shared>>)
      %dma_wait3A_231 = arith.constant 7 : i32
      %dma_wait3A_232 = arith.constant 0 : i32
      %dma_wait3A_233 = tpu.memref_slice %arg8[%dma_wait3A_231, %dma_wait3A_232] : memref<8x80xi32, #tpu.memory_space<vmem>> -> memref<1x80xi32, #tpu.memory_space<vmem>>
      %dma_wait3A_234 = tpu.memref_squeeze %dma_wait3A_233 : memref<1x80xi32, #tpu.memory_space<vmem>> -> memref<80xi32, #tpu.memory_space<vmem>>
      %dma_wait3A_235 = arith.constant 0 : i32
      %dma_wait3A_236 = arith.constant 0 : i32
      %dma_wait3A_237 = tpu.memref_slice %arg13[%dma_wait3A_235, %dma_wait3A_236] : memref<10112x128xf32, #tpu.memory_space<vmem_shared>> -> memref<10112x128xf32, #tpu.memory_space<vmem_shared>>
      tpu.wait_indirect_dma semaphore(%arg21 : memref<!tpu.dma_semaphore, #tpu.memory_space<semaphore_mem>>) src(%arg12 : memref<80x128xf32, #tpu.memory_space<vmem>>) dst(%dma_wait3A_237 : memref<10112x128xf32, #tpu.memory_space<vmem_shared>>)
    }
    %scan3A_7 = arith.constant 16 : i32
    %barrier3A_8 = arith.constant 0 : index
    tpu.barrier barrier_id(%barrier3A_8)
    %mul3A_9 = arith.constant 632 : i32
    %mul3A_10 = arith.muli %arg1, %mul3A_9 : i32
    %mul3A_11 = arith.constant 632 : i32
    %mul3A_12 = arith.muli %arg1, %mul3A_11 : i32
    "tpu.region"() ({
      %run_scoped3A = tpu.sem_alloc : memref<!tpu.dma_semaphore, #tpu.memory_space<semaphore_mem>>
      %dma_start3A = arith.constant 0 : i32
      %dma_start3A_13 = tpu.memref_slice %arg6[%arg0, %mul3A_12, %dma_start3A] : memref<2x10112x128xf32, #tpu.memory_space<hbm>> -> memref<1x632x128xf32, #tpu.memory_space<hbm>>
      %dma_start3A_14 = tpu.memref_squeeze %dma_start3A_13 : memref<1x632x128xf32, #tpu.memory_space<hbm>> -> memref<632x128xf32, #tpu.memory_space<hbm>>
      %dma_start3A_15 = arith.constant 0 : i32
      %dma_start3A_16 = tpu.memref_slice %arg13[%mul3A_10, %dma_start3A_15] : memref<10112x128xf32, #tpu.memory_space<vmem_shared>> -> memref<632x128xf32, #tpu.memory_space<vmem_shared>>
      tpu.enqueue_dma source(%dma_start3A_16 : memref<632x128xf32, #tpu.memory_space<vmem_shared>>) target(%dma_start3A_14 : memref<632x128xf32, #tpu.memory_space<hbm>>) target_semaphore(%run_scoped3A : memref<!tpu.dma_semaphore, #tpu.memory_space<semaphore_mem>>)
      %dma_wait3A = arith.constant 0 : i32
      %dma_wait3A_17 = tpu.memref_slice %arg6[%arg0, %mul3A_12, %dma_wait3A] : memref<2x10112x128xf32, #tpu.memory_space<hbm>> -> memref<1x632x128xf32, #tpu.memory_space<hbm>>
      %dma_wait3A_18 = tpu.memref_squeeze %dma_wait3A_17 : memref<1x632x128xf32, #tpu.memory_space<hbm>> -> memref<632x128xf32, #tpu.memory_space<hbm>>
      %dma_wait3A_19 = arith.constant 0 : i32
      %dma_wait3A_20 = tpu.memref_slice %arg13[%mul3A_10, %dma_wait3A_19] : memref<10112x128xf32, #tpu.memory_space<vmem_shared>> -> memref<632x128xf32, #tpu.memory_space<vmem_shared>>
      tpu.wait_dma2 semaphore(%run_scoped3A : memref<!tpu.dma_semaphore, #tpu.memory_space<semaphore_mem>>) src(%dma_wait3A_20 : memref<632x128xf32, #tpu.memory_space<vmem_shared>>) dst(%dma_wait3A_18 : memref<632x128xf32, #tpu.memory_space<hbm>>)
      tpu.yield
    }) : () -> ()
    return
  }
}

module attributes {stable_mosaic.version = 14 : i64} {
  func.func @body(%arg0: memref<10000x128xf32, #tpu.memory_space<vmem>>, %arg1: memref<2x10112x128xf32, #tpu.memory_space<vmem>>, %arg2: memref<2x10112x16xf32, #tpu.memory_space<vmem>>, %arg3: memref<128x128xf32, #tpu.memory_space<vmem>>, %arg4: memref<1x128xf32, #tpu.memory_space<vmem>>, %arg5: memref<128x128xf32, #tpu.memory_space<vmem>>, %arg6: memref<1x128xf32, #tpu.memory_space<vmem>>, %arg7: memref<1x128xf32, #tpu.memory_space<vmem>>, %arg8: memref<10000x128xf32, #tpu.memory_space<vmem>>) attributes {dimension_semantics = [], scalar_prefetch = 0 : i64, scratch_operands = 0 : i64, tpu.core_type = #tpu.core_type<tc>} {
    %get3A = arith.constant 0 : index
    %get3A_0 = arith.constant 0 : index
    %get3A_1 = vector.load %arg0[%get3A, %get3A_0] : memref<10000x128xf32, #tpu.memory_space<vmem>>, vector<10000x128xf32>
    %get3A_2 = arith.constant 0 : index
    %get3A_3 = arith.constant 0 : index
    %get3A_4 = arith.constant 0 : index
    %get3A_5 = vector.load %arg1[%get3A_2, %get3A_3, %get3A_4] : memref<2x10112x128xf32, #tpu.memory_space<vmem>>, vector<2x10112x128xf32>
    %slice3A = vector.extract_strided_slice %get3A_5 {offsets = [0, 0, 0], sizes = [1, 10000, 128], strides = [1, 1, 1]} : vector<2x10112x128xf32> to vector<1x10000x128xf32>
    %squeeze3A = vector.shape_cast %slice3A : vector<1x10000x128xf32> to vector<10000x128xf32>
    %slice3A_6 = vector.extract_strided_slice %get3A_5 {offsets = [1, 0, 0], sizes = [1, 10000, 128], strides = [1, 1, 1]} : vector<2x10112x128xf32> to vector<1x10000x128xf32>
    %squeeze3A_7 = vector.shape_cast %slice3A_6 : vector<1x10000x128xf32> to vector<10000x128xf32>
    %add3A = arith.addf %squeeze3A, %squeeze3A_7 : vector<10000x128xf32>
    %get3A_8 = arith.constant 0 : index
    %get3A_9 = arith.constant 0 : index
    %get3A_10 = arith.constant 0 : index
    %get3A_11 = vector.load %arg2[%get3A_8, %get3A_9, %get3A_10] : memref<2x10112x16xf32, #tpu.memory_space<vmem>>, vector<2x10112x16xf32>
    %slice3A_12 = vector.extract_strided_slice %get3A_11 {offsets = [0, 0, 0], sizes = [1, 10000, 1], strides = [1, 1, 1]} : vector<2x10112x16xf32> to vector<1x10000x1xf32>
    %squeeze3A_13 = vector.shape_cast %slice3A_12 : vector<1x10000x1xf32> to vector<10000x1xf32>
    %slice3A_14 = vector.extract_strided_slice %get3A_11 {offsets = [1, 0, 0], sizes = [1, 10000, 1], strides = [1, 1, 1]} : vector<2x10112x16xf32> to vector<1x10000x1xf32>
    %squeeze3A_15 = vector.shape_cast %slice3A_14 : vector<1x10000x1xf32> to vector<10000x1xf32>
    %add3A_16 = arith.addf %squeeze3A_13, %squeeze3A_15 : vector<10000x1xf32>
    %max3A = arith.constant 1.000000e+00 : f32
    %max3A_17 = vector.broadcast %max3A : f32 to vector<10000x1xf32>
    %max3A_18 = arith.maximumf %add3A_16, %max3A_17 : vector<10000x1xf32>
    %div3A = arith.constant 1.000000e+00 : f32
    %div3A_19 = vector.broadcast %div3A : f32 to vector<10000x1xf32>
    %div3A_20 = arith.divf %div3A_19, %max3A_18 : vector<10000x1xf32>
    %mul3A = vector.broadcast %div3A_20 : vector<10000x1xf32> to vector<10000x128xf32>
    %mul3A_21 = arith.mulf %add3A, %mul3A : vector<10000x128xf32>
    %get3A_22 = arith.constant 0 : index
    %get3A_23 = arith.constant 0 : index
    %get3A_24 = vector.load %arg3[%get3A_22, %get3A_23] : memref<128x128xf32, #tpu.memory_space<vmem>>, vector<128x128xf32>
    %dot_general3A = arith.constant dense<0.000000e+00> : vector<10000x128xf32>
    %dot_general3A_25 = tpu.matmul %mul3A_21, %get3A_24, %dot_general3A {dimension_numbers = #tpu.dot_dimension_numbers<[1], [0], [0], [1], [0, 0, 1, 1], [], []>, transpose_lhs_hint = false} : vector<10000x128xf32>, vector<128x128xf32>, vector<10000x128xf32> -> vector<10000x128xf32>
    %get3A_26 = arith.constant 0 : index
    %get3A_27 = arith.constant 0 : index
    %get3A_28 = vector.load %arg4[%get3A_26, %get3A_27] : memref<1x128xf32, #tpu.memory_space<vmem>>, vector<1x128xf32>
    %add3A_29 = vector.broadcast %get3A_28 : vector<1x128xf32> to vector<10000x128xf32>
    %add3A_30 = arith.addf %dot_general3A_25, %add3A_29 : vector<10000x128xf32>
    %get3A_31 = arith.constant 0 : index
    %get3A_32 = arith.constant 0 : index
    %get3A_33 = vector.load %arg5[%get3A_31, %get3A_32] : memref<128x128xf32, #tpu.memory_space<vmem>>, vector<128x128xf32>
    %dot_general3A_34 = arith.constant dense<0.000000e+00> : vector<10000x128xf32>
    %dot_general3A_35 = tpu.matmul %get3A_1, %get3A_33, %dot_general3A_34 {dimension_numbers = #tpu.dot_dimension_numbers<[1], [0], [0], [1], [0, 0, 1, 1], [], []>, transpose_lhs_hint = false} : vector<10000x128xf32>, vector<128x128xf32>, vector<10000x128xf32> -> vector<10000x128xf32>
    %add3A_36 = arith.addf %add3A_30, %dot_general3A_35 : vector<10000x128xf32>
    %get3A_37 = arith.constant 0 : index
    %get3A_38 = arith.constant 0 : index
    %get3A_39 = vector.load %arg6[%get3A_37, %get3A_38] : memref<1x128xf32, #tpu.memory_space<vmem>>, vector<1x128xf32>
    %get3A_40 = arith.constant 0 : index
    %get3A_41 = arith.constant 0 : index
    %get3A_42 = vector.load %arg7[%get3A_40, %get3A_41] : memref<1x128xf32, #tpu.memory_space<vmem>>, vector<1x128xf32>
    %reduce_sum3A = arith.constant dense<0.000000e+00> : vector<128xf32>
    %reduce_sum3A_43 = vector.multi_reduction <add>, %add3A_36, %reduce_sum3A [0] : vector<10000x128xf32> to vector<128xf32>
    %broadcast_in_dim3A = vector.shape_cast %reduce_sum3A_43 : vector<128xf32> to vector<1x128xf32>
    %div3A_44 = arith.constant 1.000000e+04 : f32
    %div3A_45 = vector.broadcast %div3A_44 : f32 to vector<1x128xf32>
    %div3A_46 = arith.divf %broadcast_in_dim3A, %div3A_45 : vector<1x128xf32>
    %sub3A = vector.broadcast %div3A_46 : vector<1x128xf32> to vector<10000x128xf32>
    %sub3A_47 = arith.subf %add3A_36, %sub3A : vector<10000x128xf32>
    %mul3A_48 = arith.mulf %sub3A_47, %sub3A_47 : vector<10000x128xf32>
    %reduce_sum3A_49 = arith.constant dense<0.000000e+00> : vector<128xf32>
    %reduce_sum3A_50 = vector.multi_reduction <add>, %mul3A_48, %reduce_sum3A_49 [0] : vector<10000x128xf32> to vector<128xf32>
    %broadcast_in_dim3A_51 = vector.shape_cast %reduce_sum3A_50 : vector<128xf32> to vector<1x128xf32>
    %div3A_52 = arith.constant 1.000000e+04 : f32
    %div3A_53 = vector.broadcast %div3A_52 : f32 to vector<1x128xf32>
    %div3A_54 = arith.divf %broadcast_in_dim3A_51, %div3A_53 : vector<1x128xf32>
    %add3A_55 = arith.constant 9.99999974E-6 : f32
    %add3A_56 = vector.broadcast %add3A_55 : f32 to vector<1x128xf32>
    %add3A_57 = arith.addf %div3A_54, %add3A_56 : vector<1x128xf32>
    %rsqrt3A = math.rsqrt %add3A_57 : vector<1x128xf32>
    %mul3A_58 = vector.broadcast %rsqrt3A : vector<1x128xf32> to vector<10000x128xf32>
    %mul3A_59 = arith.mulf %sub3A_47, %mul3A_58 : vector<10000x128xf32>
    %mul3A_60 = vector.broadcast %get3A_39 : vector<1x128xf32> to vector<10000x128xf32>
    %mul3A_61 = arith.mulf %mul3A_59, %mul3A_60 : vector<10000x128xf32>
    %add3A_62 = vector.broadcast %get3A_42 : vector<1x128xf32> to vector<10000x128xf32>
    %add3A_63 = arith.addf %mul3A_61, %add3A_62 : vector<10000x128xf32>
    %max3A_64 = arith.constant 0.000000e+00 : f32
    %max3A_65 = vector.broadcast %max3A_64 : f32 to vector<10000x128xf32>
    %max3A_66 = arith.maximumf %add3A_63, %max3A_65 : vector<10000x128xf32>
    %add3A_67 = arith.addf %get3A_1, %max3A_66 : vector<10000x128xf32>
    %swap3A = arith.constant 0 : index
    %swap3A_68 = arith.constant 0 : index
    %swap3A_69 = vector.load %arg8[%swap3A, %swap3A_68] : memref<10000x128xf32, #tpu.memory_space<vmem>>, vector<10000x128xf32>
    tpu.vector_store %arg8[%swap3A, %swap3A_68], %add3A_67 {strides = array<i32>} : memref<10000x128xf32, #tpu.memory_space<vmem>>, vector<10000x128xf32>,
    return
  }
}

module attributes {stable_mosaic.version = 14 : i64} {
  func.func @body(%arg0: memref<10000x128xf32, #tpu.memory_space<vmem>>, %arg1: memref<2x10112x128xf32, #tpu.memory_space<vmem>>, %arg2: memref<2x10112x16xf32, #tpu.memory_space<vmem>>, %arg3: memref<128x128xf32, #tpu.memory_space<vmem>>, %arg4: memref<1x128xf32, #tpu.memory_space<vmem>>, %arg5: memref<128x128xf32, #tpu.memory_space<vmem>>, %arg6: memref<1x128xf32, #tpu.memory_space<vmem>>, %arg7: memref<1x128xf32, #tpu.memory_space<vmem>>, %arg8: memref<128x64xf32, #tpu.memory_space<vmem>>, %arg9: memref<1x64xf32, #tpu.memory_space<vmem>>, %arg10: memref<10000x64xf32, #tpu.memory_space<vmem>>) attributes {dimension_semantics = [], scalar_prefetch = 0 : i64, scratch_operands = 0 : i64, tpu.core_type = #tpu.core_type<tc>} {
    %get3A = arith.constant 0 : index
    %get3A_0 = arith.constant 0 : index
    %get3A_1 = vector.load %arg0[%get3A, %get3A_0] : memref<10000x128xf32, #tpu.memory_space<vmem>>, vector<10000x128xf32>
    %get3A_2 = arith.constant 0 : index
    %get3A_3 = arith.constant 0 : index
    %get3A_4 = arith.constant 0 : index
    %get3A_5 = vector.load %arg1[%get3A_2, %get3A_3, %get3A_4] : memref<2x10112x128xf32, #tpu.memory_space<vmem>>, vector<2x10112x128xf32>
    %slice3A = vector.extract_strided_slice %get3A_5 {offsets = [0, 0, 0], sizes = [1, 10000, 128], strides = [1, 1, 1]} : vector<2x10112x128xf32> to vector<1x10000x128xf32>
    %squeeze3A = vector.shape_cast %slice3A : vector<1x10000x128xf32> to vector<10000x128xf32>
    %slice3A_6 = vector.extract_strided_slice %get3A_5 {offsets = [1, 0, 0], sizes = [1, 10000, 128], strides = [1, 1, 1]} : vector<2x10112x128xf32> to vector<1x10000x128xf32>
    %squeeze3A_7 = vector.shape_cast %slice3A_6 : vector<1x10000x128xf32> to vector<10000x128xf32>
    %add3A = arith.addf %squeeze3A, %squeeze3A_7 : vector<10000x128xf32>
    %get3A_8 = arith.constant 0 : index
    %get3A_9 = arith.constant 0 : index
    %get3A_10 = arith.constant 0 : index
    %get3A_11 = vector.load %arg2[%get3A_8, %get3A_9, %get3A_10] : memref<2x10112x16xf32, #tpu.memory_space<vmem>>, vector<2x10112x16xf32>
    %slice3A_12 = vector.extract_strided_slice %get3A_11 {offsets = [0, 0, 0], sizes = [1, 10000, 1], strides = [1, 1, 1]} : vector<2x10112x16xf32> to vector<1x10000x1xf32>
    %squeeze3A_13 = vector.shape_cast %slice3A_12 : vector<1x10000x1xf32> to vector<10000x1xf32>
    %slice3A_14 = vector.extract_strided_slice %get3A_11 {offsets = [1, 0, 0], sizes = [1, 10000, 1], strides = [1, 1, 1]} : vector<2x10112x16xf32> to vector<1x10000x1xf32>
    %squeeze3A_15 = vector.shape_cast %slice3A_14 : vector<1x10000x1xf32> to vector<10000x1xf32>
    %add3A_16 = arith.addf %squeeze3A_13, %squeeze3A_15 : vector<10000x1xf32>
    %max3A = arith.constant 1.000000e+00 : f32
    %max3A_17 = vector.broadcast %max3A : f32 to vector<10000x1xf32>
    %max3A_18 = arith.maximumf %add3A_16, %max3A_17 : vector<10000x1xf32>
    %div3A = arith.constant 1.000000e+00 : f32
    %div3A_19 = vector.broadcast %div3A : f32 to vector<10000x1xf32>
    %div3A_20 = arith.divf %div3A_19, %max3A_18 : vector<10000x1xf32>
    %mul3A = vector.broadcast %div3A_20 : vector<10000x1xf32> to vector<10000x128xf32>
    %mul3A_21 = arith.mulf %add3A, %mul3A : vector<10000x128xf32>
    %get3A_22 = arith.constant 0 : index
    %get3A_23 = arith.constant 0 : index
    %get3A_24 = vector.load %arg3[%get3A_22, %get3A_23] : memref<128x128xf32, #tpu.memory_space<vmem>>, vector<128x128xf32>
    %dot_general3A = arith.constant dense<0.000000e+00> : vector<10000x128xf32>
    %dot_general3A_25 = tpu.matmul %mul3A_21, %get3A_24, %dot_general3A {dimension_numbers = #tpu.dot_dimension_numbers<[1], [0], [0], [1], [0, 0, 1, 1], [], []>, transpose_lhs_hint = false} : vector<10000x128xf32>, vector<128x128xf32>, vector<10000x128xf32> -> vector<10000x128xf32>
    %get3A_26 = arith.constant 0 : index
    %get3A_27 = arith.constant 0 : index
    %get3A_28 = vector.load %arg4[%get3A_26, %get3A_27] : memref<1x128xf32, #tpu.memory_space<vmem>>, vector<1x128xf32>
    %add3A_29 = vector.broadcast %get3A_28 : vector<1x128xf32> to vector<10000x128xf32>
    %add3A_30 = arith.addf %dot_general3A_25, %add3A_29 : vector<10000x128xf32>
    %get3A_31 = arith.constant 0 : index
    %get3A_32 = arith.constant 0 : index
    %get3A_33 = vector.load %arg5[%get3A_31, %get3A_32] : memref<128x128xf32, #tpu.memory_space<vmem>>, vector<128x128xf32>
    %dot_general3A_34 = arith.constant dense<0.000000e+00> : vector<10000x128xf32>
    %dot_general3A_35 = tpu.matmul %get3A_1, %get3A_33, %dot_general3A_34 {dimension_numbers = #tpu.dot_dimension_numbers<[1], [0], [0], [1], [0, 0, 1, 1], [], []>, transpose_lhs_hint = false} : vector<10000x128xf32>, vector<128x128xf32>, vector<10000x128xf32> -> vector<10000x128xf32>
    %add3A_36 = arith.addf %add3A_30, %dot_general3A_35 : vector<10000x128xf32>
    %get3A_37 = arith.constant 0 : index
    %get3A_38 = arith.constant 0 : index
    %get3A_39 = vector.load %arg6[%get3A_37, %get3A_38] : memref<1x128xf32, #tpu.memory_space<vmem>>, vector<1x128xf32>
    %get3A_40 = arith.constant 0 : index
    %get3A_41 = arith.constant 0 : index
    %get3A_42 = vector.load %arg7[%get3A_40, %get3A_41] : memref<1x128xf32, #tpu.memory_space<vmem>>, vector<1x128xf32>
    %reduce_sum3A = arith.constant dense<0.000000e+00> : vector<128xf32>
    %reduce_sum3A_43 = vector.multi_reduction <add>, %add3A_36, %reduce_sum3A [0] : vector<10000x128xf32> to vector<128xf32>
    %broadcast_in_dim3A = vector.shape_cast %reduce_sum3A_43 : vector<128xf32> to vector<1x128xf32>
    %div3A_44 = arith.constant 1.000000e+04 : f32
    %div3A_45 = vector.broadcast %div3A_44 : f32 to vector<1x128xf32>
    %div3A_46 = arith.divf %broadcast_in_dim3A, %div3A_45 : vector<1x128xf32>
    %sub3A = vector.broadcast %div3A_46 : vector<1x128xf32> to vector<10000x128xf32>
    %sub3A_47 = arith.subf %add3A_36, %sub3A : vector<10000x128xf32>
    %mul3A_48 = arith.mulf %sub3A_47, %sub3A_47 : vector<10000x128xf32>
    %reduce_sum3A_49 = arith.constant dense<0.000000e+00> : vector<128xf32>
    %reduce_sum3A_50 = vector.multi_reduction <add>, %mul3A_48, %reduce_sum3A_49 [0] : vector<10000x128xf32> to vector<128xf32>
    %broadcast_in_dim3A_51 = vector.shape_cast %reduce_sum3A_50 : vector<128xf32> to vector<1x128xf32>
    %div3A_52 = arith.constant 1.000000e+04 : f32
    %div3A_53 = vector.broadcast %div3A_52 : f32 to vector<1x128xf32>
    %div3A_54 = arith.divf %broadcast_in_dim3A_51, %div3A_53 : vector<1x128xf32>
    %add3A_55 = arith.constant 9.99999974E-6 : f32
    %add3A_56 = vector.broadcast %add3A_55 : f32 to vector<1x128xf32>
    %add3A_57 = arith.addf %div3A_54, %add3A_56 : vector<1x128xf32>
    %rsqrt3A = math.rsqrt %add3A_57 : vector<1x128xf32>
    %mul3A_58 = vector.broadcast %rsqrt3A : vector<1x128xf32> to vector<10000x128xf32>
    %mul3A_59 = arith.mulf %sub3A_47, %mul3A_58 : vector<10000x128xf32>
    %mul3A_60 = vector.broadcast %get3A_39 : vector<1x128xf32> to vector<10000x128xf32>
    %mul3A_61 = arith.mulf %mul3A_59, %mul3A_60 : vector<10000x128xf32>
    %add3A_62 = vector.broadcast %get3A_42 : vector<1x128xf32> to vector<10000x128xf32>
    %add3A_63 = arith.addf %mul3A_61, %add3A_62 : vector<10000x128xf32>
    %max3A_64 = arith.constant 0.000000e+00 : f32
    %max3A_65 = vector.broadcast %max3A_64 : f32 to vector<10000x128xf32>
    %max3A_66 = arith.maximumf %add3A_63, %max3A_65 : vector<10000x128xf32>
    %add3A_67 = arith.addf %get3A_1, %max3A_66 : vector<10000x128xf32>
    %get3A_68 = arith.constant 0 : index
    %get3A_69 = arith.constant 0 : index
    %get3A_70 = vector.load %arg8[%get3A_68, %get3A_69] : memref<128x64xf32, #tpu.memory_space<vmem>>, vector<128x64xf32>
    %dot_general3A_71 = arith.constant dense<0.000000e+00> : vector<10000x64xf32>
    %dot_general3A_72 = tpu.matmul %add3A_67, %get3A_70, %dot_general3A_71 {dimension_numbers = #tpu.dot_dimension_numbers<[1], [0], [0], [1], [0, 0, 1, 1], [], []>, transpose_lhs_hint = false} : vector<10000x128xf32>, vector<128x64xf32>, vector<10000x64xf32> -> vector<10000x64xf32>
    %get3A_73 = arith.constant 0 : index
    %get3A_74 = arith.constant 0 : index
    %get3A_75 = vector.load %arg9[%get3A_73, %get3A_74] : memref<1x64xf32, #tpu.memory_space<vmem>>, vector<1x64xf32>
    %add3A_76 = vector.broadcast %get3A_75 : vector<1x64xf32> to vector<10000x64xf32>
    %add3A_77 = arith.addf %dot_general3A_72, %add3A_76 : vector<10000x64xf32>
    %swap3A = arith.constant 0 : index
    %swap3A_78 = arith.constant 0 : index
    %swap3A_79 = vector.load %arg10[%swap3A, %swap3A_78] : memref<10000x64xf32, #tpu.memory_space<vmem>>, vector<10000x64xf32>
    tpu.vector_store %arg10[%swap3A, %swap3A_78], %add3A_77 {strides = array<i32>} : memref<10000x64xf32, #tpu.memory_space<vmem>>, vector<10000x64xf32>,
    return
  }
}

module attributes {stable_mosaic.version = 14 : i64} {
  func.func @body(%arg0: memref<10000x128xf32, #tpu.memory_space<vmem>>, %arg1: memref<128x128xf32, #tpu.memory_space<vmem>>, %arg2: memref<1x128xf32, #tpu.memory_space<vmem>>, %arg3: memref<1x128xf32, #tpu.memory_space<vmem>>, %arg4: memref<1x128xf32, #tpu.memory_space<vmem>>, %arg5: memref<10000x128xf32, #tpu.memory_space<vmem>>) attributes {dimension_semantics = [], scalar_prefetch = 0 : i64, scratch_operands = 0 : i64, tpu.core_type = #tpu.core_type<tc>} {
    %get3A = arith.constant 0 : index
    %get3A_0 = arith.constant 0 : index
    %get3A_1 = vector.load %arg0[%get3A, %get3A_0] : memref<10000x128xf32, #tpu.memory_space<vmem>>, vector<10000x128xf32>
    %get3A_2 = arith.constant 0 : index
    %get3A_3 = arith.constant 0 : index
    %get3A_4 = vector.load %arg1[%get3A_2, %get3A_3] : memref<128x128xf32, #tpu.memory_space<vmem>>, vector<128x128xf32>
    %dot_general3A = arith.constant dense<0.000000e+00> : vector<10000x128xf32>
    %dot_general3A_5 = tpu.matmul %get3A_1, %get3A_4, %dot_general3A {dimension_numbers = #tpu.dot_dimension_numbers<[1], [0], [0], [1], [0, 0, 1, 1], [], []>, transpose_lhs_hint = false} : vector<10000x128xf32>, vector<128x128xf32>, vector<10000x128xf32> -> vector<10000x128xf32>
    %get3A_6 = arith.constant 0 : index
    %get3A_7 = arith.constant 0 : index
    %get3A_8 = vector.load %arg2[%get3A_6, %get3A_7] : memref<1x128xf32, #tpu.memory_space<vmem>>, vector<1x128xf32>
    %add3A = vector.broadcast %get3A_8 : vector<1x128xf32> to vector<10000x128xf32>
    %add3A_9 = arith.addf %dot_general3A_5, %add3A : vector<10000x128xf32>
    %get3A_10 = arith.constant 0 : index
    %get3A_11 = arith.constant 0 : index
    %get3A_12 = vector.load %arg3[%get3A_10, %get3A_11] : memref<1x128xf32, #tpu.memory_space<vmem>>, vector<1x128xf32>
    %get3A_13 = arith.constant 0 : index
    %get3A_14 = arith.constant 0 : index
    %get3A_15 = vector.load %arg4[%get3A_13, %get3A_14] : memref<1x128xf32, #tpu.memory_space<vmem>>, vector<1x128xf32>
    %reduce_sum3A = arith.constant dense<0.000000e+00> : vector<128xf32>
    %reduce_sum3A_16 = vector.multi_reduction <add>, %add3A_9, %reduce_sum3A [0] : vector<10000x128xf32> to vector<128xf32>
    %broadcast_in_dim3A = vector.shape_cast %reduce_sum3A_16 : vector<128xf32> to vector<1x128xf32>
    %div3A = arith.constant 1.000000e+04 : f32
    %div3A_17 = vector.broadcast %div3A : f32 to vector<1x128xf32>
    %div3A_18 = arith.divf %broadcast_in_dim3A, %div3A_17 : vector<1x128xf32>
    %sub3A = vector.broadcast %div3A_18 : vector<1x128xf32> to vector<10000x128xf32>
    %sub3A_19 = arith.subf %add3A_9, %sub3A : vector<10000x128xf32>
    %mul3A = arith.mulf %sub3A_19, %sub3A_19 : vector<10000x128xf32>
    %reduce_sum3A_20 = arith.constant dense<0.000000e+00> : vector<128xf32>
    %reduce_sum3A_21 = vector.multi_reduction <add>, %mul3A, %reduce_sum3A_20 [0] : vector<10000x128xf32> to vector<128xf32>
    %broadcast_in_dim3A_22 = vector.shape_cast %reduce_sum3A_21 : vector<128xf32> to vector<1x128xf32>
    %div3A_23 = arith.constant 1.000000e+04 : f32
    %div3A_24 = vector.broadcast %div3A_23 : f32 to vector<1x128xf32>
    %div3A_25 = arith.divf %broadcast_in_dim3A_22, %div3A_24 : vector<1x128xf32>
    %add3A_26 = arith.constant 9.99999974E-6 : f32
    %add3A_27 = vector.broadcast %add3A_26 : f32 to vector<1x128xf32>
    %add3A_28 = arith.addf %div3A_25, %add3A_27 : vector<1x128xf32>
    %rsqrt3A = math.rsqrt %add3A_28 : vector<1x128xf32>
    %mul3A_29 = vector.broadcast %rsqrt3A : vector<1x128xf32> to vector<10000x128xf32>
    %mul3A_30 = arith.mulf %sub3A_19, %mul3A_29 : vector<10000x128xf32>
    %mul3A_31 = vector.broadcast %get3A_12 : vector<1x128xf32> to vector<10000x128xf32>
    %mul3A_32 = arith.mulf %mul3A_30, %mul3A_31 : vector<10000x128xf32>
    %add3A_33 = vector.broadcast %get3A_15 : vector<1x128xf32> to vector<10000x128xf32>
    %add3A_34 = arith.addf %mul3A_32, %add3A_33 : vector<10000x128xf32>
    %max3A = arith.constant 0.000000e+00 : f32
    %max3A_35 = vector.broadcast %max3A : f32 to vector<10000x128xf32>
    %max3A_36 = arith.maximumf %add3A_34, %max3A_35 : vector<10000x128xf32>
    %swap3A = arith.constant 0 : index
    %swap3A_37 = arith.constant 0 : index
    %swap3A_38 = vector.load %arg5[%swap3A, %swap3A_37] : memref<10000x128xf32, #tpu.memory_space<vmem>>, vector<10000x128xf32>
    tpu.vector_store %arg5[%swap3A, %swap3A_37], %max3A_36 {strides = array<i32>} : memref<10000x128xf32, #tpu.memory_space<vmem>>, vector<10000x128xf32>,
    return
  }
}

</mosaic_0001>

<sc_bundles>
// kernel: kernel.10.cloned.1.call-start
scs
__scs_entry_jumppad:
0x0: {  	(pc) =	sbr.rel $0x88, $3  }
0x1: {  	(tag) =	ssettag $0x0;
	lr =	simm.s32 $0x1  }
0x2: {  	[smem:$0x3F8A] =	sst lr;
	_ =	strace $0xD0000000  }
0x3: {  	_ = 	snop  }
0x4: {  	_ = 	snop  }
0x5: {  	_ = 	snop  }
0x6: {  	_ = 	snop  }
0x7: {  	_ = 	snop  }
__scs_overlays_trampoline_lowered:
0x8: {  	[smem:$0x3F99] =	sst s0  }
0x9: {  	[smem:$0x3F9A] =	sst s1  }
0xa: {  	[smem:$0x3F9B] =	sst s2  }
0xb: {  	[smem:$0x3F9C] =	sst s3  }
0xc: {  	[smem:$0x3F9D] =	sst s4  }
0xd: {  	[smem:$0x3F9E] =	sst s5  }
0xe: {  	[smem:$0x3F9F] =	sst s6  }
0xf: {  	[smem:$0x3FA0] =	sst s7  }
0x10: {  	[smem:$0x3FA1] =	sst s8  }
0x11: {  	[smem:$0x3FA2] =	sst s9;
	s0 =	simm.s32 @!p0 $0x0  }
0x12: {  	s1 =	sld [smem:$0x3F88];
	s0 =	simm.s32 @p0 $0x1  }
0x13: {  	[smem:$0x3FA3] =	sst s0;
	s0 =	simm.s32 @!p1 $0x0  }
0x14: {  	s2 =	sld [smem:$0x3F87];
	s0 =	simm.s32 @p1 $0x1  }
0x15: {  	[smem:$0x3FA4] =	sst s0;
	s0 =	simm.s32 @!p2 $0x0  }
0x16: {  	s3 =	sld [smem:$0x3FDB];
	s0 =	simm.s32 @p2 $0x1  }
0x17: {  	s4 =	simm.s32 $0x1BF5;
	[smem:$0x3FA6] =	sst s0  }
0x18: {  	s0 =	sld [smem:$0x3F89];
	_ =	swait.ge [sflag:s4], $0x0  }
0x19: {  	s7 =	sld [smem:$0x3F8A]  }
0x1a: {  	s8 =	sadd.s32 $0xFFFFE003, lr  }
0x1b: {  	s9 =	sadd.s32 $0xFFFFFEF7, lr;
	s5 =	simm.s32 $0xFFFFFFFF;
	p2 =	slt.u32 s8, $0xFFFFF086  }
0x1c: {  	p1 =	slt.u32 s9, $0xF7A;
	s5 =	simm.s32 @!p2 $0x0  }
0x1d: {  	s5 =	simm.s32 @p1 $0x1;
	p0 =	seq.s32 s7, s2  }
0x1e: {  	s7 =	smul.u32 @!p0 $0xF7A, s2;
	p2 =	seq.s32 @!p0 s5, $0x0  }
0x1f: {  	s9 =	smul.u32 $0xF7A, s1;
	s8 =	simm.s32 @!p0 $0x1BF5;
	p2 =	por !p2, p0  }
0x20: {  	[sflag:s8] =	ssyncset.s32 @!p0 $0xFFFFF086;
	s6 =	sadd.s32 @!p0 s3, s7;
	s7 =	simm.s32 @!p0 $0x108  }
0x21: {  	s3 =	sadd.s32 s3, s9;
	s6 =	sadd.s32 @!p0 $0x88, s6;
	s7 =	simm.s32 @p2 $0x1082  }
0x22: {  	[simem:s7], [sflag:s8] =	dma.local @!p0 [hbm:s6], $0xF7A  }
0x23: {  	s9 =	sor.u32 $0xD0000000, s2;
	s6 =	simm.s32 $0x108;
	_ =	swait.ge @!p0 [sflag:s8], $0x0  }
0x24: {  	s3 =	sadd.s32 $0x88, s3;
	s6 =	simm.s32 @!p1 $0x1082;
	[sflag:s4] =	ssyncset.s32 $0xFFFFF086  }
0x25: {  	[simem:s6], [sflag:s4] =	dma.local [hbm:s3], $0xF7A  }
0x26: {  	[smem:$0x3F8A] =	sst s1;
	(tag) =	ssettag s2;
	_ =	strace s9  }
0x27: {  	s1 =	sld [smem:$0x3F9A]  }
0x28: {  	s2 =	sld [smem:$0x3F9B]  }
0x29: {  	s4 =	sld [smem:$0x3F9D]  }
0x2a: {  	p0 =	seq.s32 s5, $0x0;
	s5 =	sld [smem:$0x3F9E]  }
0x2b: {  	s6 =	sld [smem:$0x3F9F]  }
0x2c: {  	s7 =	sld [smem:$0x3FA0]  }
0x2d: {  	s3 =	simm.s32 $0x108;
	s8 =	sld [smem:$0x3FA1]  }
0x2e: {  	s3 =	simm.s32 @!p0 $0x1082;
	s9 =	sld [smem:$0x3FA2]  }
0x2f: {  	lr =	sadd.s32 s0, s3;
	s0 =	sld [smem:$0x3F99]  }
0x30: {  	s3 =	sld [smem:$0x3F9C]  }
0x31: {  	[smem:$0x3FA5] =	sst s10  }
0x32: {  	s10 =	sld [smem:$0x3FA3];
	_ =	sdelay $0x3  }
0x33: {  	p0 =	seq.s32 s10, $0x1;
	s10 =	sld [smem:$0x3FA5];
	_ =	sdelay $0x3  }
0x34: {  	[smem:$0x3FA5] =	sst s10  }
0x35: {  	s10 =	sld [smem:$0x3FA4];
	_ =	sdelay $0x3  }
0x36: {  	p1 =	seq.s32 s10, $0x1;
	s10 =	sld [smem:$0x3FA5];
	_ =	sdelay $0x3  }
0x37: {  	[smem:$0x3FA5] =	sst s10  }
0x38: {  	s10 =	sld [smem:$0x3FA6]  }
0x39: {  	_ = 	snop;
	(pc) =	sbr.ind lr, $3  }
0x3a: {  	_ = 	snop  }
0x3b: {  	_ = 	snop  }
0x3c: {  	p2 =	seq.s32 s10, $0x1;
	s10 =	sld [smem:$0x3FA5]  }
0x3d: {  	_ =	shalt  }
0x3e: {  	_ =	shalt  }
0x3f: {  	_ =	shalt  }
0x40: {  	_ =	shalt  }
0x41: {  	_ =	shalt  }
0x42: {  	_ =	shalt  }
0x43: {  	_ =	shalt  }
0x44: {  	_ =	shalt  }
0x45: {  	_ =	shalt  }
0x46: {  	_ =	shalt  }
0x47: {  	_ =	shalt  }
0x48: {  	_ =	shalt  }
0x49: {  	_ =	shalt  }
0x4a: {  	_ =	shalt  }
0x4b: {  	_ =	shalt  }
0x4c: {  	_ =	shalt  }
0x4d: {  	_ =	shalt  }
0x4e: {  	_ =	shalt  }
0x4f: {  	_ =	shalt  }
0x50: {  	_ =	shalt  }
0x51: {  	_ =	shalt  }
0x52: {  	_ =	shalt  }
0x53: {  	_ =	shalt  }
0x54: {  	_ =	shalt  }
0x55: {  	_ =	shalt  }
0x56: {  	_ =	shalt  }
0x57: {  	_ =	shalt  }
0x58: {  	_ =	shalt  }
0x59: {  	_ =	shalt  }
0x5a: {  	_ =	shalt  }
0x5b: {  	_ =	shalt  }
0x5c: {  	_ =	shalt  }
0x5d: {  	_ =	shalt  }
0x5e: {  	_ =	shalt  }
0x5f: {  	_ =	shalt  }
0x60: {  	_ =	shalt  }
0x61: {  	_ =	shalt  }
0x62: {  	_ =	shalt  }
0x63: {  	_ =	shalt  }
0x64: {  	_ =	shalt  }
0x65: {  	_ =	shalt  }
0x66: {  	_ =	shalt  }
0x67: {  	_ =	shalt  }
0x68: {  	_ =	shalt  }
0x69: {  	_ =	shalt  }
0x6a: {  	_ =	shalt  }
0x6b: {  	_ =	shalt  }
0x6c: {  	_ =	shalt  }
0x6d: {  	_ =	shalt  }
0x6e: {  	_ =	shalt  }
0x6f: {  	_ =	shalt  }
0x70: {  	_ =	shalt  }
0x71: {  	_ =	shalt  }
0x72: {  	_ =	shalt  }
0x73: {  	_ =	shalt  }
0x74: {  	_ =	shalt  }
0x75: {  	_ =	shalt  }
0x76: {  	_ =	shalt  }
0x77: {  	_ =	shalt  }
0x78: {  	_ =	shalt  }
0x79: {  	_ =	shalt  }
0x7a: {  	_ =	shalt  }
0x7b: {  	_ =	shalt  }
0x7c: {  	_ =	shalt  }
0x7d: {  	_ =	shalt  }
0x7e: {  	_ =	shalt  }
0x7f: {  	_ =	shalt  }
0x80: {  	_ =	shalt  }
0x81: {  	_ =	shalt  }
0x82: {  	_ =	shalt  }
0x83: {  	_ =	shalt  }
0x84: {  	_ =	shalt  }
0x85: {  	_ =	shalt  }
0x86: {  	_ =	shalt  }
0x87: {  	_ =	shalt  }
.Lfunc_end0:
.L_simem_size_0:
called_computation_lowered:
.L_overlay_start_0:
0x88: {  	s2 =	sld [smem:$0x3FD9]  }
0x89: {  	s3 =	sld [smem:$0x3FFE];
	_ =	sdelay $0x1  }
0x8a: {  	s1 =	srdreg.scid  }
0x8b: {  	s0 =	sand.u32 $0x1, s1  }
0x8c: {  	s17 =	sshll.u32 s0, $0xA;
	s2 =	sadd.s32 s3, s2  }
0x8d: {  	s2 =	sadd.s32 s2, s17  }
0x8e: {  	[smem:$0x3FB1] =	sst s2  }
0x8f: {  	_ = 	snop  }
0x90: {  	(tm) =	ssettm $0x1  }
0x91: {  	s18 =	sld [smem:$0x3FFB];
	_ =	sdelay $0x3  }
0x92: {  	_ =	strace s18  }
0x93: {  	s2 =	sld [smem:$0x3FFC];
	_ =	sdelay $0x3  }
0x94: {  	_ =	strace s2  }
0x95: {  	s2 =	sld [smem:$0x3FFD];
	_ =	sdelay $0x3  }
0x96: {  	_ =	strace s2  }
0x97: {  	_ =	strace $0x8FFFFFFF  }
0x98: {  	s19 =	sld [smem:$0x3FDB];
	_ =	sdelay $0x1  }
0x99: {  	s20 =	simm.s32 $_scs_section_size  }
0x9a: {  	s4 =	simm.s32 $_size__tile_overlayer_lowered;
	s5 =	simm.s32 $_tile_overlayer_lowered  }
0x9b: {  	s6 =	simm.s32 $0x1BFF;
	s21 =	sshll.u32 s5, $0x1;
	s3 =	sadd.s32 s20, s19  }
0x9c: {  	s22 =	simm.s32 $0x0;
	s4 =	sshll.u32 s4, $0x1;
	s5 =	sadd.s32 s21, s3  }
0x9d: {  	[timem:s22], [sflag:s6] =	dma.local [hbm:s5], s4  }
0x9e: {  	_ =	swait.ge [sflag:s6], s4  }
0x9f: {  	s4 =	ssub.s32 $0x0, s4;
	[sflag:s6] =	ssyncset.done $0x0  }
0xa0: {  	[sflag:s6] =	ssyncadd.s32 s4;
	_ =	sdelay $0x1  }
0xa1: {  	s23 =	simm.s32 $0x1B8B  }
0xa2: {  	_ =	swait.ge [sflag:s23], $0x1  }
0xa3: {  	[sflag:s23] =	ssyncset.done $0x0  }
0xa4: {  	[sflag:s23] =	ssyncadd.s32 $0xFFFFFFFF  }
0xa5: {  	s4 =	sld [smem:$0x0]  }
0xa6: {  	s5 =	sand.u32 $0xFFFFFFFE, s1  }
0xa7: {  	p0 =	sne.s32 s1, s5  }
0xa8: {  	s5 =	sshll.u32 @p0 s5, $0xE  }
0xa9: {  	s5 =	sadd.s32 @p0 $0x11B8D, s5;
	s6 =	sshll.u32 @p0 s4, $0x11  }
0xaa: {  	s5 =	sor.u32 @p0 s6, s5  }
0xab: {  	[sflag:s5] =	ssyncadd.remote.s32 @p0 $0x1;
	_ =	sdelay $0x1  }
0xac: {  	s5 =	simm.s32 @p0 $0x1B8D  }
0xad: {  	_ =	swait.eq @p0 [sflag:s5], $0x1  }
0xae: {  	[sflag:s5] =	ssyncadd.s32 @p0 $0xFFFFFFFF  }
0xaf: {  	s6 =	sshll.u32 @!p0 s1, $0xE  }
0xb0: {  	s6 =	sor.u32 @!p0 $0x4000, s6;
	s5 =	simm.s32 @!p0 $0x1B8D  }
0xb1: {  	s4 =	sshll.u32 @!p0 s4, $0x11;
	s6 =	sadd.s32 @!p0 $0x11B8D, s6;
	_ =	swait.eq @!p0 [sflag:s5], $0x1  }
0xb2: {  	s4 =	sor.u32 @!p0 s4, s6;
	[sflag:s5] =	ssyncadd.s32 @!p0 $0xFFFFFFFF  }
0xb3: {  	s25 =	simm.s32 $0x1B8E;
	s24 =	sld [smem:$0x3FFE];
	[sflag:s4] =	ssyncadd.remote.s32 @!p0 $0x1  }
0xb4: {  	s26 =	simm.s32 $execute0_lowered;
	[smem:$0x3FD2] =	sst s25  }
0xb5: {  	s5 =	sshll.u32 s26, $0x1;
	_ =	strace $0x80000049;
	[dreg:$0x1] =	wrdreg $0xFFFFFFFF  }
0xb6: {  	s28 =	simm.s32 $_size_execute0_lowered;
	s3 =	sadd.s32 s3, s5;
	[dreg:$0x0] =	wrdreg $0x0  }
0xb7: {  	s5 =	sshll.u32 s28, $0x1;
	[dreg:$0x2] =	wrdreg s3  }
0xb8: {  	[dreg:$0x3] =	wrdreg s5  }
0xb9: {  	[dreg:$0x4] =	wrdreg $0xC0  }
0xba: {  	_ =	task [dreg:s22], $0x5FFFF  }
0xbb: {  	[dreg:$0x1] =	wrdreg $0xFFFFFFFF  }
0xbc: {  	[dreg:$0x0] =	wrdreg $0x60  }
0xbd: {  	[dreg:$0x2] =	wrdreg s24  }
0xbe: {  	[dreg:$0x3] =	wrdreg $0x68000  }
0xbf: {  	[dreg:$0x4] =	wrdreg $0x9  }
0xc0: {  	_ =	task.clear_ibuf [dreg:s22], $0x5FFFF;
	_ =	strace $0x90000049  }
0xc1: {  	s29 =	simm.s32 $0x9;
	_ =	strace $0x8000004B  }
0xc2: {  	_ =	swait.ge [sflag:s29], $0x1  }
0xc3: {  	[sflag:s29] =	ssyncadd.s32 $0xFFFFFFFF  }
0xc4: {  	_ =	strace $0x9000004B  }
0xc5: {  	_ =	sfence  }
0xc6: {  	s30 =	sld [smem:$0x0];
	_ =	sdelay $0x2  }
0xc7: {  	s31 =	sshll.u32 s1, $0xD;
	s1 =	sshrl.u32 s1, $0x2  }
0xc8: {  	s4 =	sand.u32 $0x4000, s31;
	s1 =	sadd.s32 s1, s30  }
0xc9: {  	s0 =	sor.u32 s4, s0;
	s1 =	sshll.u32 s1, $0x11  }
0xca: {  	s0 =	sor.u32 s1, s0  }
0xcb: {  	s0 =	sadd.s32 $0x8F2B, s0  }
0xcc: {  	[sflag:s0] =	ssyncadd.remote.s32 $0x1  }
0xcd: {  	_ =	sfence.sel $0xFFFF  }
0xce: {  	[dreg:$0x0] =	wrdreg $0xFFFFFFFF;
	(pc) =	sbr.abs _section_cstart, $3  }
0xcf: {  	[dreg:$0x1] =	wrdreg $0xFFFFFFFF  }
0xd0: {  	_ =	task.clear_ibuf [dreg:s22], $0x2FFFF;
	_ =	strace $0x9FFFFFFF  }
0xd1: {  	(tm) =	ssettm $0x7FFFFFFF  }
tec
execute0_lowered:
.L_overlay_start_1:
0x0: {  	(tag) =	ssettag $0x1  }
0x1: {  	s6 =	rddreg [dreg:$0x0]  }
0x2: {  	s1 =	rddreg [dreg:$0x1];
	s2 =	srdreg.scid  }
0x3: {  	s0 =	rddreg [dreg:$0x2];
	s3 =	simm.s32 $0x0;
	s7 =	sand.u32 $0x1, s2  }
0x4: {  	s13 =	simm.s32 $0x50;
	s2 =	stileid.u32;
	s5 =	smul.u32 $0x13C000, s7  }
0x5: {  	s14 =	simm.s32 $0x0;
	[smem:$0x7FF] =	sst s3;
	s8 =	smul.u32 $0x13C00, s2  }
0x6: {  	_ =	strace $0x8000004A;
	s4 =	sshll.u32 s2, $0xB;
	s10 =	smul.u32 $0x4F000, s2  }
0x7: {  	s28 =	ssub.s32 $0x2, s7;
	s7 =	sshll.u32 s7, $0xF;
	s31 =	sshll.u32 s2, $0x6  }
0x8: {  	s9 =	sadd.s32 s4, s6;
	s4 =	sadd.s32 $0x3C400, s6;
	s11 =	sshrl.u32 s28, $0x1  }
0x9: {  	s8 =	sadd.s32 s8, s5;
	s5 =	sadd.s32 $0x8DC00, s6;
	s7 =	sadd.s32 s7, s9  }
0xa: {  	s29 =	sshrl.u32 s10, $0x2;
	s30 =	ssub.s32 s28, s11;
	s9 =	simm.s32 $0x1  }
0xb: {  	s10 =	simm.s32 $0x4000;
	s11 =	sor.u32 $0x1C01, s31;
	s8 =	sshrl.u32 s8, $0x3  }
0xc: {  	s12 =	sadd.s32 s29, s1;
	s8 =	sadd.s32 s8, s6;
	s6 =	sadd.s32 $0x5200, s7  }
0xd: {  	s12 =	sshrl.u32 s12, $0x3;
	s7 =	sadd.s32 $0x8E200, s8;
	s8 =	smax.u32 s30, $0x1  }
.LBB2_1:
0xe: {  	[tilespmem:s3], [sflag:$0x1] =	stream.linear.gather [hbm4b:s6+s3], $0x4000, $0x38;
	[tilespmem:$0x1A400] =	vst v63  }
0xf: {  	_ =	swait.ge [sflag:s9], $0x4000  }
0x10: {  	[sflag:s9] =	ssyncset.done $0x0  }
0x11: {  	[sflag:s9] =	ssyncadd.s32 $0xFFFFC000  }
0x12: {  	[tilespmem:s10], [sflag:$0x1] =	stream.linear.gather [hbm4b:s5+s3], $0x2800, $0x38;
	[tilespmem:$0x1A400] =	vst v63  }
0x13: {  	_ =	swait.ge [sflag:s9], $0x2800  }
0x14: {  	[sflag:s9] =	ssyncset.done $0x0  }
0x15: {  	[sflag:s9] =	ssyncadd.s32 $0xFFFFD800  }
0x16: {  	[spmem:s12], [sflag:s11] =	dma.local [hbm:s4], $0x2780  }
0x17: {  	_ =	swait.ge [sflag:s9], $0x2780  }
0x18: {  	[sflag:s9] =	ssyncset.done $0x0  }
0x19: {  	[sflag:s9] =	ssyncadd.s32 $0xFFFFD880  }
0x1a: {  	s15 =	simm.s32 $0x0;
	[bflag:$0x0] =	sbarrier.arrive $0xFFFF  }
0x1b: {  	[spmem:s1] =	stream.indirect.scatter.add.f32 [tilespmem:s10], [sflag:$0x1], $0x80, s15, s13, $0xb8;
	[tilespmem:$0x1A400] =	vst v63  }
0x1c: {  	_ =	swait.ge [sflag:s9], $0x2800  }
0x1d: {  	s15 =	simm.s32 $0x200;
	[sflag:s9] =	ssyncset.done $0x0  }
.LBB2_2:
0x1e: {  	s16 =	sshra.s32 s15, $0x2;
	[sflag:s9] =	ssyncadd.s32 $0xFFFFD800;
	p0 =	sne.s32 s15, $0xFE00  }
0x1f: {  	[spmem:s1] =	stream.indirect.scatter.add.f32 [tilespmem:s10], [sflag:$0x1], $0x80, s16, s13, $0xb8;
	[tilespmem:$0x1A400] =	vst v63  }
.Ltmp0:
0x20: {  	_ = 	snop;
	(pc) =	sbr.rel @p0 .LBB2_2-.Ltmp0, $4  }
0x21: {  	_ = 	snop  }
0x22: {  	s15 =	sadd.s32 $0x200, s15  }
0x23: {  	_ =	swait.ge [sflag:s9], $0x2800  }
0x24: {  	[sflag:s9] =	ssyncset.done $0x0  }
0x25: {  	s14 =	sadd.s32 $0x1, s14  }
0x26: {  	[sflag:s9] =	ssyncadd.s32 $0xFFFFD800;
	p0 =	sne.s32 s14, s8  }
.Ltmp1:
0x27: {  	[bflag:$0x0] =	sbarrier.arrive $0xFFFF;
	(pc) =	sbr.rel @p0 .LBB2_1-.Ltmp1, $4  }
0x28: {  	[hbm:s7], [sflag:s11] =	dma.local [spmem:s12], $0x2780  }
0x29: {  	_ =	swait.ge [sflag:s9], $0x2780  }
0x2a: {  	[sflag:s9] =	ssyncset.done $0x0  }
0x2b: {  	[sflag:s9] =	ssyncadd.s32 $0xFFFFD880  }
0x2c: {  	_ =	sfence.sel $0x180000  }
0x2d: {  	[bflag:$0x0] =	sbarrier.arrive $0xFFFF  }
0x2e: {  	p0 =	sne.s32 s2, $0x0;
	_ =	strace $0x9000004A  }
0x2f: {  	s0 =	sadd.s32 @!p0 $0x100000, s0;
	[bflag:$0x2] =	sbarrier.arrive $0xFFFF  }
0x30: {  	[sflag:s0] =	ssyncadd.tile.s32 @!p0 $0x1;
	_ =	shalt  }
.Lfunc_end2:
_tile_overlayer_lowered:
.L_overlay_start_2:
0x31: {  	(tag) =	ssettag $0x2  }
0x32: {  	s0 =	rddreg [dreg:$0x0];
	s2 =	stileid.u32  }
0x33: {  	s1 =	rddreg [dreg:$0x1];
	p0 =	sne.s32 s2, $0x0  }
0x34: {  	s3 =	rddreg [dreg:$0x2];
	[bflag:$0x3] =	sbarrier.arrive $0xFFFF;
	s2 =	simm.s32 @!p0 $0x1C01  }
0x35: {  	[timem:s3], [sflag:s2] =	dma.local @!p0 [hbm:s0], s1  }
0x36: {  	s0 =	simm.s32 @!p0 $0x1  }
0x37: {  	_ =	swait.ge @!p0 [sflag:s0], s1  }
0x38: {  	s1 =	ssub.s32 @!p0 $0x0, s1;
	[sflag:s0] =	ssyncset.done @!p0 $0x0  }
0x39: {  	[sflag:s0] =	ssyncadd.s32 @!p0 s1  }
0x3a: {  	[bflag:$0x3] =	sbarrier.arrive $0xFFFF  }
0x3b: {  	_ =	shalt  }

// kernel: kernel.13.cloned.1.call-start
scs
__scs_entry_jumppad:
0x0: {  	(pc) =	sbr.rel $0x88, $3  }
0x1: {  	(tag) =	ssettag $0x0;
	lr =	simm.s32 $0x1  }
0x2: {  	[smem:$0x3F8A] =	sst lr;
	_ =	strace $0xD0000000  }
0x3: {  	_ = 	snop  }
0x4: {  	_ = 	snop  }
0x5: {  	_ = 	snop  }
0x6: {  	_ = 	snop  }
0x7: {  	_ = 	snop  }
__scs_overlays_trampoline_lowered:
0x8: {  	[smem:$0x3F99] =	sst s0  }
0x9: {  	[smem:$0x3F9A] =	sst s1  }
0xa: {  	[smem:$0x3F9B] =	sst s2  }
0xb: {  	[smem:$0x3F9C] =	sst s3  }
0xc: {  	[smem:$0x3F9D] =	sst s4  }
0xd: {  	[smem:$0x3F9E] =	sst s5  }
0xe: {  	[smem:$0x3F9F] =	sst s6  }
0xf: {  	[smem:$0x3FA0] =	sst s7  }
0x10: {  	[smem:$0x3FA1] =	sst s8  }
0x11: {  	[smem:$0x3FA2] =	sst s9;
	s0 =	simm.s32 @!p0 $0x0  }
0x12: {  	s1 =	sld [smem:$0x3F88];
	s0 =	simm.s32 @p0 $0x1  }
0x13: {  	[smem:$0x3FA3] =	sst s0;
	s0 =	simm.s32 @!p1 $0x0  }
0x14: {  	s2 =	sld [smem:$0x3F87];
	s0 =	simm.s32 @p1 $0x1  }
0x15: {  	[smem:$0x3FA4] =	sst s0;
	s0 =	simm.s32 @!p2 $0x0  }
0x16: {  	s3 =	sld [smem:$0x3FDB];
	s0 =	simm.s32 @p2 $0x1  }
0x17: {  	s4 =	simm.s32 $0x1BF5;
	[smem:$0x3FA6] =	sst s0  }
0x18: {  	s0 =	sld [smem:$0x3F89];
	_ =	swait.ge [sflag:s4], $0x0  }
0x19: {  	s7 =	sld [smem:$0x3F8A]  }
0x1a: {  	s8 =	sadd.s32 $0xFFFFE003, lr  }
0x1b: {  	s9 =	sadd.s32 $0xFFFFFEF7, lr;
	s5 =	simm.s32 $0xFFFFFFFF;
	p2 =	slt.u32 s8, $0xFFFFF086  }
0x1c: {  	p1 =	slt.u32 s9, $0xF7A;
	s5 =	simm.s32 @!p2 $0x0  }
0x1d: {  	s5 =	simm.s32 @p1 $0x1;
	p0 =	seq.s32 s7, s2  }
0x1e: {  	s7 =	smul.u32 @!p0 $0xF7A, s2;
	p2 =	seq.s32 @!p0 s5, $0x0  }
0x1f: {  	s9 =	smul.u32 $0xF7A, s1;
	s8 =	simm.s32 @!p0 $0x1BF5;
	p2 =	por !p2, p0  }
0x20: {  	[sflag:s8] =	ssyncset.s32 @!p0 $0xFFFFF086;
	s6 =	sadd.s32 @!p0 s3, s7;
	s7 =	simm.s32 @!p0 $0x108  }
0x21: {  	s3 =	sadd.s32 s3, s9;
	s6 =	sadd.s32 @!p0 $0x88, s6;
	s7 =	simm.s32 @p2 $0x1082  }
0x22: {  	[simem:s7], [sflag:s8] =	dma.local @!p0 [hbm:s6], $0xF7A  }
0x23: {  	s9 =	sor.u32 $0xD0000000, s2;
	s6 =	simm.s32 $0x108;
	_ =	swait.ge @!p0 [sflag:s8], $0x0  }
0x24: {  	s3 =	sadd.s32 $0x88, s3;
	s6 =	simm.s32 @!p1 $0x1082;
	[sflag:s4] =	ssyncset.s32 $0xFFFFF086  }
0x25: {  	[simem:s6], [sflag:s4] =	dma.local [hbm:s3], $0xF7A  }
0x26: {  	[smem:$0x3F8A] =	sst s1;
	(tag) =	ssettag s2;
	_ =	strace s9  }
0x27: {  	s1 =	sld [smem:$0x3F9A]  }
0x28: {  	s2 =	sld [smem:$0x3F9B]  }
0x29: {  	s4 =	sld [smem:$0x3F9D]  }
0x2a: {  	p0 =	seq.s32 s5, $0x0;
	s5 =	sld [smem:$0x3F9E]  }
0x2b: {  	s6 =	sld [smem:$0x3F9F]  }
0x2c: {  	s7 =	sld [smem:$0x3FA0]  }
0x2d: {  	s3 =	simm.s32 $0x108;
	s8 =	sld [smem:$0x3FA1]  }
0x2e: {  	s3 =	simm.s32 @!p0 $0x1082;
	s9 =	sld [smem:$0x3FA2]  }
0x2f: {  	lr =	sadd.s32 s0, s3;
	s0 =	sld [smem:$0x3F99]  }
0x30: {  	s3 =	sld [smem:$0x3F9C]  }
0x31: {  	[smem:$0x3FA5] =	sst s10  }
0x32: {  	s10 =	sld [smem:$0x3FA3];
	_ =	sdelay $0x3  }
0x33: {  	p0 =	seq.s32 s10, $0x1;
	s10 =	sld [smem:$0x3FA5];
	_ =	sdelay $0x3  }
0x34: {  	[smem:$0x3FA5] =	sst s10  }
0x35: {  	s10 =	sld [smem:$0x3FA4];
	_ =	sdelay $0x3  }
0x36: {  	p1 =	seq.s32 s10, $0x1;
	s10 =	sld [smem:$0x3FA5];
	_ =	sdelay $0x3  }
0x37: {  	[smem:$0x3FA5] =	sst s10  }
0x38: {  	s10 =	sld [smem:$0x3FA6]  }
0x39: {  	_ = 	snop;
	(pc) =	sbr.ind lr, $3  }
0x3a: {  	_ = 	snop  }
0x3b: {  	_ = 	snop  }
0x3c: {  	p2 =	seq.s32 s10, $0x1;
	s10 =	sld [smem:$0x3FA5]  }
0x3d: {  	_ =	shalt  }
0x3e: {  	_ =	shalt  }
0x3f: {  	_ =	shalt  }
0x40: {  	_ =	shalt  }
0x41: {  	_ =	shalt  }
0x42: {  	_ =	shalt  }
0x43: {  	_ =	shalt  }
0x44: {  	_ =	shalt  }
0x45: {  	_ =	shalt  }
0x46: {  	_ =	shalt  }
0x47: {  	_ =	shalt  }
0x48: {  	_ =	shalt  }
0x49: {  	_ =	shalt  }
0x4a: {  	_ =	shalt  }
0x4b: {  	_ =	shalt  }
0x4c: {  	_ =	shalt  }
0x4d: {  	_ =	shalt  }
0x4e: {  	_ =	shalt  }
0x4f: {  	_ =	shalt  }
0x50: {  	_ =	shalt  }
0x51: {  	_ =	shalt  }
0x52: {  	_ =	shalt  }
0x53: {  	_ =	shalt  }
0x54: {  	_ =	shalt  }
0x55: {  	_ =	shalt  }
0x56: {  	_ =	shalt  }
0x57: {  	_ =	shalt  }
0x58: {  	_ =	shalt  }
0x59: {  	_ =	shalt  }
0x5a: {  	_ =	shalt  }
0x5b: {  	_ =	shalt  }
0x5c: {  	_ =	shalt  }
0x5d: {  	_ =	shalt  }
0x5e: {  	_ =	shalt  }
0x5f: {  	_ =	shalt  }
0x60: {  	_ =	shalt  }
0x61: {  	_ =	shalt  }
0x62: {  	_ =	shalt  }
0x63: {  	_ =	shalt  }
0x64: {  	_ =	shalt  }
0x65: {  	_ =	shalt  }
0x66: {  	_ =	shalt  }
0x67: {  	_ =	shalt  }
0x68: {  	_ =	shalt  }
0x69: {  	_ =	shalt  }
0x6a: {  	_ =	shalt  }
0x6b: {  	_ =	shalt  }
0x6c: {  	_ =	shalt  }
0x6d: {  	_ =	shalt  }
0x6e: {  	_ =	shalt  }
0x6f: {  	_ =	shalt  }
0x70: {  	_ =	shalt  }
0x71: {  	_ =	shalt  }
0x72: {  	_ =	shalt  }
0x73: {  	_ =	shalt  }
0x74: {  	_ =	shalt  }
0x75: {  	_ =	shalt  }
0x76: {  	_ =	shalt  }
0x77: {  	_ =	shalt  }
0x78: {  	_ =	shalt  }
0x79: {  	_ =	shalt  }
0x7a: {  	_ =	shalt  }
0x7b: {  	_ =	shalt  }
0x7c: {  	_ =	shalt  }
0x7d: {  	_ =	shalt  }
0x7e: {  	_ =	shalt  }
0x7f: {  	_ =	shalt  }
0x80: {  	_ =	shalt  }
0x81: {  	_ =	shalt  }
0x82: {  	_ =	shalt  }
0x83: {  	_ =	shalt  }
0x84: {  	_ =	shalt  }
0x85: {  	_ =	shalt  }
0x86: {  	_ =	shalt  }
0x87: {  	_ =	shalt  }
.Lfunc_end0:
.L_simem_size_0:
called_computation.1_lowered:
.L_overlay_start_0:
0x88: {  	s2 =	sld [smem:$0x3FD9]  }
0x89: {  	s3 =	sld [smem:$0x3FFE];
	_ =	sdelay $0x1  }
0x8a: {  	s1 =	srdreg.scid  }
0x8b: {  	s0 =	sand.u32 $0x1, s1  }
0x8c: {  	s17 =	sshll.u32 s0, $0xA;
	s2 =	sadd.s32 s3, s2  }
0x8d: {  	s2 =	sadd.s32 s2, s17  }
0x8e: {  	[smem:$0x3FB1] =	sst s2  }
0x8f: {  	_ = 	snop  }
0x90: {  	s2 =	sld [smem:$0x3FD0];
	(tm) =	ssettm $0x1  }
0x91: {  	s18 =	sld [smem:$0x3FFB];
	_ =	sdelay $0x3  }
0x92: {  	_ =	strace s18  }
0x93: {  	s3 =	sld [smem:$0x3FFC];
	_ =	sdelay $0x3  }
0x94: {  	_ =	strace s3  }
0x95: {  	s3 =	sld [smem:$0x3FFD];
	_ =	sdelay $0x3  }
0x96: {  	_ =	strace s3  }
0x97: {  	_ =	strace $0x8FFFFFFF  }
0x98: {  	s19 =	sld [smem:$0x3FDB];
	_ =	sdelay $0x1  }
0x99: {  	s4 =	simm.s32 $_scs_section_size  }
0x9a: {  	s5 =	simm.s32 $_size__tile_overlayer_lowered;
	s6 =	simm.s32 $_tile_overlayer_lowered  }
0x9b: {  	s22 =	simm.s32 $0x1BFF;
	s21 =	sshll.u32 s6, $0x1;
	s3 =	sadd.s32 s4, s19  }
0x9c: {  	s7 =	simm.s32 $0x0;
	s20 =	sshll.u32 s5, $0x1;
	s5 =	sadd.s32 s21, s3  }
0x9d: {  	[timem:s7], [sflag:s22] =	dma.local [hbm:s5], s20  }
0x9e: {  	_ =	swait.ge [sflag:s22], s20  }
0x9f: {  	s4 =	ssub.s32 $0x0, s20;
	[sflag:s22] =	ssyncset.done $0x0  }
0xa0: {  	[sflag:s22] =	ssyncadd.s32 s4;
	_ =	sdelay $0x1  }
0xa1: {  	s23 =	simm.s32 $0x1B8B  }
0xa2: {  	_ =	swait.ge [sflag:s23], $0x1  }
0xa3: {  	[sflag:s23] =	ssyncset.done $0x0  }
0xa4: {  	s25 =	simm.s32 $0x1B8E;
	s24 =	sld [smem:$0x3FFE];
	[sflag:s23] =	ssyncadd.s32 $0xFFFFFFFF  }
0xa5: {  	s26 =	simm.s32 $execute0_lowered;
	[smem:$0x3FD2] =	sst s25  }
0xa6: {  	s5 =	sshll.u32 s26, $0x1;
	_ =	strace $0x80000046;
	[dreg:$0x1] =	wrdreg $0xFFFFFFFF  }
0xa7: {  	s28 =	simm.s32 $_size_execute0_lowered;
	s3 =	sadd.s32 s3, s5;
	[dreg:$0x0] =	wrdreg $0x0  }
0xa8: {  	s5 =	sshll.u32 s28, $0x1;
	[dreg:$0x2] =	wrdreg s3  }
0xa9: {  	[dreg:$0x3] =	wrdreg s5  }
0xaa: {  	[dreg:$0x4] =	wrdreg $0xC0  }
0xab: {  	_ =	task [dreg:s7], $0x5FFFF  }
0xac: {  	[dreg:$0x1] =	wrdreg $0xFFFFFFFF  }
0xad: {  	[dreg:$0x0] =	wrdreg $0x60  }
0xae: {  	[dreg:$0x2] =	wrdreg s24  }
0xaf: {  	[dreg:$0x3] =	wrdreg s2  }
0xb0: {  	[dreg:$0x4] =	wrdreg $0xA8000  }
0xb1: {  	[dreg:$0x5] =	wrdreg $0xA  }
0xb2: {  	_ =	task.clear_ibuf [dreg:s7], $0x6FFFF;
	_ =	strace $0x90000046  }
0xb3: {  	s29 =	simm.s32 $0xA;
	_ =	strace $0x80000048  }
0xb4: {  	_ =	swait.ge [sflag:s29], $0x1  }
0xb5: {  	[sflag:s29] =	ssyncadd.s32 $0xFFFFFFFF  }
0xb6: {  	_ =	strace $0x90000048  }
0xb7: {  	_ =	sfence  }
0xb8: {  	s30 =	sld [smem:$0x0];
	_ =	sdelay $0x2  }
0xb9: {  	s31 =	sshll.u32 s1, $0xD;
	s1 =	sshrl.u32 s1, $0x2  }
0xba: {  	s3 =	sand.u32 $0x4000, s31;
	s1 =	sadd.s32 s1, s30  }
0xbb: {  	s0 =	sor.u32 s3, s0;
	s1 =	sshll.u32 s1, $0x11  }
0xbc: {  	s0 =	sor.u32 s1, s0  }
0xbd: {  	s0 =	sadd.s32 $0x8F2B, s0  }
0xbe: {  	[sflag:s0] =	ssyncadd.remote.s32 $0x1  }
0xbf: {  	_ =	sfence.sel $0xFFFF  }
0xc0: {  	[dreg:$0x0] =	wrdreg $0xFFFFFFFF;
	(pc) =	sbr.abs _section_cstart, $3  }
0xc1: {  	[dreg:$0x1] =	wrdreg $0xFFFFFFFF  }
0xc2: {  	_ =	task.clear_ibuf [dreg:s7], $0x2FFFF;
	_ =	strace $0x9FFFFFFF  }
0xc3: {  	(tm) =	ssettm $0x7FFFFFFF  }
tec
execute0_lowered:
.L_overlay_start_1:
0x0: {  	(tag) =	ssettag $0x1  }
0x1: {  	s0 =	rddreg [dreg:$0x0]  }
0x2: {  	s2 =	rddreg [dreg:$0x1]  }
0x3: {  	s1 =	rddreg [dreg:$0x2];
	s3 =	srdreg.scid  }
0x4: {  	s11 =	stileid.u32;
	s12 =	simm.s32 $0x50;
	s13 =	simm.s32 $0x800  }
0x5: {  	s22 =	simm.s32 $0x80;
	s14 =	simm.s32 $0x3000;
	s23 =	simm.s32 $0x100  }
0x6: {  	s15 =	simm.s32 $0x1;
	s24 =	simm.s32 $0x480;
	s25 =	simm.s32 $0x180  }
0x7: {  	s26 =	simm.s32 $0x500;
	s28 =	simm.s32 $0x7;
	s29 =	simm.s32 $0x300  }
0x8: {  	s30 =	simm.s32 $0x680;
	s31 =	simm.s32 $0x8;
	s5 =	sand.u32 $0x1, s3  }
0x9: {  	s3 =	simm.s32 $0x0;
	s7 =	smul.u32 $0x13C00, s11;
	s4 =	sadd.s32 $0x15200, s0  }
0xa: {  	s9 =	smul.u32 $0x4F000, s11;
	s10 =	sadd.s32 $0x3C400, s0;
	s18 =	sshll.u32 s11, $0xB  }
0xb: {  	s20 =	sshll.u32 s11, $0x6;
	s11 =	simm.s32 $0x400;
	[smem:$0x7FF] =	sst s3  }
0xc: {  	s6 =	smul.u32 $0x13C000, s5;
	_ =	strace $0x80000047;
	[dreg:$0xb] =	wrdreg s10  }
0xd: {  	s8 =	sshll.u32 s5, $0xF;
	s5 =	ssub.s32 $0x2, s5;
	[dreg:$0x6] =	wrdreg s22  }
0xe: {  	s16 =	sadd.s32 s8, s0;
	s17 =	sshrl.u32 s5, $0x1;
	[dreg:$0x7] =	wrdreg s23  }
0xf: {  	s9 =	sshrl.u32 s9, $0x2;
	s2 =	sadd.s32 s8, s2;
	[dreg:$0x8] =	wrdreg s24  }
0x10: {  	s8 =	sor.u32 $0x1C09, s20;
	s10 =	simm.s32 $0x9;
	[dreg:$0x9] =	wrdreg s25  }
0x11: {  	[dreg:$0xa] =	wrdreg s26;
	s20 =	simm.s32 $0x5;
	s22 =	simm.s32 $0x4  }
0x12: {  	s23 =	simm.s32 $0x580;
	s24 =	simm.s32 $0x6;
	s25 =	simm.s32 $0x280  }
0x13: {  	s26 =	simm.s32 $0x600;
	s6 =	sadd.s32 s7, s6;
	s5 =	ssub.s32 s5, s17  }
0x14: {  	s19 =	sadd.s32 s9, s1;
	s7 =	sadd.s32 s18, s16;
	s2 =	sadd.s32 s18, s2  }
0x15: {  	s16 =	simm.s32 $0x5800;
	s17 =	simm.s32 $0x2;
	s18 =	simm.s32 $0x8000  }
0x16: {  	s9 =	simm.s32 $0x0;
	[dreg:$0xc] =	wrdreg s8;
	s6 =	sshrl.u32 s6, $0x3  }
0x17: {  	s7 =	sadd.s32 $0x5200, s7;
	s21 =	smax.u32 s5, $0x1;
	[dreg:$0x5] =	wrdreg s2  }
0x18: {  	s2 =	simm.s32 $0x700;
	s5 =	simm.s32 $0x780;
	[dreg:$0x4] =	wrdreg s7  }
0x19: {  	s0 =	sadd.s32 s6, s0;
	[dreg:$0xe] =	wrdreg s21;
	s7 =	sshrl.u32 s19, $0x3  }
0x1a: {  	s19 =	simm.s32 $0x3;
	s0 =	sadd.s32 $0x3EC00, s0;
	[dreg:$0xf] =	wrdreg s7  }
0x1b: {  	s21 =	simm.s32 $0x200;
	[dreg:$0xd] =	wrdreg s0;
	s0 =	simm.s32 $0x380  }
.LBB2_1:
0x1c: {  	[dreg:$0x10] =	wrdreg s9  }
0x1d: {  	s6 =	rddreg [dreg:$0xb]  }
0x1e: {  	[spmem:s7], [sflag:s8] =	dma.local [hbm:s6], $0x2780  }
0x1f: {  	_ =	swait.ge [sflag:s10], $0x2780  }
0x20: {  	[sflag:s10] =	ssyncset.done $0x0  }
0x21: {  	[sflag:s10] =	ssyncadd.s32 $0xFFFFD880  }
0x22: {  	[bflag:$0x0] =	sbarrier.arrive $0xFFFF  }
0x23: {  	s8 =	rddreg [dreg:$0x5]  }
0x24: {  	s6 =	sadd.s32 $0x0, s8  }
0x25: {  	[tilespmem:s3], [sflag:$0x9] =	stream.linear.gather [hbm4b:s6+s3], $0x400, $0x38;
	[tilespmem:$0x1E400] =	vst v63  }
0x26: {  	_ =	swait.ge [sflag:s10], $0x400  }
0x27: {  	s9 =	rddreg [dreg:$0x4];
	[sflag:s10] =	ssyncset.done $0x0  }
0x28: {  	[sflag:s10] =	ssyncadd.s32 $0xFFFFFC00;
	s6 =	sadd.s32 $0x0, s9  }
0x29: {  	[tilespmem:s11], [sflag:$0x9] =	stream.linear.gather [hbm4b:s6+s3], $0x400, $0x38;
	[tilespmem:$0x1E400] =	vst v63  }
0x2a: {  	_ =	swait.ge [sflag:s10], $0x400  }
0x2b: {  	[sflag:s10] =	ssyncset.done $0x0  }
0x2c: {  	[sflag:s10] =	ssyncadd.s32 $0xFFFFFC00  }
0x2d: {  	[tilespmem:s13], [sflag:$0x1] =	stream.indirect.gather [hbm4b:s4+s12], $0x80, s3, s12, $0xb8;
	[tilespmem:$0x1E400] =	vst v63  }
0x2e: {  	s7 =	rddreg [dreg:$0x6]  }
0x2f: {  	[tilespmem:s14], [sflag:$0x2] =	stream.indirect.gather [hbm4b:s4+s12], $0x80, s7, s12, $0xb8;
	[tilespmem:$0x1E400] =	vst v63  }
0x30: {  	_ =	swait.ge [sflag:s15], $0x2800  }
0x31: {  	[sflag:s15] =	ssyncset.done $0x0  }
0x32: {  	[sflag:s15] =	ssyncadd.s32 $0xFFFFD800  }
0x33: {  	[spmem:s1] =	stream.indirect.scatter.add.f32 [tilespmem:s13], [sflag:$0x5], $0x80, s11, s12, $0xb8;
	[tilespmem:$0x1E400] =	vst v63  }
0x34: {  	s8 =	rddreg [dreg:$0x7]  }
0x35: {  	[tilespmem:s16], [sflag:$0x3] =	stream.indirect.gather [hbm4b:s4+s12], $0x80, s8, s12, $0xb8;
	[tilespmem:$0x1E400] =	vst v63  }
0x36: {  	_ =	swait.ge [sflag:s17], $0x2800  }
0x37: {  	[sflag:s17] =	ssyncset.done $0x0  }
0x38: {  	s9 =	rddreg [dreg:$0x8];
	[sflag:s17] =	ssyncadd.s32 $0xFFFFD800  }
0x39: {  	[spmem:s1] =	stream.indirect.scatter.add.f32 [tilespmem:s14], [sflag:$0x6], $0x80, s9, s12, $0xb8;
	[tilespmem:$0x1E400] =	vst v63  }
0x3a: {  	s7 =	rddreg [dreg:$0x9]  }
0x3b: {  	[tilespmem:s18], [sflag:$0x4] =	stream.indirect.gather [hbm4b:s4+s12], $0x80, s7, s12, $0xb8;
	[tilespmem:$0x1E400] =	vst v63  }
0x3c: {  	_ =	swait.ge [sflag:s19], $0x2800  }
0x3d: {  	[sflag:s19] =	ssyncset.done $0x0  }
0x3e: {  	s9 =	rddreg [dreg:$0xa];
	[sflag:s19] =	ssyncadd.s32 $0xFFFFD800  }
0x3f: {  	[spmem:s1] =	stream.indirect.scatter.add.f32 [tilespmem:s16], [sflag:$0x7], $0x80, s9, s12, $0xb8;
	[tilespmem:$0x1E400] =	vst v63  }
0x40: {  	_ =	swait.ge [sflag:s20], $0x2800  }
0x41: {  	[sflag:s20] =	ssyncset.done $0x0  }
0x42: {  	[sflag:s20] =	ssyncadd.s32 $0xFFFFD800  }
0x43: {  	[tilespmem:s13], [sflag:$0x1] =	stream.indirect.gather [hbm4b:s4+s12], $0x80, s21, s12, $0xb8;
	[tilespmem:$0x1E400] =	vst v63  }
0x44: {  	_ =	swait.ge [sflag:s22], $0x2800  }
0x45: {  	[sflag:s22] =	ssyncset.done $0x0  }
0x46: {  	[sflag:s22] =	ssyncadd.s32 $0xFFFFD800  }
0x47: {  	[spmem:s1] =	stream.indirect.scatter.add.f32 [tilespmem:s18], [sflag:$0x8], $0x80, s23, s12, $0xb8;
	[tilespmem:$0x1E400] =	vst v63  }
0x48: {  	_ =	swait.ge [sflag:s24], $0x2800  }
0x49: {  	[sflag:s24] =	ssyncset.done $0x0  }
0x4a: {  	[sflag:s24] =	ssyncadd.s32 $0xFFFFD800  }
0x4b: {  	[tilespmem:s14], [sflag:$0x2] =	stream.indirect.gather [hbm4b:s4+s12], $0x80, s25, s12, $0xb8;
	[tilespmem:$0x1E400] =	vst v63  }
0x4c: {  	_ =	swait.ge [sflag:s15], $0x2800  }
0x4d: {  	[sflag:s15] =	ssyncset.done $0x0  }
0x4e: {  	[sflag:s15] =	ssyncadd.s32 $0xFFFFD800  }
0x4f: {  	[spmem:s1] =	stream.indirect.scatter.add.f32 [tilespmem:s13], [sflag:$0x5], $0x80, s26, s12, $0xb8;
	[tilespmem:$0x1E400] =	vst v63  }
0x50: {  	_ =	swait.ge [sflag:s28], $0x2800  }
0x51: {  	[sflag:s28] =	ssyncset.done $0x0  }
0x52: {  	[sflag:s28] =	ssyncadd.s32 $0xFFFFD800  }
0x53: {  	[tilespmem:s16], [sflag:$0x3] =	stream.indirect.gather [hbm4b:s4+s12], $0x80, s29, s12, $0xb8;
	[tilespmem:$0x1E400] =	vst v63  }
0x54: {  	_ =	swait.ge [sflag:s17], $0x2800  }
0x55: {  	[sflag:s17] =	ssyncset.done $0x0  }
0x56: {  	[sflag:s17] =	ssyncadd.s32 $0xFFFFD800  }
0x57: {  	[spmem:s1] =	stream.indirect.scatter.add.f32 [tilespmem:s14], [sflag:$0x6], $0x80, s30, s12, $0xb8;
	[tilespmem:$0x1E400] =	vst v63  }
0x58: {  	_ =	swait.ge [sflag:s31], $0x2800  }
0x59: {  	[sflag:s31] =	ssyncset.done $0x0  }
0x5a: {  	[sflag:s31] =	ssyncadd.s32 $0xFFFFD800  }
0x5b: {  	[tilespmem:s18], [sflag:$0x4] =	stream.indirect.gather [hbm4b:s4+s12], $0x80, s0, s12, $0xb8;
	[tilespmem:$0x1E400] =	vst v63  }
0x5c: {  	_ =	swait.ge [sflag:s19], $0x2800  }
0x5d: {  	[sflag:s19] =	ssyncset.done $0x0  }
0x5e: {  	[sflag:s19] =	ssyncadd.s32 $0xFFFFD800  }
0x5f: {  	[spmem:s1] =	stream.indirect.scatter.add.f32 [tilespmem:s16], [sflag:$0x7], $0x80, s2, s12, $0xb8;
	[tilespmem:$0x1E400] =	vst v63  }
0x60: {  	_ =	swait.ge [sflag:s22], $0x2800  }
0x61: {  	[sflag:s22] =	ssyncset.done $0x0  }
0x62: {  	[sflag:s22] =	ssyncadd.s32 $0xFFFFD800  }
0x63: {  	[spmem:s1] =	stream.indirect.scatter.add.f32 [tilespmem:s18], [sflag:$0x8], $0x80, s5, s12, $0xb8;
	[tilespmem:$0x1E400] =	vst v63  }
0x64: {  	_ =	swait.ge [sflag:s20], $0x2800  }
0x65: {  	[sflag:s20] =	ssyncset.done $0x0  }
0x66: {  	[sflag:s20] =	ssyncadd.s32 $0xFFFFD800  }
0x67: {  	_ =	swait.ge [sflag:s24], $0x2800  }
0x68: {  	[sflag:s24] =	ssyncset.done $0x0  }
0x69: {  	[sflag:s24] =	ssyncadd.s32 $0xFFFFD800  }
0x6a: {  	_ =	swait.ge [sflag:s28], $0x2800  }
0x6b: {  	[sflag:s28] =	ssyncset.done $0x0  }
0x6c: {  	[sflag:s28] =	ssyncadd.s32 $0xFFFFD800  }
0x6d: {  	s6 =	simm.s32 $0x100;
	_ =	swait.ge [sflag:s31], $0x2800  }
0x6e: {  	s8 =	simm.s32 $0x80;
	s9 =	rddreg [dreg:$0x5];
	[sflag:s31] =	ssyncset.done $0x0  }
.LBB2_2:
0x6f: {  	[sflag:s31] =	ssyncadd.s32 $0xFFFFD800;
	s9 =	sadd.s32 s8, s9  }
0x70: {  	[tilespmem:s3], [sflag:$0x9] =	stream.linear.gather [hbm4b:s9+s3], $0x400, $0x38;
	[tilespmem:$0x1E400] =	vst v63  }
0x71: {  	_ =	swait.ge [sflag:s10], $0x400  }
0x72: {  	s9 =	rddreg [dreg:$0x4];
	[sflag:s10] =	ssyncset.done $0x0  }
0x73: {  	[sflag:s10] =	ssyncadd.s32 $0xFFFFFC00;
	s9 =	sadd.s32 s8, s9  }
0x74: {  	[tilespmem:s11], [sflag:$0x9] =	stream.linear.gather [hbm4b:s9+s3], $0x400, $0x38;
	[tilespmem:$0x1E400] =	vst v63  }
0x75: {  	_ =	swait.ge [sflag:s10], $0x400  }
0x76: {  	[sflag:s10] =	ssyncset.done $0x0  }
0x77: {  	[sflag:s10] =	ssyncadd.s32 $0xFFFFFC00  }
0x78: {  	[tilespmem:s13], [sflag:$0x1] =	stream.indirect.gather [hbm4b:s4+s12], $0x80, s3, s12, $0xb8;
	[tilespmem:$0x1E400] =	vst v63  }
0x79: {  	s9 =	rddreg [dreg:$0x6]  }
0x7a: {  	[tilespmem:s14], [sflag:$0x2] =	stream.indirect.gather [hbm4b:s4+s12], $0x80, s9, s12, $0xb8;
	[tilespmem:$0x1E400] =	vst v63  }
0x7b: {  	_ =	swait.ge [sflag:s15], $0x2800  }
0x7c: {  	[sflag:s15] =	ssyncset.done $0x0  }
0x7d: {  	[sflag:s15] =	ssyncadd.s32 $0xFFFFD800  }
0x7e: {  	[spmem:s1] =	stream.indirect.scatter.add.f32 [tilespmem:s13], [sflag:$0x5], $0x80, s11, s12, $0xb8;
	[tilespmem:$0x1E400] =	vst v63  }
0x7f: {  	s9 =	rddreg [dreg:$0x7]  }
0x80: {  	[tilespmem:s16], [sflag:$0x3] =	stream.indirect.gather [hbm4b:s4+s12], $0x80, s9, s12, $0xb8;
	[tilespmem:$0x1E400] =	vst v63  }
0x81: {  	_ =	swait.ge [sflag:s17], $0x2800  }
0x82: {  	s7 =	smov.u32 s6;
	[sflag:s17] =	ssyncset.done $0x0  }
0x83: {  	s8 =	smov.u32 s7;
	s7 =	rddreg [dreg:$0x8];
	[sflag:s17] =	ssyncadd.s32 $0xFFFFD800  }
0x84: {  	[spmem:s1] =	stream.indirect.scatter.add.f32 [tilespmem:s14], [sflag:$0x6], $0x80, s7, s12, $0xb8;
	[tilespmem:$0x1E400] =	vst v63  }
0x85: {  	s9 =	rddreg [dreg:$0x9]  }
0x86: {  	[tilespmem:s18], [sflag:$0x4] =	stream.indirect.gather [hbm4b:s4+s12], $0x80, s9, s12, $0xb8;
	[tilespmem:$0x1E400] =	vst v63  }
0x87: {  	_ =	swait.ge [sflag:s19], $0x2800  }
0x88: {  	[sflag:s19] =	ssyncset.done $0x0  }
0x89: {  	s9 =	rddreg [dreg:$0xa];
	[sflag:s19] =	ssyncadd.s32 $0xFFFFD800  }
0x8a: {  	[spmem:s1] =	stream.indirect.scatter.add.f32 [tilespmem:s16], [sflag:$0x7], $0x80, s9, s12, $0xb8;
	[tilespmem:$0x1E400] =	vst v63  }
0x8b: {  	_ =	swait.ge [sflag:s20], $0x2800  }
0x8c: {  	[sflag:s20] =	ssyncset.done $0x0  }
0x8d: {  	[sflag:s20] =	ssyncadd.s32 $0xFFFFD800  }
0x8e: {  	[tilespmem:s13], [sflag:$0x1] =	stream.indirect.gather [hbm4b:s4+s12], $0x80, s21, s12, $0xb8;
	[tilespmem:$0x1E400] =	vst v63  }
0x8f: {  	_ =	swait.ge [sflag:s22], $0x2800  }
0x90: {  	[sflag:s22] =	ssyncset.done $0x0  }
0x91: {  	[sflag:s22] =	ssyncadd.s32 $0xFFFFD800  }
0x92: {  	[spmem:s1] =	stream.indirect.scatter.add.f32 [tilespmem:s18], [sflag:$0x8], $0x80, s23, s12, $0xb8;
	[tilespmem:$0x1E400] =	vst v63  }
0x93: {  	_ =	swait.ge [sflag:s24], $0x2800  }
0x94: {  	[sflag:s24] =	ssyncset.done $0x0  }
0x95: {  	[sflag:s24] =	ssyncadd.s32 $0xFFFFD800  }
0x96: {  	[tilespmem:s14], [sflag:$0x2] =	stream.indirect.gather [hbm4b:s4+s12], $0x80, s25, s12, $0xb8;
	[tilespmem:$0x1E400] =	vst v63  }
0x97: {  	_ =	swait.ge [sflag:s15], $0x2800  }
0x98: {  	[sflag:s15] =	ssyncset.done $0x0  }
0x99: {  	[sflag:s15] =	ssyncadd.s32 $0xFFFFD800  }
0x9a: {  	[spmem:s1] =	stream.indirect.scatter.add.f32 [tilespmem:s13], [sflag:$0x5], $0x80, s26, s12, $0xb8;
	[tilespmem:$0x1E400] =	vst v63  }
0x9b: {  	_ =	swait.ge [sflag:s28], $0x2800  }
0x9c: {  	[sflag:s28] =	ssyncset.done $0x0  }
0x9d: {  	[sflag:s28] =	ssyncadd.s32 $0xFFFFD800  }
0x9e: {  	[tilespmem:s16], [sflag:$0x3] =	stream.indirect.gather [hbm4b:s4+s12], $0x80, s29, s12, $0xb8;
	[tilespmem:$0x1E400] =	vst v63  }
0x9f: {  	_ =	swait.ge [sflag:s17], $0x2800  }
0xa0: {  	[sflag:s17] =	ssyncset.done $0x0  }
0xa1: {  	[sflag:s17] =	ssyncadd.s32 $0xFFFFD800  }
0xa2: {  	[spmem:s1] =	stream.indirect.scatter.add.f32 [tilespmem:s14], [sflag:$0x6], $0x80, s30, s12, $0xb8;
	[tilespmem:$0x1E400] =	vst v63  }
0xa3: {  	_ =	swait.ge [sflag:s31], $0x2800  }
0xa4: {  	[sflag:s31] =	ssyncset.done $0x0  }
0xa5: {  	[sflag:s31] =	ssyncadd.s32 $0xFFFFD800  }
0xa6: {  	[tilespmem:s18], [sflag:$0x4] =	stream.indirect.gather [hbm4b:s4+s12], $0x80, s0, s12, $0xb8;
	[tilespmem:$0x1E400] =	vst v63  }
0xa7: {  	_ =	swait.ge [sflag:s19], $0x2800  }
0xa8: {  	[sflag:s19] =	ssyncset.done $0x0  }
0xa9: {  	[sflag:s19] =	ssyncadd.s32 $0xFFFFD800  }
0xaa: {  	[spmem:s1] =	stream.indirect.scatter.add.f32 [tilespmem:s16], [sflag:$0x7], $0x80, s2, s12, $0xb8;
	[tilespmem:$0x1E400] =	vst v63  }
0xab: {  	_ =	swait.ge [sflag:s22], $0x2800  }
0xac: {  	[sflag:s22] =	ssyncset.done $0x0  }
0xad: {  	[sflag:s22] =	ssyncadd.s32 $0xFFFFD800  }
0xae: {  	[spmem:s1] =	stream.indirect.scatter.add.f32 [tilespmem:s18], [sflag:$0x8], $0x80, s5, s12, $0xb8;
	[tilespmem:$0x1E400] =	vst v63  }
0xaf: {  	_ =	swait.ge [sflag:s20], $0x2800  }
0xb0: {  	[sflag:s20] =	ssyncset.done $0x0  }
0xb1: {  	[sflag:s20] =	ssyncadd.s32 $0xFFFFD800  }
0xb2: {  	_ =	swait.ge [sflag:s24], $0x2800  }
0xb3: {  	[sflag:s24] =	ssyncset.done $0x0  }
0xb4: {  	p0 =	sne.s32 s6, $0x780;
	[sflag:s24] =	ssyncadd.s32 $0xFFFFD800  }
.Ltmp0:
0xb5: {  	_ =	swait.ge [sflag:s28], $0x2800;
	(pc) =	sbr.rel @p0 .LBB2_2-.Ltmp0, $4  }
0xb6: {  	[sflag:s28] =	ssyncset.done $0x0  }
0xb7: {  	[sflag:s28] =	ssyncadd.s32 $0xFFFFD800  }
0xb8: {  	_ =	swait.ge [sflag:s31], $0x2800  }
0xb9: {  	s6 =	sadd.s32 $0x80, s6;
	s9 =	rddreg [dreg:$0x5];
	[sflag:s31] =	ssyncset.done $0x0  }
0xba: {  	[sflag:s31] =	ssyncadd.s32 $0xFFFFD800;
	s6 =	sadd.s32 s8, s9  }
0xbb: {  	[tilespmem:s3], [sflag:$0x9] =	stream.linear.gather [hbm4b:s6+s3], $0x400, $0x38;
	[tilespmem:$0x1E400] =	vst v63  }
0xbc: {  	_ =	swait.ge [sflag:s10], $0x400  }
0xbd: {  	s9 =	rddreg [dreg:$0x4];
	[sflag:s10] =	ssyncset.done $0x0  }
0xbe: {  	[sflag:s10] =	ssyncadd.s32 $0xFFFFFC00;
	s6 =	sadd.s32 s8, s9  }
0xbf: {  	[tilespmem:s11], [sflag:$0x9] =	stream.linear.gather [hbm4b:s6+s3], $0x400, $0x38;
	[tilespmem:$0x1E400] =	vst v63  }
0xc0: {  	_ =	swait.ge [sflag:s10], $0x400  }
0xc1: {  	[sflag:s10] =	ssyncset.done $0x0  }
0xc2: {  	[sflag:s10] =	ssyncadd.s32 $0xFFFFFC00  }
0xc3: {  	[tilespmem:s13], [sflag:$0x1] =	stream.indirect.gather [hbm4b:s4+s12], $0x80, s3, s12, $0xb8;
	[tilespmem:$0x1E400] =	vst v63  }
0xc4: {  	s7 =	rddreg [dreg:$0x6]  }
0xc5: {  	[tilespmem:s14], [sflag:$0x2] =	stream.indirect.gather [hbm4b:s4+s12], $0x80, s7, s12, $0xb8;
	[tilespmem:$0x1E400] =	vst v63  }
0xc6: {  	_ =	swait.ge [sflag:s15], $0x2800  }
0xc7: {  	[sflag:s15] =	ssyncset.done $0x0  }
0xc8: {  	[sflag:s15] =	ssyncadd.s32 $0xFFFFD800  }
0xc9: {  	[spmem:s1] =	stream.indirect.scatter.add.f32 [tilespmem:s13], [sflag:$0x5], $0x80, s11, s12, $0xb8;
	[tilespmem:$0x1E400] =	vst v63  }
0xca: {  	s8 =	rddreg [dreg:$0x7]  }
0xcb: {  	[tilespmem:s16], [sflag:$0x3] =	stream.indirect.gather [hbm4b:s4+s12], $0x80, s8, s12, $0xb8;
	[tilespmem:$0x1E400] =	vst v63  }
0xcc: {  	_ =	swait.ge [sflag:s17], $0x2800  }
0xcd: {  	[sflag:s17] =	ssyncset.done $0x0  }
0xce: {  	s9 =	rddreg [dreg:$0x8];
	[sflag:s17] =	ssyncadd.s32 $0xFFFFD800  }
0xcf: {  	[spmem:s1] =	stream.indirect.scatter.add.f32 [tilespmem:s14], [sflag:$0x6], $0x80, s9, s12, $0xb8;
	[tilespmem:$0x1E400] =	vst v63  }
0xd0: {  	s7 =	rddreg [dreg:$0x9]  }
0xd1: {  	[tilespmem:s18], [sflag:$0x4] =	stream.indirect.gather [hbm4b:s4+s12], $0x80, s7, s12, $0xb8;
	[tilespmem:$0x1E400] =	vst v63  }
0xd2: {  	_ =	swait.ge [sflag:s19], $0x2800  }
0xd3: {  	[sflag:s19] =	ssyncset.done $0x0  }
0xd4: {  	s8 =	rddreg [dreg:$0xa];
	[sflag:s19] =	ssyncadd.s32 $0xFFFFD800  }
0xd5: {  	[spmem:s1] =	stream.indirect.scatter.add.f32 [tilespmem:s16], [sflag:$0x7], $0x80, s8, s12, $0xb8;
	[tilespmem:$0x1E400] =	vst v63  }
0xd6: {  	_ =	swait.ge [sflag:s20], $0x2800  }
0xd7: {  	[sflag:s20] =	ssyncset.done $0x0  }
0xd8: {  	[sflag:s20] =	ssyncadd.s32 $0xFFFFD800  }
0xd9: {  	[tilespmem:s13], [sflag:$0x1] =	stream.indirect.gather [hbm4b:s4+s12], $0x80, s21, s12, $0xb8;
	[tilespmem:$0x1E400] =	vst v63  }
0xda: {  	_ =	swait.ge [sflag:s22], $0x2800  }
0xdb: {  	[sflag:s22] =	ssyncset.done $0x0  }
0xdc: {  	[sflag:s22] =	ssyncadd.s32 $0xFFFFD800  }
0xdd: {  	[spmem:s1] =	stream.indirect.scatter.add.f32 [tilespmem:s18], [sflag:$0x8], $0x80, s23, s12, $0xb8;
	[tilespmem:$0x1E400] =	vst v63  }
0xde: {  	_ =	swait.ge [sflag:s24], $0x2800  }
0xdf: {  	[sflag:s24] =	ssyncset.done $0x0  }
0xe0: {  	[sflag:s24] =	ssyncadd.s32 $0xFFFFD800  }
0xe1: {  	[tilespmem:s14], [sflag:$0x2] =	stream.indirect.gather [hbm4b:s4+s12], $0x80, s25, s12, $0xb8;
	[tilespmem:$0x1E400] =	vst v63  }
0xe2: {  	_ =	swait.ge [sflag:s15], $0x2800  }
0xe3: {  	[sflag:s15] =	ssyncset.done $0x0  }
0xe4: {  	[sflag:s15] =	ssyncadd.s32 $0xFFFFD800  }
0xe5: {  	[spmem:s1] =	stream.indirect.scatter.add.f32 [tilespmem:s13], [sflag:$0x5], $0x80, s26, s12, $0xb8;
	[tilespmem:$0x1E400] =	vst v63  }
0xe6: {  	_ =	swait.ge [sflag:s28], $0x2800  }
0xe7: {  	[sflag:s28] =	ssyncset.done $0x0  }
0xe8: {  	[sflag:s28] =	ssyncadd.s32 $0xFFFFD800  }
0xe9: {  	[tilespmem:s16], [sflag:$0x3] =	stream.indirect.gather [hbm4b:s4+s12], $0x80, s29, s12, $0xb8;
	[tilespmem:$0x1E400] =	vst v63  }
0xea: {  	_ =	swait.ge [sflag:s17], $0x2800  }
0xeb: {  	[sflag:s17] =	ssyncset.done $0x0  }
0xec: {  	[sflag:s17] =	ssyncadd.s32 $0xFFFFD800  }
0xed: {  	[spmem:s1] =	stream.indirect.scatter.add.f32 [tilespmem:s14], [sflag:$0x6], $0x80, s30, s12, $0xb8;
	[tilespmem:$0x1E400] =	vst v63  }
0xee: {  	_ =	swait.ge [sflag:s31], $0x2800  }
0xef: {  	[sflag:s31] =	ssyncset.done $0x0  }
0xf0: {  	[sflag:s31] =	ssyncadd.s32 $0xFFFFD800  }
0xf1: {  	[tilespmem:s18], [sflag:$0x4] =	stream.indirect.gather [hbm4b:s4+s12], $0x80, s0, s12, $0xb8;
	[tilespmem:$0x1E400] =	vst v63  }
0xf2: {  	_ =	swait.ge [sflag:s19], $0x2800  }
0xf3: {  	[sflag:s19] =	ssyncset.done $0x0  }
0xf4: {  	[sflag:s19] =	ssyncadd.s32 $0xFFFFD800  }
0xf5: {  	[spmem:s1] =	stream.indirect.scatter.add.f32 [tilespmem:s16], [sflag:$0x7], $0x80, s2, s12, $0xb8;
	[tilespmem:$0x1E400] =	vst v63  }
0xf6: {  	_ =	swait.ge [sflag:s22], $0x2800  }
0xf7: {  	[sflag:s22] =	ssyncset.done $0x0  }
0xf8: {  	[sflag:s22] =	ssyncadd.s32 $0xFFFFD800  }
0xf9: {  	[spmem:s1] =	stream.indirect.scatter.add.f32 [tilespmem:s18], [sflag:$0x8], $0x80, s5, s12, $0xb8;
	[tilespmem:$0x1E400] =	vst v63  }
0xfa: {  	_ =	swait.ge [sflag:s20], $0x2800  }
0xfb: {  	[sflag:s20] =	ssyncset.done $0x0  }
0xfc: {  	[sflag:s20] =	ssyncadd.s32 $0xFFFFD800  }
0xfd: {  	_ =	swait.ge [sflag:s24], $0x2800  }
0xfe: {  	[sflag:s24] =	ssyncset.done $0x0  }
0xff: {  	[sflag:s24] =	ssyncadd.s32 $0xFFFFD800  }
0x100: {  	_ =	swait.ge [sflag:s28], $0x2800  }
0x101: {  	[sflag:s28] =	ssyncset.done $0x0  }
0x102: {  	[sflag:s28] =	ssyncadd.s32 $0xFFFFD800  }
0x103: {  	_ =	swait.ge [sflag:s31], $0x2800  }
0x104: {  	[sflag:s31] =	ssyncset.done $0x0  }
0x105: {  	[sflag:s31] =	ssyncadd.s32 $0xFFFFD800  }
0x106: {  	[bflag:$0x0] =	sbarrier.arrive $0xFFFF  }
0x107: {  	s8 =	rddreg [dreg:$0xc]  }
0x108: {  	s9 =	rddreg [dreg:$0xd]  }
0x109: {  	s7 =	rddreg [dreg:$0xf]  }
0x10a: {  	[hbm:s9], [sflag:s8] =	dma.local [spmem:s7], $0x2780  }
0x10b: {  	_ =	swait.ge [sflag:s10], $0x2780  }
0x10c: {  	s6 =	rddreg [dreg:$0x10]  }
0x10d: {  	s9 =	sadd.s32 $0x1, s6;
	s6 =	rddreg [dreg:$0xe]  }
0x10e: {  	p0 =	sne.s32 s9, s6  }
.Ltmp1:
0x10f: {  	_ = 	snop;
	(pc) =	sbr.rel @p0 .LBB2_1-.Ltmp1, $3  }
0x110: {  	_ =	sdelay $0x1  }
0x111: {  	[sflag:s10] =	ssyncset.done $0x0  }
0x112: {  	[sflag:s10] =	ssyncadd.s32 $0xFFFFD880  }
0x113: {  	_ =	sfence.sel $0x180000  }
0x114: {  	[bflag:$0x0] =	sbarrier.arrive $0xFFFF  }
0x115: {  	_ =	strace $0x90000047  }
0x116: {  	s0 =	stileid.u32;
	[bflag:$0x2] =	sbarrier.arrive $0xFFFF  }
0x117: {  	p0 =	sne.s32 s0, $0x0;
	s0 =	rddreg [dreg:$0x3]  }
0x118: {  	s0 =	sadd.s32 @!p0 $0x100000, s0  }
0x119: {  	[sflag:s0] =	ssyncadd.tile.s32 @!p0 $0x1;
	_ =	shalt  }
.Lfunc_end2:
_tile_overlayer_lowered:
.L_overlay_start_2:
0x11a: {  	(tag) =	ssettag $0x2  }
0x11b: {  	s0 =	rddreg [dreg:$0x0];
	s2 =	stileid.u32  }
0x11c: {  	s1 =	rddreg [dreg:$0x1];
	p0 =	sne.s32 s2, $0x0  }
0x11d: {  	s3 =	rddreg [dreg:$0x2];
	[bflag:$0x3] =	sbarrier.arrive $0xFFFF;
	s2 =	simm.s32 @!p0 $0x1C09  }
0x11e: {  	[timem:s3], [sflag:s2] =	dma.local @!p0 [hbm:s0], s1  }
0x11f: {  	s0 =	simm.s32 @!p0 $0x9  }
0x120: {  	_ =	swait.ge @!p0 [sflag:s0], s1  }
0x121: {  	s1 =	ssub.s32 @!p0 $0x0, s1;
	[sflag:s0] =	ssyncset.done @!p0 $0x0  }
0x122: {  	[sflag:s0] =	ssyncadd.s32 @!p0 s1  }
0x123: {  	[bflag:$0x3] =	sbarrier.arrive $0xFFFF  }
0x124: {  	_ =	shalt  }

// kernel: kernel.16.cloned.1.call-start
scs
__scs_entry_jumppad:
0x0: {  	(pc) =	sbr.rel $0x88, $3  }
0x1: {  	(tag) =	ssettag $0x0;
	lr =	simm.s32 $0x1  }
0x2: {  	[smem:$0x3F8A] =	sst lr;
	_ =	strace $0xD0000000  }
0x3: {  	_ = 	snop  }
0x4: {  	_ = 	snop  }
0x5: {  	_ = 	snop  }
0x6: {  	_ = 	snop  }
0x7: {  	_ = 	snop  }
__scs_overlays_trampoline_lowered:
0x8: {  	[smem:$0x3F99] =	sst s0  }
0x9: {  	[smem:$0x3F9A] =	sst s1  }
0xa: {  	[smem:$0x3F9B] =	sst s2  }
0xb: {  	[smem:$0x3F9C] =	sst s3  }
0xc: {  	[smem:$0x3F9D] =	sst s4  }
0xd: {  	[smem:$0x3F9E] =	sst s5  }
0xe: {  	[smem:$0x3F9F] =	sst s6  }
0xf: {  	[smem:$0x3FA0] =	sst s7  }
0x10: {  	[smem:$0x3FA1] =	sst s8  }
0x11: {  	[smem:$0x3FA2] =	sst s9;
	s0 =	simm.s32 @!p0 $0x0  }
0x12: {  	s1 =	sld [smem:$0x3F88];
	s0 =	simm.s32 @p0 $0x1  }
0x13: {  	[smem:$0x3FA3] =	sst s0;
	s0 =	simm.s32 @!p1 $0x0  }
0x14: {  	s2 =	sld [smem:$0x3F87];
	s0 =	simm.s32 @p1 $0x1  }
0x15: {  	[smem:$0x3FA4] =	sst s0;
	s0 =	simm.s32 @!p2 $0x0  }
0x16: {  	s3 =	sld [smem:$0x3FDB];
	s0 =	simm.s32 @p2 $0x1  }
0x17: {  	s4 =	simm.s32 $0x1BF5;
	[smem:$0x3FA6] =	sst s0  }
0x18: {  	s0 =	sld [smem:$0x3F89];
	_ =	swait.ge [sflag:s4], $0x0  }
0x19: {  	s7 =	sld [smem:$0x3F8A]  }
0x1a: {  	s8 =	sadd.s32 $0xFFFFE003, lr  }
0x1b: {  	s9 =	sadd.s32 $0xFFFFFEF7, lr;
	s5 =	simm.s32 $0xFFFFFFFF;
	p2 =	slt.u32 s8, $0xFFFFF086  }
0x1c: {  	p1 =	slt.u32 s9, $0xF7A;
	s5 =	simm.s32 @!p2 $0x0  }
0x1d: {  	s5 =	simm.s32 @p1 $0x1;
	p0 =	seq.s32 s7, s2  }
0x1e: {  	s7 =	smul.u32 @!p0 $0xF7A, s2;
	p2 =	seq.s32 @!p0 s5, $0x0  }
0x1f: {  	s9 =	smul.u32 $0xF7A, s1;
	s8 =	simm.s32 @!p0 $0x1BF5;
	p2 =	por !p2, p0  }
0x20: {  	[sflag:s8] =	ssyncset.s32 @!p0 $0xFFFFF086;
	s6 =	sadd.s32 @!p0 s3, s7;
	s7 =	simm.s32 @!p0 $0x108  }
0x21: {  	s3 =	sadd.s32 s3, s9;
	s6 =	sadd.s32 @!p0 $0x88, s6;
	s7 =	simm.s32 @p2 $0x1082  }
0x22: {  	[simem:s7], [sflag:s8] =	dma.local @!p0 [hbm:s6], $0xF7A  }
0x23: {  	s9 =	sor.u32 $0xD0000000, s2;
	s6 =	simm.s32 $0x108;
	_ =	swait.ge @!p0 [sflag:s8], $0x0  }
0x24: {  	s3 =	sadd.s32 $0x88, s3;
	s6 =	simm.s32 @!p1 $0x1082;
	[sflag:s4] =	ssyncset.s32 $0xFFFFF086  }
0x25: {  	[simem:s6], [sflag:s4] =	dma.local [hbm:s3], $0xF7A  }
0x26: {  	[smem:$0x3F8A] =	sst s1;
	(tag) =	ssettag s2;
	_ =	strace s9  }
0x27: {  	s1 =	sld [smem:$0x3F9A]  }
0x28: {  	s2 =	sld [smem:$0x3F9B]  }
0x29: {  	s4 =	sld [smem:$0x3F9D]  }
0x2a: {  	p0 =	seq.s32 s5, $0x0;
	s5 =	sld [smem:$0x3F9E]  }
0x2b: {  	s6 =	sld [smem:$0x3F9F]  }
0x2c: {  	s7 =	sld [smem:$0x3FA0]  }
0x2d: {  	s3 =	simm.s32 $0x108;
	s8 =	sld [smem:$0x3FA1]  }
0x2e: {  	s3 =	simm.s32 @!p0 $0x1082;
	s9 =	sld [smem:$0x3FA2]  }
0x2f: {  	lr =	sadd.s32 s0, s3;
	s0 =	sld [smem:$0x3F99]  }
0x30: {  	s3 =	sld [smem:$0x3F9C]  }
0x31: {  	[smem:$0x3FA5] =	sst s10  }
0x32: {  	s10 =	sld [smem:$0x3FA3];
	_ =	sdelay $0x3  }
0x33: {  	p0 =	seq.s32 s10, $0x1;
	s10 =	sld [smem:$0x3FA5];
	_ =	sdelay $0x3  }
0x34: {  	[smem:$0x3FA5] =	sst s10  }
0x35: {  	s10 =	sld [smem:$0x3FA4];
	_ =	sdelay $0x3  }
0x36: {  	p1 =	seq.s32 s10, $0x1;
	s10 =	sld [smem:$0x3FA5];
	_ =	sdelay $0x3  }
0x37: {  	[smem:$0x3FA5] =	sst s10  }
0x38: {  	s10 =	sld [smem:$0x3FA6]  }
0x39: {  	_ = 	snop;
	(pc) =	sbr.ind lr, $3  }
0x3a: {  	_ = 	snop  }
0x3b: {  	_ = 	snop  }
0x3c: {  	p2 =	seq.s32 s10, $0x1;
	s10 =	sld [smem:$0x3FA5]  }
0x3d: {  	_ =	shalt  }
0x3e: {  	_ =	shalt  }
0x3f: {  	_ =	shalt  }
0x40: {  	_ =	shalt  }
0x41: {  	_ =	shalt  }
0x42: {  	_ =	shalt  }
0x43: {  	_ =	shalt  }
0x44: {  	_ =	shalt  }
0x45: {  	_ =	shalt  }
0x46: {  	_ =	shalt  }
0x47: {  	_ =	shalt  }
0x48: {  	_ =	shalt  }
0x49: {  	_ =	shalt  }
0x4a: {  	_ =	shalt  }
0x4b: {  	_ =	shalt  }
0x4c: {  	_ =	shalt  }
0x4d: {  	_ =	shalt  }
0x4e: {  	_ =	shalt  }
0x4f: {  	_ =	shalt  }
0x50: {  	_ =	shalt  }
0x51: {  	_ =	shalt  }
0x52: {  	_ =	shalt  }
0x53: {  	_ =	shalt  }
0x54: {  	_ =	shalt  }
0x55: {  	_ =	shalt  }
0x56: {  	_ =	shalt  }
0x57: {  	_ =	shalt  }
0x58: {  	_ =	shalt  }
0x59: {  	_ =	shalt  }
0x5a: {  	_ =	shalt  }
0x5b: {  	_ =	shalt  }
0x5c: {  	_ =	shalt  }
0x5d: {  	_ =	shalt  }
0x5e: {  	_ =	shalt  }
0x5f: {  	_ =	shalt  }
0x60: {  	_ =	shalt  }
0x61: {  	_ =	shalt  }
0x62: {  	_ =	shalt  }
0x63: {  	_ =	shalt  }
0x64: {  	_ =	shalt  }
0x65: {  	_ =	shalt  }
0x66: {  	_ =	shalt  }
0x67: {  	_ =	shalt  }
0x68: {  	_ =	shalt  }
0x69: {  	_ =	shalt  }
0x6a: {  	_ =	shalt  }
0x6b: {  	_ =	shalt  }
0x6c: {  	_ =	shalt  }
0x6d: {  	_ =	shalt  }
0x6e: {  	_ =	shalt  }
0x6f: {  	_ =	shalt  }
0x70: {  	_ =	shalt  }
0x71: {  	_ =	shalt  }
0x72: {  	_ =	shalt  }
0x73: {  	_ =	shalt  }
0x74: {  	_ =	shalt  }
0x75: {  	_ =	shalt  }
0x76: {  	_ =	shalt  }
0x77: {  	_ =	shalt  }
0x78: {  	_ =	shalt  }
0x79: {  	_ =	shalt  }
0x7a: {  	_ =	shalt  }
0x7b: {  	_ =	shalt  }
0x7c: {  	_ =	shalt  }
0x7d: {  	_ =	shalt  }
0x7e: {  	_ =	shalt  }
0x7f: {  	_ =	shalt  }
0x80: {  	_ =	shalt  }
0x81: {  	_ =	shalt  }
0x82: {  	_ =	shalt  }
0x83: {  	_ =	shalt  }
0x84: {  	_ =	shalt  }
0x85: {  	_ =	shalt  }
0x86: {  	_ =	shalt  }
0x87: {  	_ =	shalt  }
.Lfunc_end0:
.L_simem_size_0:
called_computation.2_lowered:
.L_overlay_start_0:
0x88: {  	s2 =	sld [smem:$0x3FD9]  }
0x89: {  	s3 =	sld [smem:$0x3FFE];
	_ =	sdelay $0x1  }
0x8a: {  	s1 =	srdreg.scid  }
0x8b: {  	s0 =	sand.u32 $0x1, s1  }
0x8c: {  	s17 =	sshll.u32 s0, $0xA;
	s2 =	sadd.s32 s3, s2  }
0x8d: {  	s2 =	sadd.s32 s2, s17  }
0x8e: {  	[smem:$0x3FB1] =	sst s2  }
0x8f: {  	_ = 	snop  }
0x90: {  	s2 =	sld [smem:$0x3FD0];
	(tm) =	ssettm $0x1  }
0x91: {  	s18 =	sld [smem:$0x3FFB];
	_ =	sdelay $0x3  }
0x92: {  	_ =	strace s18  }
0x93: {  	s3 =	sld [smem:$0x3FFC];
	_ =	sdelay $0x3  }
0x94: {  	_ =	strace s3  }
0x95: {  	s3 =	sld [smem:$0x3FFD];
	_ =	sdelay $0x3  }
0x96: {  	_ =	strace s3  }
0x97: {  	_ =	strace $0x8FFFFFFF  }
0x98: {  	s19 =	sld [smem:$0x3FDB];
	_ =	sdelay $0x1  }
0x99: {  	s4 =	simm.s32 $_scs_section_size  }
0x9a: {  	s5 =	simm.s32 $_size__tile_overlayer_lowered;
	s6 =	simm.s32 $_tile_overlayer_lowered  }
0x9b: {  	s22 =	simm.s32 $0x1BFF;
	s21 =	sshll.u32 s6, $0x1;
	s3 =	sadd.s32 s4, s19  }
0x9c: {  	s7 =	simm.s32 $0x0;
	s20 =	sshll.u32 s5, $0x1;
	s5 =	sadd.s32 s21, s3  }
0x9d: {  	[timem:s7], [sflag:s22] =	dma.local [hbm:s5], s20  }
0x9e: {  	_ =	swait.ge [sflag:s22], s20  }
0x9f: {  	s4 =	ssub.s32 $0x0, s20;
	[sflag:s22] =	ssyncset.done $0x0  }
0xa0: {  	[sflag:s22] =	ssyncadd.s32 s4;
	_ =	sdelay $0x1  }
0xa1: {  	s23 =	simm.s32 $0x1B8B  }
0xa2: {  	_ =	swait.ge [sflag:s23], $0x1  }
0xa3: {  	[sflag:s23] =	ssyncset.done $0x0  }
0xa4: {  	s25 =	simm.s32 $0x1B8E;
	s24 =	sld [smem:$0x3FFE];
	[sflag:s23] =	ssyncadd.s32 $0xFFFFFFFF  }
0xa5: {  	s26 =	simm.s32 $execute0_lowered;
	[smem:$0x3FD2] =	sst s25  }
0xa6: {  	s5 =	sshll.u32 s26, $0x1;
	_ =	strace $0x8000004C;
	[dreg:$0x1] =	wrdreg $0xFFFFFFFF  }
0xa7: {  	s28 =	simm.s32 $_size_execute0_lowered;
	s3 =	sadd.s32 s3, s5;
	[dreg:$0x0] =	wrdreg $0x0  }
0xa8: {  	s5 =	sshll.u32 s28, $0x1;
	[dreg:$0x2] =	wrdreg s3  }
0xa9: {  	[dreg:$0x3] =	wrdreg s5  }
0xaa: {  	[dreg:$0x4] =	wrdreg $0xC0  }
0xab: {  	_ =	task [dreg:s7], $0x5FFFF  }
0xac: {  	[dreg:$0x1] =	wrdreg $0xFFFFFFFF  }
0xad: {  	[dreg:$0x0] =	wrdreg $0x60  }
0xae: {  	[dreg:$0x2] =	wrdreg s24  }
0xaf: {  	[dreg:$0x3] =	wrdreg s2  }
0xb0: {  	[dreg:$0x4] =	wrdreg $0xA8000  }
0xb1: {  	[dreg:$0x5] =	wrdreg $0x9  }
0xb2: {  	_ =	task.clear_ibuf [dreg:s7], $0x6FFFF;
	_ =	strace $0x9000004C  }
0xb3: {  	s29 =	simm.s32 $0x9;
	_ =	strace $0x8000004E  }
0xb4: {  	_ =	swait.ge [sflag:s29], $0x1  }
0xb5: {  	[sflag:s29] =	ssyncadd.s32 $0xFFFFFFFF  }
0xb6: {  	_ =	strace $0x9000004E  }
0xb7: {  	_ =	sfence  }
0xb8: {  	s30 =	sld [smem:$0x0];
	_ =	sdelay $0x2  }
0xb9: {  	s31 =	sshll.u32 s1, $0xD;
	s1 =	sshrl.u32 s1, $0x2  }
0xba: {  	s3 =	sand.u32 $0x4000, s31;
	s1 =	sadd.s32 s1, s30  }
0xbb: {  	s0 =	sor.u32 s3, s0;
	s1 =	sshll.u32 s1, $0x11  }
0xbc: {  	s0 =	sor.u32 s1, s0  }
0xbd: {  	s0 =	sadd.s32 $0x8F2B, s0  }
0xbe: {  	[sflag:s0] =	ssyncadd.remote.s32 $0x1  }
0xbf: {  	_ =	sfence.sel $0xFFFF  }
0xc0: {  	[dreg:$0x0] =	wrdreg $0xFFFFFFFF;
	(pc) =	sbr.abs _section_cstart, $3  }
0xc1: {  	[dreg:$0x1] =	wrdreg $0xFFFFFFFF  }
0xc2: {  	_ =	task.clear_ibuf [dreg:s7], $0x2FFFF;
	_ =	strace $0x9FFFFFFF  }
0xc3: {  	(tm) =	ssettm $0x7FFFFFFF  }
tec
execute0_lowered:
.L_overlay_start_1:
0x0: {  	(tag) =	ssettag $0x1  }
0x1: {  	s0 =	rddreg [dreg:$0x0]  }
0x2: {  	s2 =	rddreg [dreg:$0x1]  }
0x3: {  	s1 =	rddreg [dreg:$0x2];
	s3 =	srdreg.scid  }
0x4: {  	s11 =	stileid.u32;
	s12 =	simm.s32 $0x50;
	s13 =	simm.s32 $0x800  }
0x5: {  	s22 =	simm.s32 $0x80;
	s14 =	simm.s32 $0x3000;
	s23 =	simm.s32 $0x100  }
0x6: {  	s15 =	simm.s32 $0x1;
	s24 =	simm.s32 $0x480;
	s25 =	simm.s32 $0x180  }
0x7: {  	s26 =	simm.s32 $0x500;
	s28 =	simm.s32 $0x7;
	s29 =	simm.s32 $0x300  }
0x8: {  	s30 =	simm.s32 $0x680;
	s31 =	simm.s32 $0x8;
	s5 =	sand.u32 $0x1, s3  }
0x9: {  	s3 =	simm.s32 $0x0;
	s7 =	smul.u32 $0x13C00, s11;
	s4 =	sadd.s32 $0x15200, s0  }
0xa: {  	s9 =	smul.u32 $0x4F000, s11;
	s10 =	sadd.s32 $0x3C400, s0;
	s18 =	sshll.u32 s11, $0xB  }
0xb: {  	s20 =	sshll.u32 s11, $0x6;
	s11 =	simm.s32 $0x400;
	[smem:$0x7FF] =	sst s3  }
0xc: {  	s6 =	smul.u32 $0x13C000, s5;
	_ =	strace $0x8000004D;
	[dreg:$0xb] =	wrdreg s10  }
0xd: {  	s8 =	sshll.u32 s5, $0xF;
	s5 =	ssub.s32 $0x2, s5;
	[dreg:$0x6] =	wrdreg s22  }
0xe: {  	s16 =	sadd.s32 s8, s0;
	s17 =	sshrl.u32 s5, $0x1;
	[dreg:$0x7] =	wrdreg s23  }
0xf: {  	s9 =	sshrl.u32 s9, $0x2;
	s2 =	sadd.s32 s8, s2;
	[dreg:$0x8] =	wrdreg s24  }
0x10: {  	s8 =	sor.u32 $0x1C09, s20;
	s10 =	simm.s32 $0x9;
	[dreg:$0x9] =	wrdreg s25  }
0x11: {  	[dreg:$0xa] =	wrdreg s26;
	s20 =	simm.s32 $0x5;
	s22 =	simm.s32 $0x4  }
0x12: {  	s23 =	simm.s32 $0x580;
	s24 =	simm.s32 $0x6;
	s25 =	simm.s32 $0x280  }
0x13: {  	s26 =	simm.s32 $0x600;
	s6 =	sadd.s32 s7, s6;
	s5 =	ssub.s32 s5, s17  }
0x14: {  	s19 =	sadd.s32 s9, s1;
	s7 =	sadd.s32 s18, s16;
	s2 =	sadd.s32 s18, s2  }
0x15: {  	s16 =	simm.s32 $0x5800;
	s17 =	simm.s32 $0x2;
	s18 =	simm.s32 $0x8000  }
0x16: {  	s9 =	simm.s32 $0x0;
	[dreg:$0xc] =	wrdreg s8;
	s6 =	sshrl.u32 s6, $0x3  }
0x17: {  	s7 =	sadd.s32 $0x5200, s7;
	s21 =	smax.u32 s5, $0x1;
	[dreg:$0x5] =	wrdreg s2  }
0x18: {  	s2 =	simm.s32 $0x700;
	s5 =	simm.s32 $0x780;
	[dreg:$0x4] =	wrdreg s7  }
0x19: {  	s0 =	sadd.s32 s6, s0;
	[dreg:$0xe] =	wrdreg s21;
	s7 =	sshrl.u32 s19, $0x3  }
0x1a: {  	s19 =	simm.s32 $0x3;
	s0 =	sadd.s32 $0x3EC00, s0;
	[dreg:$0xf] =	wrdreg s7  }
0x1b: {  	s21 =	simm.s32 $0x200;
	[dreg:$0xd] =	wrdreg s0;
	s0 =	simm.s32 $0x380  }
.LBB2_1:
0x1c: {  	[dreg:$0x10] =	wrdreg s9  }
0x1d: {  	s6 =	rddreg [dreg:$0xb]  }
0x1e: {  	[spmem:s7], [sflag:s8] =	dma.local [hbm:s6], $0x2780  }
0x1f: {  	_ =	swait.ge [sflag:s10], $0x2780  }
0x20: {  	[sflag:s10] =	ssyncset.done $0x0  }
0x21: {  	[sflag:s10] =	ssyncadd.s32 $0xFFFFD880  }
0x22: {  	[bflag:$0x0] =	sbarrier.arrive $0xFFFF  }
0x23: {  	s8 =	rddreg [dreg:$0x5]  }
0x24: {  	s6 =	sadd.s32 $0x0, s8  }
0x25: {  	[tilespmem:s3], [sflag:$0x9] =	stream.linear.gather [hbm4b:s6+s3], $0x400, $0x38;
	[tilespmem:$0x1E400] =	vst v63  }
0x26: {  	_ =	swait.ge [sflag:s10], $0x400  }
0x27: {  	s9 =	rddreg [dreg:$0x4];
	[sflag:s10] =	ssyncset.done $0x0  }
0x28: {  	[sflag:s10] =	ssyncadd.s32 $0xFFFFFC00;
	s6 =	sadd.s32 $0x0, s9  }
0x29: {  	[tilespmem:s11], [sflag:$0x9] =	stream.linear.gather [hbm4b:s6+s3], $0x400, $0x38;
	[tilespmem:$0x1E400] =	vst v63  }
0x2a: {  	_ =	swait.ge [sflag:s10], $0x400  }
0x2b: {  	[sflag:s10] =	ssyncset.done $0x0  }
0x2c: {  	[sflag:s10] =	ssyncadd.s32 $0xFFFFFC00  }
0x2d: {  	[tilespmem:s13], [sflag:$0x1] =	stream.indirect.gather [hbm4b:s4+s12], $0x80, s3, s12, $0xb8;
	[tilespmem:$0x1E400] =	vst v63  }
0x2e: {  	s7 =	rddreg [dreg:$0x6]  }
0x2f: {  	[tilespmem:s14], [sflag:$0x2] =	stream.indirect.gather [hbm4b:s4+s12], $0x80, s7, s12, $0xb8;
	[tilespmem:$0x1E400] =	vst v63  }
0x30: {  	_ =	swait.ge [sflag:s15], $0x2800  }
0x31: {  	[sflag:s15] =	ssyncset.done $0x0  }
0x32: {  	[sflag:s15] =	ssyncadd.s32 $0xFFFFD800  }
0x33: {  	[spmem:s1] =	stream.indirect.scatter.add.f32 [tilespmem:s13], [sflag:$0x5], $0x80, s11, s12, $0xb8;
	[tilespmem:$0x1E400] =	vst v63  }
0x34: {  	s8 =	rddreg [dreg:$0x7]  }
0x35: {  	[tilespmem:s16], [sflag:$0x3] =	stream.indirect.gather [hbm4b:s4+s12], $0x80, s8, s12, $0xb8;
	[tilespmem:$0x1E400] =	vst v63  }
0x36: {  	_ =	swait.ge [sflag:s17], $0x2800  }
0x37: {  	[sflag:s17] =	ssyncset.done $0x0  }
0x38: {  	s9 =	rddreg [dreg:$0x8];
	[sflag:s17] =	ssyncadd.s32 $0xFFFFD800  }
0x39: {  	[spmem:s1] =	stream.indirect.scatter.add.f32 [tilespmem:s14], [sflag:$0x6], $0x80, s9, s12, $0xb8;
	[tilespmem:$0x1E400] =	vst v63  }
0x3a: {  	s7 =	rddreg [dreg:$0x9]  }
0x3b: {  	[tilespmem:s18], [sflag:$0x4] =	stream.indirect.gather [hbm4b:s4+s12], $0x80, s7, s12, $0xb8;
	[tilespmem:$0x1E400] =	vst v63  }
0x3c: {  	_ =	swait.ge [sflag:s19], $0x2800  }
0x3d: {  	[sflag:s19] =	ssyncset.done $0x0  }
0x3e: {  	s9 =	rddreg [dreg:$0xa];
	[sflag:s19] =	ssyncadd.s32 $0xFFFFD800  }
0x3f: {  	[spmem:s1] =	stream.indirect.scatter.add.f32 [tilespmem:s16], [sflag:$0x7], $0x80, s9, s12, $0xb8;
	[tilespmem:$0x1E400] =	vst v63  }
0x40: {  	_ =	swait.ge [sflag:s20], $0x2800  }
0x41: {  	[sflag:s20] =	ssyncset.done $0x0  }
0x42: {  	[sflag:s20] =	ssyncadd.s32 $0xFFFFD800  }
0x43: {  	[tilespmem:s13], [sflag:$0x1] =	stream.indirect.gather [hbm4b:s4+s12], $0x80, s21, s12, $0xb8;
	[tilespmem:$0x1E400] =	vst v63  }
0x44: {  	_ =	swait.ge [sflag:s22], $0x2800  }
0x45: {  	[sflag:s22] =	ssyncset.done $0x0  }
0x46: {  	[sflag:s22] =	ssyncadd.s32 $0xFFFFD800  }
0x47: {  	[spmem:s1] =	stream.indirect.scatter.add.f32 [tilespmem:s18], [sflag:$0x8], $0x80, s23, s12, $0xb8;
	[tilespmem:$0x1E400] =	vst v63  }
0x48: {  	_ =	swait.ge [sflag:s24], $0x2800  }
0x49: {  	[sflag:s24] =	ssyncset.done $0x0  }
0x4a: {  	[sflag:s24] =	ssyncadd.s32 $0xFFFFD800  }
0x4b: {  	[tilespmem:s14], [sflag:$0x2] =	stream.indirect.gather [hbm4b:s4+s12], $0x80, s25, s12, $0xb8;
	[tilespmem:$0x1E400] =	vst v63  }
0x4c: {  	_ =	swait.ge [sflag:s15], $0x2800  }
0x4d: {  	[sflag:s15] =	ssyncset.done $0x0  }
0x4e: {  	[sflag:s15] =	ssyncadd.s32 $0xFFFFD800  }
0x4f: {  	[spmem:s1] =	stream.indirect.scatter.add.f32 [tilespmem:s13], [sflag:$0x5], $0x80, s26, s12, $0xb8;
	[tilespmem:$0x1E400] =	vst v63  }
0x50: {  	_ =	swait.ge [sflag:s28], $0x2800  }
0x51: {  	[sflag:s28] =	ssyncset.done $0x0  }
0x52: {  	[sflag:s28] =	ssyncadd.s32 $0xFFFFD800  }
0x53: {  	[tilespmem:s16], [sflag:$0x3] =	stream.indirect.gather [hbm4b:s4+s12], $0x80, s29, s12, $0xb8;
	[tilespmem:$0x1E400] =	vst v63  }
0x54: {  	_ =	swait.ge [sflag:s17], $0x2800  }
0x55: {  	[sflag:s17] =	ssyncset.done $0x0  }
0x56: {  	[sflag:s17] =	ssyncadd.s32 $0xFFFFD800  }
0x57: {  	[spmem:s1] =	stream.indirect.scatter.add.f32 [tilespmem:s14], [sflag:$0x6], $0x80, s30, s12, $0xb8;
	[tilespmem:$0x1E400] =	vst v63  }
0x58: {  	_ =	swait.ge [sflag:s31], $0x2800  }
0x59: {  	[sflag:s31] =	ssyncset.done $0x0  }
0x5a: {  	[sflag:s31] =	ssyncadd.s32 $0xFFFFD800  }
0x5b: {  	[tilespmem:s18], [sflag:$0x4] =	stream.indirect.gather [hbm4b:s4+s12], $0x80, s0, s12, $0xb8;
	[tilespmem:$0x1E400] =	vst v63  }
0x5c: {  	_ =	swait.ge [sflag:s19], $0x2800  }
0x5d: {  	[sflag:s19] =	ssyncset.done $0x0  }
0x5e: {  	[sflag:s19] =	ssyncadd.s32 $0xFFFFD800  }
0x5f: {  	[spmem:s1] =	stream.indirect.scatter.add.f32 [tilespmem:s16], [sflag:$0x7], $0x80, s2, s12, $0xb8;
	[tilespmem:$0x1E400] =	vst v63  }
0x60: {  	_ =	swait.ge [sflag:s22], $0x2800  }
0x61: {  	[sflag:s22] =	ssyncset.done $0x0  }
0x62: {  	[sflag:s22] =	ssyncadd.s32 $0xFFFFD800  }
0x63: {  	[spmem:s1] =	stream.indirect.scatter.add.f32 [tilespmem:s18], [sflag:$0x8], $0x80, s5, s12, $0xb8;
	[tilespmem:$0x1E400] =	vst v63  }
0x64: {  	_ =	swait.ge [sflag:s20], $0x2800  }
0x65: {  	[sflag:s20] =	ssyncset.done $0x0  }
0x66: {  	[sflag:s20] =	ssyncadd.s32 $0xFFFFD800  }
0x67: {  	_ =	swait.ge [sflag:s24], $0x2800  }
0x68: {  	[sflag:s24] =	ssyncset.done $0x0  }
0x69: {  	[sflag:s24] =	ssyncadd.s32 $0xFFFFD800  }
0x6a: {  	_ =	swait.ge [sflag:s28], $0x2800  }
0x6b: {  	[sflag:s28] =	ssyncset.done $0x0  }
0x6c: {  	[sflag:s28] =	ssyncadd.s32 $0xFFFFD800  }
0x6d: {  	s6 =	simm.s32 $0x100;
	_ =	swait.ge [sflag:s31], $0x2800  }
0x6e: {  	s8 =	simm.s32 $0x80;
	s9 =	rddreg [dreg:$0x5];
	[sflag:s31] =	ssyncset.done $0x0  }
.LBB2_2:
0x6f: {  	[sflag:s31] =	ssyncadd.s32 $0xFFFFD800;
	s9 =	sadd.s32 s8, s9  }
0x70: {  	[tilespmem:s3], [sflag:$0x9] =	stream.linear.gather [hbm4b:s9+s3], $0x400, $0x38;
	[tilespmem:$0x1E400] =	vst v63  }
0x71: {  	_ =	swait.ge [sflag:s10], $0x400  }
0x72: {  	s9 =	rddreg [dreg:$0x4];
	[sflag:s10] =	ssyncset.done $0x0  }
0x73: {  	[sflag:s10] =	ssyncadd.s32 $0xFFFFFC00;
	s9 =	sadd.s32 s8, s9  }
0x74: {  	[tilespmem:s11], [sflag:$0x9] =	stream.linear.gather [hbm4b:s9+s3], $0x400, $0x38;
	[tilespmem:$0x1E400] =	vst v63  }
0x75: {  	_ =	swait.ge [sflag:s10], $0x400  }
0x76: {  	[sflag:s10] =	ssyncset.done $0x0  }
0x77: {  	[sflag:s10] =	ssyncadd.s32 $0xFFFFFC00  }
0x78: {  	[tilespmem:s13], [sflag:$0x1] =	stream.indirect.gather [hbm4b:s4+s12], $0x80, s3, s12, $0xb8;
	[tilespmem:$0x1E400] =	vst v63  }
0x79: {  	s9 =	rddreg [dreg:$0x6]  }
0x7a: {  	[tilespmem:s14], [sflag:$0x2] =	stream.indirect.gather [hbm4b:s4+s12], $0x80, s9, s12, $0xb8;
	[tilespmem:$0x1E400] =	vst v63  }
0x7b: {  	_ =	swait.ge [sflag:s15], $0x2800  }
0x7c: {  	[sflag:s15] =	ssyncset.done $0x0  }
0x7d: {  	[sflag:s15] =	ssyncadd.s32 $0xFFFFD800  }
0x7e: {  	[spmem:s1] =	stream.indirect.scatter.add.f32 [tilespmem:s13], [sflag:$0x5], $0x80, s11, s12, $0xb8;
	[tilespmem:$0x1E400] =	vst v63  }
0x7f: {  	s9 =	rddreg [dreg:$0x7]  }
0x80: {  	[tilespmem:s16], [sflag:$0x3] =	stream.indirect.gather [hbm4b:s4+s12], $0x80, s9, s12, $0xb8;
	[tilespmem:$0x1E400] =	vst v63  }
0x81: {  	_ =	swait.ge [sflag:s17], $0x2800  }
0x82: {  	s7 =	smov.u32 s6;
	[sflag:s17] =	ssyncset.done $0x0  }
0x83: {  	s8 =	smov.u32 s7;
	s7 =	rddreg [dreg:$0x8];
	[sflag:s17] =	ssyncadd.s32 $0xFFFFD800  }
0x84: {  	[spmem:s1] =	stream.indirect.scatter.add.f32 [tilespmem:s14], [sflag:$0x6], $0x80, s7, s12, $0xb8;
	[tilespmem:$0x1E400] =	vst v63  }
0x85: {  	s9 =	rddreg [dreg:$0x9]  }
0x86: {  	[tilespmem:s18], [sflag:$0x4] =	stream.indirect.gather [hbm4b:s4+s12], $0x80, s9, s12, $0xb8;
	[tilespmem:$0x1E400] =	vst v63  }
0x87: {  	_ =	swait.ge [sflag:s19], $0x2800  }
0x88: {  	[sflag:s19] =	ssyncset.done $0x0  }
0x89: {  	s9 =	rddreg [dreg:$0xa];
	[sflag:s19] =	ssyncadd.s32 $0xFFFFD800  }
0x8a: {  	[spmem:s1] =	stream.indirect.scatter.add.f32 [tilespmem:s16], [sflag:$0x7], $0x80, s9, s12, $0xb8;
	[tilespmem:$0x1E400] =	vst v63  }
0x8b: {  	_ =	swait.ge [sflag:s20], $0x2800  }
0x8c: {  	[sflag:s20] =	ssyncset.done $0x0  }
0x8d: {  	[sflag:s20] =	ssyncadd.s32 $0xFFFFD800  }
0x8e: {  	[tilespmem:s13], [sflag:$0x1] =	stream.indirect.gather [hbm4b:s4+s12], $0x80, s21, s12, $0xb8;
	[tilespmem:$0x1E400] =	vst v63  }
0x8f: {  	_ =	swait.ge [sflag:s22], $0x2800  }
0x90: {  	[sflag:s22] =	ssyncset.done $0x0  }
0x91: {  	[sflag:s22] =	ssyncadd.s32 $0xFFFFD800  }
0x92: {  	[spmem:s1] =	stream.indirect.scatter.add.f32 [tilespmem:s18], [sflag:$0x8], $0x80, s23, s12, $0xb8;
	[tilespmem:$0x1E400] =	vst v63  }
0x93: {  	_ =	swait.ge [sflag:s24], $0x2800  }
0x94: {  	[sflag:s24] =	ssyncset.done $0x0  }
0x95: {  	[sflag:s24] =	ssyncadd.s32 $0xFFFFD800  }
0x96: {  	[tilespmem:s14], [sflag:$0x2] =	stream.indirect.gather [hbm4b:s4+s12], $0x80, s25, s12, $0xb8;
	[tilespmem:$0x1E400] =	vst v63  }
0x97: {  	_ =	swait.ge [sflag:s15], $0x2800  }
0x98: {  	[sflag:s15] =	ssyncset.done $0x0  }
0x99: {  	[sflag:s15] =	ssyncadd.s32 $0xFFFFD800  }
0x9a: {  	[spmem:s1] =	stream.indirect.scatter.add.f32 [tilespmem:s13], [sflag:$0x5], $0x80, s26, s12, $0xb8;
	[tilespmem:$0x1E400] =	vst v63  }
0x9b: {  	_ =	swait.ge [sflag:s28], $0x2800  }
0x9c: {  	[sflag:s28] =	ssyncset.done $0x0  }
0x9d: {  	[sflag:s28] =	ssyncadd.s32 $0xFFFFD800  }
0x9e: {  	[tilespmem:s16], [sflag:$0x3] =	stream.indirect.gather [hbm4b:s4+s12], $0x80, s29, s12, $0xb8;
	[tilespmem:$0x1E400] =	vst v63  }
0x9f: {  	_ =	swait.ge [sflag:s17], $0x2800  }
0xa0: {  	[sflag:s17] =	ssyncset.done $0x0  }
0xa1: {  	[sflag:s17] =	ssyncadd.s32 $0xFFFFD800  }
0xa2: {  	[spmem:s1] =	stream.indirect.scatter.add.f32 [tilespmem:s14], [sflag:$0x6], $0x80, s30, s12, $0xb8;
	[tilespmem:$0x1E400] =	vst v63  }
0xa3: {  	_ =	swait.ge [sflag:s31], $0x2800  }
0xa4: {  	[sflag:s31] =	ssyncset.done $0x0  }
0xa5: {  	[sflag:s31] =	ssyncadd.s32 $0xFFFFD800  }
0xa6: {  	[tilespmem:s18], [sflag:$0x4] =	stream.indirect.gather [hbm4b:s4+s12], $0x80, s0, s12, $0xb8;
	[tilespmem:$0x1E400] =	vst v63  }
0xa7: {  	_ =	swait.ge [sflag:s19], $0x2800  }
0xa8: {  	[sflag:s19] =	ssyncset.done $0x0  }
0xa9: {  	[sflag:s19] =	ssyncadd.s32 $0xFFFFD800  }
0xaa: {  	[spmem:s1] =	stream.indirect.scatter.add.f32 [tilespmem:s16], [sflag:$0x7], $0x80, s2, s12, $0xb8;
	[tilespmem:$0x1E400] =	vst v63  }
0xab: {  	_ =	swait.ge [sflag:s22], $0x2800  }
0xac: {  	[sflag:s22] =	ssyncset.done $0x0  }
0xad: {  	[sflag:s22] =	ssyncadd.s32 $0xFFFFD800  }
0xae: {  	[spmem:s1] =	stream.indirect.scatter.add.f32 [tilespmem:s18], [sflag:$0x8], $0x80, s5, s12, $0xb8;
	[tilespmem:$0x1E400] =	vst v63  }
0xaf: {  	_ =	swait.ge [sflag:s20], $0x2800  }
0xb0: {  	[sflag:s20] =	ssyncset.done $0x0  }
0xb1: {  	[sflag:s20] =	ssyncadd.s32 $0xFFFFD800  }
0xb2: {  	_ =	swait.ge [sflag:s24], $0x2800  }
0xb3: {  	[sflag:s24] =	ssyncset.done $0x0  }
0xb4: {  	p0 =	sne.s32 s6, $0x780;
	[sflag:s24] =	ssyncadd.s32 $0xFFFFD800  }
.Ltmp0:
0xb5: {  	_ =	swait.ge [sflag:s28], $0x2800;
	(pc) =	sbr.rel @p0 .LBB2_2-.Ltmp0, $4  }
0xb6: {  	[sflag:s28] =	ssyncset.done $0x0  }
0xb7: {  	[sflag:s28] =	ssyncadd.s32 $0xFFFFD800  }
0xb8: {  	_ =	swait.ge [sflag:s31], $0x2800  }
0xb9: {  	s6 =	sadd.s32 $0x80, s6;
	s9 =	rddreg [dreg:$0x5];
	[sflag:s31] =	ssyncset.done $0x0  }
0xba: {  	[sflag:s31] =	ssyncadd.s32 $0xFFFFD800;
	s6 =	sadd.s32 s8, s9  }
0xbb: {  	[tilespmem:s3], [sflag:$0x9] =	stream.linear.gather [hbm4b:s6+s3], $0x400, $0x38;
	[tilespmem:$0x1E400] =	vst v63  }
0xbc: {  	_ =	swait.ge [sflag:s10], $0x400  }
0xbd: {  	s9 =	rddreg [dreg:$0x4];
	[sflag:s10] =	ssyncset.done $0x0  }
0xbe: {  	[sflag:s10] =	ssyncadd.s32 $0xFFFFFC00;
	s6 =	sadd.s32 s8, s9  }
0xbf: {  	[tilespmem:s11], [sflag:$0x9] =	stream.linear.gather [hbm4b:s6+s3], $0x400, $0x38;
	[tilespmem:$0x1E400] =	vst v63  }
0xc0: {  	_ =	swait.ge [sflag:s10], $0x400  }
0xc1: {  	[sflag:s10] =	ssyncset.done $0x0  }
0xc2: {  	[sflag:s10] =	ssyncadd.s32 $0xFFFFFC00  }
0xc3: {  	[tilespmem:s13], [sflag:$0x1] =	stream.indirect.gather [hbm4b:s4+s12], $0x80, s3, s12, $0xb8;
	[tilespmem:$0x1E400] =	vst v63  }
0xc4: {  	s7 =	rddreg [dreg:$0x6]  }
0xc5: {  	[tilespmem:s14], [sflag:$0x2] =	stream.indirect.gather [hbm4b:s4+s12], $0x80, s7, s12, $0xb8;
	[tilespmem:$0x1E400] =	vst v63  }
0xc6: {  	_ =	swait.ge [sflag:s15], $0x2800  }
0xc7: {  	[sflag:s15] =	ssyncset.done $0x0  }
0xc8: {  	[sflag:s15] =	ssyncadd.s32 $0xFFFFD800  }
0xc9: {  	[spmem:s1] =	stream.indirect.scatter.add.f32 [tilespmem:s13], [sflag:$0x5], $0x80, s11, s12, $0xb8;
	[tilespmem:$0x1E400] =	vst v63  }
0xca: {  	s8 =	rddreg [dreg:$0x7]  }
0xcb: {  	[tilespmem:s16], [sflag:$0x3] =	stream.indirect.gather [hbm4b:s4+s12], $0x80, s8, s12, $0xb8;
	[tilespmem:$0x1E400] =	vst v63  }
0xcc: {  	_ =	swait.ge [sflag:s17], $0x2800  }
0xcd: {  	[sflag:s17] =	ssyncset.done $0x0  }
0xce: {  	s9 =	rddreg [dreg:$0x8];
	[sflag:s17] =	ssyncadd.s32 $0xFFFFD800  }
0xcf: {  	[spmem:s1] =	stream.indirect.scatter.add.f32 [tilespmem:s14], [sflag:$0x6], $0x80, s9, s12, $0xb8;
	[tilespmem:$0x1E400] =	vst v63  }
0xd0: {  	s7 =	rddreg [dreg:$0x9]  }
0xd1: {  	[tilespmem:s18], [sflag:$0x4] =	stream.indirect.gather [hbm4b:s4+s12], $0x80, s7, s12, $0xb8;
	[tilespmem:$0x1E400] =	vst v63  }
0xd2: {  	_ =	swait.ge [sflag:s19], $0x2800  }
0xd3: {  	[sflag:s19] =	ssyncset.done $0x0  }
0xd4: {  	s8 =	rddreg [dreg:$0xa];
	[sflag:s19] =	ssyncadd.s32 $0xFFFFD800  }
0xd5: {  	[spmem:s1] =	stream.indirect.scatter.add.f32 [tilespmem:s16], [sflag:$0x7], $0x80, s8, s12, $0xb8;
	[tilespmem:$0x1E400] =	vst v63  }
0xd6: {  	_ =	swait.ge [sflag:s20], $0x2800  }
0xd7: {  	[sflag:s20] =	ssyncset.done $0x0  }
0xd8: {  	[sflag:s20] =	ssyncadd.s32 $0xFFFFD800  }
0xd9: {  	[tilespmem:s13], [sflag:$0x1] =	stream.indirect.gather [hbm4b:s4+s12], $0x80, s21, s12, $0xb8;
	[tilespmem:$0x1E400] =	vst v63  }
0xda: {  	_ =	swait.ge [sflag:s22], $0x2800  }
0xdb: {  	[sflag:s22] =	ssyncset.done $0x0  }
0xdc: {  	[sflag:s22] =	ssyncadd.s32 $0xFFFFD800  }
0xdd: {  	[spmem:s1] =	stream.indirect.scatter.add.f32 [tilespmem:s18], [sflag:$0x8], $0x80, s23, s12, $0xb8;
	[tilespmem:$0x1E400] =	vst v63  }
0xde: {  	_ =	swait.ge [sflag:s24], $0x2800  }
0xdf: {  	[sflag:s24] =	ssyncset.done $0x0  }
0xe0: {  	[sflag:s24] =	ssyncadd.s32 $0xFFFFD800  }
0xe1: {  	[tilespmem:s14], [sflag:$0x2] =	stream.indirect.gather [hbm4b:s4+s12], $0x80, s25, s12, $0xb8;
	[tilespmem:$0x1E400] =	vst v63  }
0xe2: {  	_ =	swait.ge [sflag:s15], $0x2800  }
0xe3: {  	[sflag:s15] =	ssyncset.done $0x0  }
0xe4: {  	[sflag:s15] =	ssyncadd.s32 $0xFFFFD800  }
0xe5: {  	[spmem:s1] =	stream.indirect.scatter.add.f32 [tilespmem:s13], [sflag:$0x5], $0x80, s26, s12, $0xb8;
	[tilespmem:$0x1E400] =	vst v63  }
0xe6: {  	_ =	swait.ge [sflag:s28], $0x2800  }
0xe7: {  	[sflag:s28] =	ssyncset.done $0x0  }
0xe8: {  	[sflag:s28] =	ssyncadd.s32 $0xFFFFD800  }
0xe9: {  	[tilespmem:s16], [sflag:$0x3] =	stream.indirect.gather [hbm4b:s4+s12], $0x80, s29, s12, $0xb8;
	[tilespmem:$0x1E400] =	vst v63  }
0xea: {  	_ =	swait.ge [sflag:s17], $0x2800  }
0xeb: {  	[sflag:s17] =	ssyncset.done $0x0  }
0xec: {  	[sflag:s17] =	ssyncadd.s32 $0xFFFFD800  }
0xed: {  	[spmem:s1] =	stream.indirect.scatter.add.f32 [tilespmem:s14], [sflag:$0x6], $0x80, s30, s12, $0xb8;
	[tilespmem:$0x1E400] =	vst v63  }
0xee: {  	_ =	swait.ge [sflag:s31], $0x2800  }
0xef: {  	[sflag:s31] =	ssyncset.done $0x0  }
0xf0: {  	[sflag:s31] =	ssyncadd.s32 $0xFFFFD800  }
0xf1: {  	[tilespmem:s18], [sflag:$0x4] =	stream.indirect.gather [hbm4b:s4+s12], $0x80, s0, s12, $0xb8;
	[tilespmem:$0x1E400] =	vst v63  }
0xf2: {  	_ =	swait.ge [sflag:s19], $0x2800  }
0xf3: {  	[sflag:s19] =	ssyncset.done $0x0  }
0xf4: {  	[sflag:s19] =	ssyncadd.s32 $0xFFFFD800  }
0xf5: {  	[spmem:s1] =	stream.indirect.scatter.add.f32 [tilespmem:s16], [sflag:$0x7], $0x80, s2, s12, $0xb8;
	[tilespmem:$0x1E400] =	vst v63  }
0xf6: {  	_ =	swait.ge [sflag:s22], $0x2800  }
0xf7: {  	[sflag:s22] =	ssyncset.done $0x0  }
0xf8: {  	[sflag:s22] =	ssyncadd.s32 $0xFFFFD800  }
0xf9: {  	[spmem:s1] =	stream.indirect.scatter.add.f32 [tilespmem:s18], [sflag:$0x8], $0x80, s5, s12, $0xb8;
	[tilespmem:$0x1E400] =	vst v63  }
0xfa: {  	_ =	swait.ge [sflag:s20], $0x2800  }
0xfb: {  	[sflag:s20] =	ssyncset.done $0x0  }
0xfc: {  	[sflag:s20] =	ssyncadd.s32 $0xFFFFD800  }
0xfd: {  	_ =	swait.ge [sflag:s24], $0x2800  }
0xfe: {  	[sflag:s24] =	ssyncset.done $0x0  }
0xff: {  	[sflag:s24] =	ssyncadd.s32 $0xFFFFD800  }
0x100: {  	_ =	swait.ge [sflag:s28], $0x2800  }
0x101: {  	[sflag:s28] =	ssyncset.done $0x0  }
0x102: {  	[sflag:s28] =	ssyncadd.s32 $0xFFFFD800  }
0x103: {  	_ =	swait.ge [sflag:s31], $0x2800  }
0x104: {  	[sflag:s31] =	ssyncset.done $0x0  }
0x105: {  	[sflag:s31] =	ssyncadd.s32 $0xFFFFD800  }
0x106: {  	[bflag:$0x0] =	sbarrier.arrive $0xFFFF  }
0x107: {  	s8 =	rddreg [dreg:$0xc]  }
0x108: {  	s9 =	rddreg [dreg:$0xd]  }
0x109: {  	s7 =	rddreg [dreg:$0xf]  }
0x10a: {  	[hbm:s9], [sflag:s8] =	dma.local [spmem:s7], $0x2780  }
0x10b: {  	_ =	swait.ge [sflag:s10], $0x2780  }
0x10c: {  	s6 =	rddreg [dreg:$0x10]  }
0x10d: {  	s9 =	sadd.s32 $0x1, s6;
	s6 =	rddreg [dreg:$0xe]  }
0x10e: {  	p0 =	sne.s32 s9, s6  }
.Ltmp1:
0x10f: {  	_ = 	snop;
	(pc) =	sbr.rel @p0 .LBB2_1-.Ltmp1, $3  }
0x110: {  	_ =	sdelay $0x1  }
0x111: {  	[sflag:s10] =	ssyncset.done $0x0  }
0x112: {  	[sflag:s10] =	ssyncadd.s32 $0xFFFFD880  }
0x113: {  	_ =	sfence.sel $0x180000  }
0x114: {  	[bflag:$0x0] =	sbarrier.arrive $0xFFFF  }
0x115: {  	_ =	strace $0x9000004D  }
0x116: {  	s0 =	stileid.u32;
	[bflag:$0x2] =	sbarrier.arrive $0xFFFF  }
0x117: {  	p0 =	sne.s32 s0, $0x0;
	s0 =	rddreg [dreg:$0x3]  }
0x118: {  	s0 =	sadd.s32 @!p0 $0x100000, s0  }
0x119: {  	[sflag:s0] =	ssyncadd.tile.s32 @!p0 $0x1;
	_ =	shalt  }
.Lfunc_end2:
_tile_overlayer_lowered:
.L_overlay_start_2:
0x11a: {  	(tag) =	ssettag $0x2  }
0x11b: {  	s0 =	rddreg [dreg:$0x0];
	s2 =	stileid.u32  }
0x11c: {  	s1 =	rddreg [dreg:$0x1];
	p0 =	sne.s32 s2, $0x0  }
0x11d: {  	s3 =	rddreg [dreg:$0x2];
	[bflag:$0x3] =	sbarrier.arrive $0xFFFF;
	s2 =	simm.s32 @!p0 $0x1C09  }
0x11e: {  	[timem:s3], [sflag:s2] =	dma.local @!p0 [hbm:s0], s1  }
0x11f: {  	s0 =	simm.s32 @!p0 $0x9  }
0x120: {  	_ =	swait.ge @!p0 [sflag:s0], s1  }
0x121: {  	s1 =	ssub.s32 @!p0 $0x0, s1;
	[sflag:s0] =	ssyncset.done @!p0 $0x0  }
0x122: {  	[sflag:s0] =	ssyncadd.s32 @!p0 s1  }
0x123: {  	[bflag:$0x3] =	sbarrier.arrive $0xFFFF  }
0x124: {  	_ =	shalt  }

// kernel: kernel.19.cloned.1.call-start
scs
__scs_entry_jumppad:
0x0: {  	(pc) =	sbr.rel $0x88, $3  }
0x1: {  	(tag) =	ssettag $0x0;
	lr =	simm.s32 $0x1  }
0x2: {  	[smem:$0x3F8A] =	sst lr;
	_ =	strace $0xD0000000  }
0x3: {  	_ = 	snop  }
0x4: {  	_ = 	snop  }
0x5: {  	_ = 	snop  }
0x6: {  	_ = 	snop  }
0x7: {  	_ = 	snop  }
__scs_overlays_trampoline_lowered:
0x8: {  	[smem:$0x3F99] =	sst s0  }
0x9: {  	[smem:$0x3F9A] =	sst s1  }
0xa: {  	[smem:$0x3F9B] =	sst s2  }
0xb: {  	[smem:$0x3F9C] =	sst s3  }
0xc: {  	[smem:$0x3F9D] =	sst s4  }
0xd: {  	[smem:$0x3F9E] =	sst s5  }
0xe: {  	[smem:$0x3F9F] =	sst s6  }
0xf: {  	[smem:$0x3FA0] =	sst s7  }
0x10: {  	[smem:$0x3FA1] =	sst s8  }
0x11: {  	[smem:$0x3FA2] =	sst s9;
	s0 =	simm.s32 @!p0 $0x0  }
0x12: {  	s1 =	sld [smem:$0x3F88];
	s0 =	simm.s32 @p0 $0x1  }
0x13: {  	[smem:$0x3FA3] =	sst s0;
	s0 =	simm.s32 @!p1 $0x0  }
0x14: {  	s2 =	sld [smem:$0x3F87];
	s0 =	simm.s32 @p1 $0x1  }
0x15: {  	[smem:$0x3FA4] =	sst s0;
	s0 =	simm.s32 @!p2 $0x0  }
0x16: {  	s3 =	sld [smem:$0x3FDB];
	s0 =	simm.s32 @p2 $0x1  }
0x17: {  	s4 =	simm.s32 $0x1BF5;
	[smem:$0x3FA6] =	sst s0  }
0x18: {  	s0 =	sld [smem:$0x3F89];
	_ =	swait.ge [sflag:s4], $0x0  }
0x19: {  	s7 =	sld [smem:$0x3F8A]  }
0x1a: {  	s8 =	sadd.s32 $0xFFFFE003, lr  }
0x1b: {  	s9 =	sadd.s32 $0xFFFFFEF7, lr;
	s5 =	simm.s32 $0xFFFFFFFF;
	p2 =	slt.u32 s8, $0xFFFFF086  }
0x1c: {  	p1 =	slt.u32 s9, $0xF7A;
	s5 =	simm.s32 @!p2 $0x0  }
0x1d: {  	s5 =	simm.s32 @p1 $0x1;
	p0 =	seq.s32 s7, s2  }
0x1e: {  	s7 =	smul.u32 @!p0 $0xF7A, s2;
	p2 =	seq.s32 @!p0 s5, $0x0  }
0x1f: {  	s9 =	smul.u32 $0xF7A, s1;
	s8 =	simm.s32 @!p0 $0x1BF5;
	p2 =	por !p2, p0  }
0x20: {  	[sflag:s8] =	ssyncset.s32 @!p0 $0xFFFFF086;
	s6 =	sadd.s32 @!p0 s3, s7;
	s7 =	simm.s32 @!p0 $0x108  }
0x21: {  	s3 =	sadd.s32 s3, s9;
	s6 =	sadd.s32 @!p0 $0x88, s6;
	s7 =	simm.s32 @p2 $0x1082  }
0x22: {  	[simem:s7], [sflag:s8] =	dma.local @!p0 [hbm:s6], $0xF7A  }
0x23: {  	s9 =	sor.u32 $0xD0000000, s2;
	s6 =	simm.s32 $0x108;
	_ =	swait.ge @!p0 [sflag:s8], $0x0  }
0x24: {  	s3 =	sadd.s32 $0x88, s3;
	s6 =	simm.s32 @!p1 $0x1082;
	[sflag:s4] =	ssyncset.s32 $0xFFFFF086  }
0x25: {  	[simem:s6], [sflag:s4] =	dma.local [hbm:s3], $0xF7A  }
0x26: {  	[smem:$0x3F8A] =	sst s1;
	(tag) =	ssettag s2;
	_ =	strace s9  }
0x27: {  	s1 =	sld [smem:$0x3F9A]  }
0x28: {  	s2 =	sld [smem:$0x3F9B]  }
0x29: {  	s4 =	sld [smem:$0x3F9D]  }
0x2a: {  	p0 =	seq.s32 s5, $0x0;
	s5 =	sld [smem:$0x3F9E]  }
0x2b: {  	s6 =	sld [smem:$0x3F9F]  }
0x2c: {  	s7 =	sld [smem:$0x3FA0]  }
0x2d: {  	s3 =	simm.s32 $0x108;
	s8 =	sld [smem:$0x3FA1]  }
0x2e: {  	s3 =	simm.s32 @!p0 $0x1082;
	s9 =	sld [smem:$0x3FA2]  }
0x2f: {  	lr =	sadd.s32 s0, s3;
	s0 =	sld [smem:$0x3F99]  }
0x30: {  	s3 =	sld [smem:$0x3F9C]  }
0x31: {  	[smem:$0x3FA5] =	sst s10  }
0x32: {  	s10 =	sld [smem:$0x3FA3];
	_ =	sdelay $0x3  }
0x33: {  	p0 =	seq.s32 s10, $0x1;
	s10 =	sld [smem:$0x3FA5];
	_ =	sdelay $0x3  }
0x34: {  	[smem:$0x3FA5] =	sst s10  }
0x35: {  	s10 =	sld [smem:$0x3FA4];
	_ =	sdelay $0x3  }
0x36: {  	p1 =	seq.s32 s10, $0x1;
	s10 =	sld [smem:$0x3FA5];
	_ =	sdelay $0x3  }
0x37: {  	[smem:$0x3FA5] =	sst s10  }
0x38: {  	s10 =	sld [smem:$0x3FA6]  }
0x39: {  	_ = 	snop;
	(pc) =	sbr.ind lr, $3  }
0x3a: {  	_ = 	snop  }
0x3b: {  	_ = 	snop  }
0x3c: {  	p2 =	seq.s32 s10, $0x1;
	s10 =	sld [smem:$0x3FA5]  }
0x3d: {  	_ =	shalt  }
0x3e: {  	_ =	shalt  }
0x3f: {  	_ =	shalt  }
0x40: {  	_ =	shalt  }
0x41: {  	_ =	shalt  }
0x42: {  	_ =	shalt  }
0x43: {  	_ =	shalt  }
0x44: {  	_ =	shalt  }
0x45: {  	_ =	shalt  }
0x46: {  	_ =	shalt  }
0x47: {  	_ =	shalt  }
0x48: {  	_ =	shalt  }
0x49: {  	_ =	shalt  }
0x4a: {  	_ =	shalt  }
0x4b: {  	_ =	shalt  }
0x4c: {  	_ =	shalt  }
0x4d: {  	_ =	shalt  }
0x4e: {  	_ =	shalt  }
0x4f: {  	_ =	shalt  }
0x50: {  	_ =	shalt  }
0x51: {  	_ =	shalt  }
0x52: {  	_ =	shalt  }
0x53: {  	_ =	shalt  }
0x54: {  	_ =	shalt  }
0x55: {  	_ =	shalt  }
0x56: {  	_ =	shalt  }
0x57: {  	_ =	shalt  }
0x58: {  	_ =	shalt  }
0x59: {  	_ =	shalt  }
0x5a: {  	_ =	shalt  }
0x5b: {  	_ =	shalt  }
0x5c: {  	_ =	shalt  }
0x5d: {  	_ =	shalt  }
0x5e: {  	_ =	shalt  }
0x5f: {  	_ =	shalt  }
0x60: {  	_ =	shalt  }
0x61: {  	_ =	shalt  }
0x62: {  	_ =	shalt  }
0x63: {  	_ =	shalt  }
0x64: {  	_ =	shalt  }
0x65: {  	_ =	shalt  }
0x66: {  	_ =	shalt  }
0x67: {  	_ =	shalt  }
0x68: {  	_ =	shalt  }
0x69: {  	_ =	shalt  }
0x6a: {  	_ =	shalt  }
0x6b: {  	_ =	shalt  }
0x6c: {  	_ =	shalt  }
0x6d: {  	_ =	shalt  }
0x6e: {  	_ =	shalt  }
0x6f: {  	_ =	shalt  }
0x70: {  	_ =	shalt  }
0x71: {  	_ =	shalt  }
0x72: {  	_ =	shalt  }
0x73: {  	_ =	shalt  }
0x74: {  	_ =	shalt  }
0x75: {  	_ =	shalt  }
0x76: {  	_ =	shalt  }
0x77: {  	_ =	shalt  }
0x78: {  	_ =	shalt  }
0x79: {  	_ =	shalt  }
0x7a: {  	_ =	shalt  }
0x7b: {  	_ =	shalt  }
0x7c: {  	_ =	shalt  }
0x7d: {  	_ =	shalt  }
0x7e: {  	_ =	shalt  }
0x7f: {  	_ =	shalt  }
0x80: {  	_ =	shalt  }
0x81: {  	_ =	shalt  }
0x82: {  	_ =	shalt  }
0x83: {  	_ =	shalt  }
0x84: {  	_ =	shalt  }
0x85: {  	_ =	shalt  }
0x86: {  	_ =	shalt  }
0x87: {  	_ =	shalt  }
.Lfunc_end0:
.L_simem_size_0:
called_computation.3_lowered:
.L_overlay_start_0:
0x88: {  	s2 =	sld [smem:$0x3FD9]  }
0x89: {  	s3 =	sld [smem:$0x3FFE];
	_ =	sdelay $0x1  }
0x8a: {  	s1 =	srdreg.scid  }
0x8b: {  	s0 =	sand.u32 $0x1, s1  }
0x8c: {  	s17 =	sshll.u32 s0, $0xA;
	s2 =	sadd.s32 s3, s2  }
0x8d: {  	s2 =	sadd.s32 s2, s17  }
0x8e: {  	[smem:$0x3FB1] =	sst s2  }
0x8f: {  	_ = 	snop  }
0x90: {  	s2 =	sld [smem:$0x3FD0];
	(tm) =	ssettm $0x1  }
0x91: {  	s18 =	sld [smem:$0x3FFB];
	_ =	sdelay $0x3  }
0x92: {  	_ =	strace s18  }
0x93: {  	s3 =	sld [smem:$0x3FFC];
	_ =	sdelay $0x3  }
0x94: {  	_ =	strace s3  }
0x95: {  	s3 =	sld [smem:$0x3FFD];
	_ =	sdelay $0x3  }
0x96: {  	_ =	strace s3  }
0x97: {  	_ =	strace $0x8FFFFFFF  }
0x98: {  	s19 =	sld [smem:$0x3FDB];
	_ =	sdelay $0x1  }
0x99: {  	s4 =	simm.s32 $_scs_section_size  }
0x9a: {  	s5 =	simm.s32 $_size__tile_overlayer_lowered;
	s6 =	simm.s32 $_tile_overlayer_lowered  }
0x9b: {  	s22 =	simm.s32 $0x1BFF;
	s21 =	sshll.u32 s6, $0x1;
	s3 =	sadd.s32 s4, s19  }
0x9c: {  	s7 =	simm.s32 $0x0;
	s20 =	sshll.u32 s5, $0x1;
	s5 =	sadd.s32 s21, s3  }
0x9d: {  	[timem:s7], [sflag:s22] =	dma.local [hbm:s5], s20  }
0x9e: {  	_ =	swait.ge [sflag:s22], s20  }
0x9f: {  	s4 =	ssub.s32 $0x0, s20;
	[sflag:s22] =	ssyncset.done $0x0  }
0xa0: {  	[sflag:s22] =	ssyncadd.s32 s4;
	_ =	sdelay $0x1  }
0xa1: {  	s23 =	simm.s32 $0x1B8B  }
0xa2: {  	_ =	swait.ge [sflag:s23], $0x1  }
0xa3: {  	[sflag:s23] =	ssyncset.done $0x0  }
0xa4: {  	s25 =	simm.s32 $0x1B8E;
	s24 =	sld [smem:$0x3FFE];
	[sflag:s23] =	ssyncadd.s32 $0xFFFFFFFF  }
0xa5: {  	s26 =	simm.s32 $execute0_lowered;
	[smem:$0x3FD2] =	sst s25  }
0xa6: {  	s5 =	sshll.u32 s26, $0x1;
	_ =	strace $0x8000004F;
	[dreg:$0x1] =	wrdreg $0xFFFFFFFF  }
0xa7: {  	s28 =	simm.s32 $_size_execute0_lowered;
	s3 =	sadd.s32 s3, s5;
	[dreg:$0x0] =	wrdreg $0x0  }
0xa8: {  	s5 =	sshll.u32 s28, $0x1;
	[dreg:$0x2] =	wrdreg s3  }
0xa9: {  	[dreg:$0x3] =	wrdreg s5  }
0xaa: {  	[dreg:$0x4] =	wrdreg $0xC0  }
0xab: {  	_ =	task [dreg:s7], $0x5FFFF  }
0xac: {  	[dreg:$0x1] =	wrdreg $0xFFFFFFFF  }
0xad: {  	[dreg:$0x0] =	wrdreg $0x60  }
0xae: {  	[dreg:$0x2] =	wrdreg s24  }
0xaf: {  	[dreg:$0x3] =	wrdreg s2  }
0xb0: {  	[dreg:$0x4] =	wrdreg $0xA8000  }
0xb1: {  	[dreg:$0x5] =	wrdreg $0x9  }
0xb2: {  	_ =	task.clear_ibuf [dreg:s7], $0x6FFFF;
	_ =	strace $0x9000004F  }
0xb3: {  	s29 =	simm.s32 $0x9;
	_ =	strace $0x80000051  }
0xb4: {  	_ =	swait.ge [sflag:s29], $0x1  }
0xb5: {  	[sflag:s29] =	ssyncadd.s32 $0xFFFFFFFF  }
0xb6: {  	_ =	strace $0x90000051  }
0xb7: {  	_ =	sfence  }
0xb8: {  	s30 =	sld [smem:$0x0];
	_ =	sdelay $0x2  }
0xb9: {  	s31 =	sshll.u32 s1, $0xD;
	s1 =	sshrl.u32 s1, $0x2  }
0xba: {  	s3 =	sand.u32 $0x4000, s31;
	s1 =	sadd.s32 s1, s30  }
0xbb: {  	s0 =	sor.u32 s3, s0;
	s1 =	sshll.u32 s1, $0x11  }
0xbc: {  	s0 =	sor.u32 s1, s0  }
0xbd: {  	s0 =	sadd.s32 $0x8F2B, s0  }
0xbe: {  	[sflag:s0] =	ssyncadd.remote.s32 $0x1  }
0xbf: {  	_ =	sfence.sel $0xFFFF  }
0xc0: {  	[dreg:$0x0] =	wrdreg $0xFFFFFFFF;
	(pc) =	sbr.abs _section_cstart, $3  }
0xc1: {  	[dreg:$0x1] =	wrdreg $0xFFFFFFFF  }
0xc2: {  	_ =	task.clear_ibuf [dreg:s7], $0x2FFFF;
	_ =	strace $0x9FFFFFFF  }
0xc3: {  	(tm) =	ssettm $0x7FFFFFFF  }
tec
execute0_lowered:
.L_overlay_start_1:
0x0: {  	(tag) =	ssettag $0x1  }
0x1: {  	s0 =	rddreg [dreg:$0x0]  }
0x2: {  	s2 =	rddreg [dreg:$0x1]  }
0x3: {  	s1 =	rddreg [dreg:$0x2];
	s3 =	srdreg.scid  }
0x4: {  	s11 =	stileid.u32;
	s12 =	simm.s32 $0x50;
	s13 =	simm.s32 $0x800  }
0x5: {  	s22 =	simm.s32 $0x80;
	s14 =	simm.s32 $0x3000;
	s23 =	simm.s32 $0x100  }
0x6: {  	s15 =	simm.s32 $0x1;
	s24 =	simm.s32 $0x480;
	s25 =	simm.s32 $0x180  }
0x7: {  	s26 =	simm.s32 $0x500;
	s28 =	simm.s32 $0x7;
	s29 =	simm.s32 $0x300  }
0x8: {  	s30 =	simm.s32 $0x680;
	s31 =	simm.s32 $0x8;
	s5 =	sand.u32 $0x1, s3  }
0x9: {  	s3 =	simm.s32 $0x0;
	s7 =	smul.u32 $0x13C00, s11;
	s4 =	sadd.s32 $0x15200, s0  }
0xa: {  	s9 =	smul.u32 $0x4F000, s11;
	s10 =	sadd.s32 $0x3C400, s0;
	s18 =	sshll.u32 s11, $0xB  }
0xb: {  	s20 =	sshll.u32 s11, $0x6;
	s11 =	simm.s32 $0x400;
	[smem:$0x7FF] =	sst s3  }
0xc: {  	s6 =	smul.u32 $0x13C000, s5;
	_ =	strace $0x80000050;
	[dreg:$0xb] =	wrdreg s10  }
0xd: {  	s8 =	sshll.u32 s5, $0xF;
	s5 =	ssub.s32 $0x2, s5;
	[dreg:$0x6] =	wrdreg s22  }
0xe: {  	s16 =	sadd.s32 s8, s0;
	s17 =	sshrl.u32 s5, $0x1;
	[dreg:$0x7] =	wrdreg s23  }
0xf: {  	s9 =	sshrl.u32 s9, $0x2;
	s2 =	sadd.s32 s8, s2;
	[dreg:$0x8] =	wrdreg s24  }
0x10: {  	s8 =	sor.u32 $0x1C09, s20;
	s10 =	simm.s32 $0x9;
	[dreg:$0x9] =	wrdreg s25  }
0x11: {  	[dreg:$0xa] =	wrdreg s26;
	s20 =	simm.s32 $0x5;
	s22 =	simm.s32 $0x4  }
0x12: {  	s23 =	simm.s32 $0x580;
	s24 =	simm.s32 $0x6;
	s25 =	simm.s32 $0x280  }
0x13: {  	s26 =	simm.s32 $0x600;
	s6 =	sadd.s32 s7, s6;
	s5 =	ssub.s32 s5, s17  }
0x14: {  	s19 =	sadd.s32 s9, s1;
	s7 =	sadd.s32 s18, s16;
	s2 =	sadd.s32 s18, s2  }
0x15: {  	s16 =	simm.s32 $0x5800;
	s17 =	simm.s32 $0x2;
	s18 =	simm.s32 $0x8000  }
0x16: {  	s9 =	simm.s32 $0x0;
	[dreg:$0xc] =	wrdreg s8;
	s6 =	sshrl.u32 s6, $0x3  }
0x17: {  	s7 =	sadd.s32 $0x5200, s7;
	s21 =	smax.u32 s5, $0x1;
	[dreg:$0x5] =	wrdreg s2  }
0x18: {  	s2 =	simm.s32 $0x700;
	s5 =	simm.s32 $0x780;
	[dreg:$0x4] =	wrdreg s7  }
0x19: {  	s0 =	sadd.s32 s6, s0;
	[dreg:$0xe] =	wrdreg s21;
	s7 =	sshrl.u32 s19, $0x3  }
0x1a: {  	s19 =	simm.s32 $0x3;
	s0 =	sadd.s32 $0x3EC00, s0;
	[dreg:$0xf] =	wrdreg s7  }
0x1b: {  	s21 =	simm.s32 $0x200;
	[dreg:$0xd] =	wrdreg s0;
	s0 =	simm.s32 $0x380  }
.LBB2_1:
0x1c: {  	[dreg:$0x10] =	wrdreg s9  }
0x1d: {  	s6 =	rddreg [dreg:$0xb]  }
0x1e: {  	[spmem:s7], [sflag:s8] =	dma.local [hbm:s6], $0x2780  }
0x1f: {  	_ =	swait.ge [sflag:s10], $0x2780  }
0x20: {  	[sflag:s10] =	ssyncset.done $0x0  }
0x21: {  	[sflag:s10] =	ssyncadd.s32 $0xFFFFD880  }
0x22: {  	[bflag:$0x0] =	sbarrier.arrive $0xFFFF  }
0x23: {  	s8 =	rddreg [dreg:$0x5]  }
0x24: {  	s6 =	sadd.s32 $0x0, s8  }
0x25: {  	[tilespmem:s3], [sflag:$0x9] =	stream.linear.gather [hbm4b:s6+s3], $0x400, $0x38;
	[tilespmem:$0x1E400] =	vst v63  }
0x26: {  	_ =	swait.ge [sflag:s10], $0x400  }
0x27: {  	s9 =	rddreg [dreg:$0x4];
	[sflag:s10] =	ssyncset.done $0x0  }
0x28: {  	[sflag:s10] =	ssyncadd.s32 $0xFFFFFC00;
	s6 =	sadd.s32 $0x0, s9  }
0x29: {  	[tilespmem:s11], [sflag:$0x9] =	stream.linear.gather [hbm4b:s6+s3], $0x400, $0x38;
	[tilespmem:$0x1E400] =	vst v63  }
0x2a: {  	_ =	swait.ge [sflag:s10], $0x400  }
0x2b: {  	[sflag:s10] =	ssyncset.done $0x0  }
0x2c: {  	[sflag:s10] =	ssyncadd.s32 $0xFFFFFC00  }
0x2d: {  	[tilespmem:s13], [sflag:$0x1] =	stream.indirect.gather [hbm4b:s4+s12], $0x80, s3, s12, $0xb8;
	[tilespmem:$0x1E400] =	vst v63  }
0x2e: {  	s7 =	rddreg [dreg:$0x6]  }
0x2f: {  	[tilespmem:s14], [sflag:$0x2] =	stream.indirect.gather [hbm4b:s4+s12], $0x80, s7, s12, $0xb8;
	[tilespmem:$0x1E400] =	vst v63  }
0x30: {  	_ =	swait.ge [sflag:s15], $0x2800  }
0x31: {  	[sflag:s15] =	ssyncset.done $0x0  }
0x32: {  	[sflag:s15] =	ssyncadd.s32 $0xFFFFD800  }
0x33: {  	[spmem:s1] =	stream.indirect.scatter.add.f32 [tilespmem:s13], [sflag:$0x5], $0x80, s11, s12, $0xb8;
	[tilespmem:$0x1E400] =	vst v63  }
0x34: {  	s8 =	rddreg [dreg:$0x7]  }
0x35: {  	[tilespmem:s16], [sflag:$0x3] =	stream.indirect.gather [hbm4b:s4+s12], $0x80, s8, s12, $0xb8;
	[tilespmem:$0x1E400] =	vst v63  }
0x36: {  	_ =	swait.ge [sflag:s17], $0x2800  }
0x37: {  	[sflag:s17] =	ssyncset.done $0x0  }
0x38: {  	s9 =	rddreg [dreg:$0x8];
	[sflag:s17] =	ssyncadd.s32 $0xFFFFD800  }
0x39: {  	[spmem:s1] =	stream.indirect.scatter.add.f32 [tilespmem:s14], [sflag:$0x6], $0x80, s9, s12, $0xb8;
	[tilespmem:$0x1E400] =	vst v63  }
0x3a: {  	s7 =	rddreg [dreg:$0x9]  }
0x3b: {  	[tilespmem:s18], [sflag:$0x4] =	stream.indirect.gather [hbm4b:s4+s12], $0x80, s7, s12, $0xb8;
	[tilespmem:$0x1E400] =	vst v63  }
0x3c: {  	_ =	swait.ge [sflag:s19], $0x2800  }
0x3d: {  	[sflag:s19] =	ssyncset.done $0x0  }
0x3e: {  	s9 =	rddreg [dreg:$0xa];
	[sflag:s19] =	ssyncadd.s32 $0xFFFFD800  }
0x3f: {  	[spmem:s1] =	stream.indirect.scatter.add.f32 [tilespmem:s16], [sflag:$0x7], $0x80, s9, s12, $0xb8;
	[tilespmem:$0x1E400] =	vst v63  }
0x40: {  	_ =	swait.ge [sflag:s20], $0x2800  }
0x41: {  	[sflag:s20] =	ssyncset.done $0x0  }
0x42: {  	[sflag:s20] =	ssyncadd.s32 $0xFFFFD800  }
0x43: {  	[tilespmem:s13], [sflag:$0x1] =	stream.indirect.gather [hbm4b:s4+s12], $0x80, s21, s12, $0xb8;
	[tilespmem:$0x1E400] =	vst v63  }
0x44: {  	_ =	swait.ge [sflag:s22], $0x2800  }
0x45: {  	[sflag:s22] =	ssyncset.done $0x0  }
0x46: {  	[sflag:s22] =	ssyncadd.s32 $0xFFFFD800  }
0x47: {  	[spmem:s1] =	stream.indirect.scatter.add.f32 [tilespmem:s18], [sflag:$0x8], $0x80, s23, s12, $0xb8;
	[tilespmem:$0x1E400] =	vst v63  }
0x48: {  	_ =	swait.ge [sflag:s24], $0x2800  }
0x49: {  	[sflag:s24] =	ssyncset.done $0x0  }
0x4a: {  	[sflag:s24] =	ssyncadd.s32 $0xFFFFD800  }
0x4b: {  	[tilespmem:s14], [sflag:$0x2] =	stream.indirect.gather [hbm4b:s4+s12], $0x80, s25, s12, $0xb8;
	[tilespmem:$0x1E400] =	vst v63  }
0x4c: {  	_ =	swait.ge [sflag:s15], $0x2800  }
0x4d: {  	[sflag:s15] =	ssyncset.done $0x0  }
0x4e: {  	[sflag:s15] =	ssyncadd.s32 $0xFFFFD800  }
0x4f: {  	[spmem:s1] =	stream.indirect.scatter.add.f32 [tilespmem:s13], [sflag:$0x5], $0x80, s26, s12, $0xb8;
	[tilespmem:$0x1E400] =	vst v63  }
0x50: {  	_ =	swait.ge [sflag:s28], $0x2800  }
0x51: {  	[sflag:s28] =	ssyncset.done $0x0  }
0x52: {  	[sflag:s28] =	ssyncadd.s32 $0xFFFFD800  }
0x53: {  	[tilespmem:s16], [sflag:$0x3] =	stream.indirect.gather [hbm4b:s4+s12], $0x80, s29, s12, $0xb8;
	[tilespmem:$0x1E400] =	vst v63  }
0x54: {  	_ =	swait.ge [sflag:s17], $0x2800  }
0x55: {  	[sflag:s17] =	ssyncset.done $0x0  }
0x56: {  	[sflag:s17] =	ssyncadd.s32 $0xFFFFD800  }
0x57: {  	[spmem:s1] =	stream.indirect.scatter.add.f32 [tilespmem:s14], [sflag:$0x6], $0x80, s30, s12, $0xb8;
	[tilespmem:$0x1E400] =	vst v63  }
0x58: {  	_ =	swait.ge [sflag:s31], $0x2800  }
0x59: {  	[sflag:s31] =	ssyncset.done $0x0  }
0x5a: {  	[sflag:s31] =	ssyncadd.s32 $0xFFFFD800  }
0x5b: {  	[tilespmem:s18], [sflag:$0x4] =	stream.indirect.gather [hbm4b:s4+s12], $0x80, s0, s12, $0xb8;
	[tilespmem:$0x1E400] =	vst v63  }
0x5c: {  	_ =	swait.ge [sflag:s19], $0x2800  }
0x5d: {  	[sflag:s19] =	ssyncset.done $0x0  }
0x5e: {  	[sflag:s19] =	ssyncadd.s32 $0xFFFFD800  }
0x5f: {  	[spmem:s1] =	stream.indirect.scatter.add.f32 [tilespmem:s16], [sflag:$0x7], $0x80, s2, s12, $0xb8;
	[tilespmem:$0x1E400] =	vst v63  }
0x60: {  	_ =	swait.ge [sflag:s22], $0x2800  }
0x61: {  	[sflag:s22] =	ssyncset.done $0x0  }
0x62: {  	[sflag:s22] =	ssyncadd.s32 $0xFFFFD800  }
0x63: {  	[spmem:s1] =	stream.indirect.scatter.add.f32 [tilespmem:s18], [sflag:$0x8], $0x80, s5, s12, $0xb8;
	[tilespmem:$0x1E400] =	vst v63  }
0x64: {  	_ =	swait.ge [sflag:s20], $0x2800  }
0x65: {  	[sflag:s20] =	ssyncset.done $0x0  }
0x66: {  	[sflag:s20] =	ssyncadd.s32 $0xFFFFD800  }
0x67: {  	_ =	swait.ge [sflag:s24], $0x2800  }
0x68: {  	[sflag:s24] =	ssyncset.done $0x0  }
0x69: {  	[sflag:s24] =	ssyncadd.s32 $0xFFFFD800  }
0x6a: {  	_ =	swait.ge [sflag:s28], $0x2800  }
0x6b: {  	[sflag:s28] =	ssyncset.done $0x0  }
0x6c: {  	[sflag:s28] =	ssyncadd.s32 $0xFFFFD800  }
0x6d: {  	s6 =	simm.s32 $0x100;
	_ =	swait.ge [sflag:s31], $0x2800  }
0x6e: {  	s8 =	simm.s32 $0x80;
	s9 =	rddreg [dreg:$0x5];
	[sflag:s31] =	ssyncset.done $0x0  }
.LBB2_2:
0x6f: {  	[sflag:s31] =	ssyncadd.s32 $0xFFFFD800;
	s9 =	sadd.s32 s8, s9  }
0x70: {  	[tilespmem:s3], [sflag:$0x9] =	stream.linear.gather [hbm4b:s9+s3], $0x400, $0x38;
	[tilespmem:$0x1E400] =	vst v63  }
0x71: {  	_ =	swait.ge [sflag:s10], $0x400  }
0x72: {  	s9 =	rddreg [dreg:$0x4];
	[sflag:s10] =	ssyncset.done $0x0  }
0x73: {  	[sflag:s10] =	ssyncadd.s32 $0xFFFFFC00;
	s9 =	sadd.s32 s8, s9  }
0x74: {  	[tilespmem:s11], [sflag:$0x9] =	stream.linear.gather [hbm4b:s9+s3], $0x400, $0x38;
	[tilespmem:$0x1E400] =	vst v63  }
0x75: {  	_ =	swait.ge [sflag:s10], $0x400  }
0x76: {  	[sflag:s10] =	ssyncset.done $0x0  }
0x77: {  	[sflag:s10] =	ssyncadd.s32 $0xFFFFFC00  }
0x78: {  	[tilespmem:s13], [sflag:$0x1] =	stream.indirect.gather [hbm4b:s4+s12], $0x80, s3, s12, $0xb8;
	[tilespmem:$0x1E400] =	vst v63  }
0x79: {  	s9 =	rddreg [dreg:$0x6]  }
0x7a: {  	[tilespmem:s14], [sflag:$0x2] =	stream.indirect.gather [hbm4b:s4+s12], $0x80, s9, s12, $0xb8;
	[tilespmem:$0x1E400] =	vst v63  }
0x7b: {  	_ =	swait.ge [sflag:s15], $0x2800  }
0x7c: {  	[sflag:s15] =	ssyncset.done $0x0  }
0x7d: {  	[sflag:s15] =	ssyncadd.s32 $0xFFFFD800  }
0x7e: {  	[spmem:s1] =	stream.indirect.scatter.add.f32 [tilespmem:s13], [sflag:$0x5], $0x80, s11, s12, $0xb8;
	[tilespmem:$0x1E400] =	vst v63  }
0x7f: {  	s9 =	rddreg [dreg:$0x7]  }
0x80: {  	[tilespmem:s16], [sflag:$0x3] =	stream.indirect.gather [hbm4b:s4+s12], $0x80, s9, s12, $0xb8;
	[tilespmem:$0x1E400] =	vst v63  }
0x81: {  	_ =	swait.ge [sflag:s17], $0x2800  }
0x82: {  	s7 =	smov.u32 s6;
	[sflag:s17] =	ssyncset.done $0x0  }
0x83: {  	s8 =	smov.u32 s7;
	s7 =	rddreg [dreg:$0x8];
	[sflag:s17] =	ssyncadd.s32 $0xFFFFD800  }
0x84: {  	[spmem:s1] =	stream.indirect.scatter.add.f32 [tilespmem:s14], [sflag:$0x6], $0x80, s7, s12, $0xb8;
	[tilespmem:$0x1E400] =	vst v63  }
0x85: {  	s9 =	rddreg [dreg:$0x9]  }
0x86: {  	[tilespmem:s18], [sflag:$0x4] =	stream.indirect.gather [hbm4b:s4+s12], $0x80, s9, s12, $0xb8;
	[tilespmem:$0x1E400] =	vst v63  }
0x87: {  	_ =	swait.ge [sflag:s19], $0x2800  }
0x88: {  	[sflag:s19] =	ssyncset.done $0x0  }
0x89: {  	s9 =	rddreg [dreg:$0xa];
	[sflag:s19] =	ssyncadd.s32 $0xFFFFD800  }
0x8a: {  	[spmem:s1] =	stream.indirect.scatter.add.f32 [tilespmem:s16], [sflag:$0x7], $0x80, s9, s12, $0xb8;
	[tilespmem:$0x1E400] =	vst v63  }
0x8b: {  	_ =	swait.ge [sflag:s20], $0x2800  }
0x8c: {  	[sflag:s20] =	ssyncset.done $0x0  }
0x8d: {  	[sflag:s20] =	ssyncadd.s32 $0xFFFFD800  }
0x8e: {  	[tilespmem:s13], [sflag:$0x1] =	stream.indirect.gather [hbm4b:s4+s12], $0x80, s21, s12, $0xb8;
	[tilespmem:$0x1E400] =	vst v63  }
0x8f: {  	_ =	swait.ge [sflag:s22], $0x2800  }
0x90: {  	[sflag:s22] =	ssyncset.done $0x0  }
0x91: {  	[sflag:s22] =	ssyncadd.s32 $0xFFFFD800  }
0x92: {  	[spmem:s1] =	stream.indirect.scatter.add.f32 [tilespmem:s18], [sflag:$0x8], $0x80, s23, s12, $0xb8;
	[tilespmem:$0x1E400] =	vst v63  }
0x93: {  	_ =	swait.ge [sflag:s24], $0x2800  }
0x94: {  	[sflag:s24] =	ssyncset.done $0x0  }
0x95: {  	[sflag:s24] =	ssyncadd.s32 $0xFFFFD800  }
0x96: {  	[tilespmem:s14], [sflag:$0x2] =	stream.indirect.gather [hbm4b:s4+s12], $0x80, s25, s12, $0xb8;
	[tilespmem:$0x1E400] =	vst v63  }
0x97: {  	_ =	swait.ge [sflag:s15], $0x2800  }
0x98: {  	[sflag:s15] =	ssyncset.done $0x0  }
0x99: {  	[sflag:s15] =	ssyncadd.s32 $0xFFFFD800  }
0x9a: {  	[spmem:s1] =	stream.indirect.scatter.add.f32 [tilespmem:s13], [sflag:$0x5], $0x80, s26, s12, $0xb8;
	[tilespmem:$0x1E400] =	vst v63  }
0x9b: {  	_ =	swait.ge [sflag:s28], $0x2800  }
0x9c: {  	[sflag:s28] =	ssyncset.done $0x0  }
0x9d: {  	[sflag:s28] =	ssyncadd.s32 $0xFFFFD800  }
0x9e: {  	[tilespmem:s16], [sflag:$0x3] =	stream.indirect.gather [hbm4b:s4+s12], $0x80, s29, s12, $0xb8;
	[tilespmem:$0x1E400] =	vst v63  }
0x9f: {  	_ =	swait.ge [sflag:s17], $0x2800  }
0xa0: {  	[sflag:s17] =	ssyncset.done $0x0  }
0xa1: {  	[sflag:s17] =	ssyncadd.s32 $0xFFFFD800  }
0xa2: {  	[spmem:s1] =	stream.indirect.scatter.add.f32 [tilespmem:s14], [sflag:$0x6], $0x80, s30, s12, $0xb8;
	[tilespmem:$0x1E400] =	vst v63  }
0xa3: {  	_ =	swait.ge [sflag:s31], $0x2800  }
0xa4: {  	[sflag:s31] =	ssyncset.done $0x0  }
0xa5: {  	[sflag:s31] =	ssyncadd.s32 $0xFFFFD800  }
0xa6: {  	[tilespmem:s18], [sflag:$0x4] =	stream.indirect.gather [hbm4b:s4+s12], $0x80, s0, s12, $0xb8;
	[tilespmem:$0x1E400] =	vst v63  }
0xa7: {  	_ =	swait.ge [sflag:s19], $0x2800  }
0xa8: {  	[sflag:s19] =	ssyncset.done $0x0  }
0xa9: {  	[sflag:s19] =	ssyncadd.s32 $0xFFFFD800  }
0xaa: {  	[spmem:s1] =	stream.indirect.scatter.add.f32 [tilespmem:s16], [sflag:$0x7], $0x80, s2, s12, $0xb8;
	[tilespmem:$0x1E400] =	vst v63  }
0xab: {  	_ =	swait.ge [sflag:s22], $0x2800  }
0xac: {  	[sflag:s22] =	ssyncset.done $0x0  }
0xad: {  	[sflag:s22] =	ssyncadd.s32 $0xFFFFD800  }
0xae: {  	[spmem:s1] =	stream.indirect.scatter.add.f32 [tilespmem:s18], [sflag:$0x8], $0x80, s5, s12, $0xb8;
	[tilespmem:$0x1E400] =	vst v63  }
0xaf: {  	_ =	swait.ge [sflag:s20], $0x2800  }
0xb0: {  	[sflag:s20] =	ssyncset.done $0x0  }
0xb1: {  	[sflag:s20] =	ssyncadd.s32 $0xFFFFD800  }
0xb2: {  	_ =	swait.ge [sflag:s24], $0x2800  }
0xb3: {  	[sflag:s24] =	ssyncset.done $0x0  }
0xb4: {  	p0 =	sne.s32 s6, $0x780;
	[sflag:s24] =	ssyncadd.s32 $0xFFFFD800  }
.Ltmp0:
0xb5: {  	_ =	swait.ge [sflag:s28], $0x2800;
	(pc) =	sbr.rel @p0 .LBB2_2-.Ltmp0, $4  }
0xb6: {  	[sflag:s28] =	ssyncset.done $0x0  }
0xb7: {  	[sflag:s28] =	ssyncadd.s32 $0xFFFFD800  }
0xb8: {  	_ =	swait.ge [sflag:s31], $0x2800  }
0xb9: {  	s6 =	sadd.s32 $0x80, s6;
	s9 =	rddreg [dreg:$0x5];
	[sflag:s31] =	ssyncset.done $0x0  }
0xba: {  	[sflag:s31] =	ssyncadd.s32 $0xFFFFD800;
	s6 =	sadd.s32 s8, s9  }
0xbb: {  	[tilespmem:s3], [sflag:$0x9] =	stream.linear.gather [hbm4b:s6+s3], $0x400, $0x38;
	[tilespmem:$0x1E400] =	vst v63  }
0xbc: {  	_ =	swait.ge [sflag:s10], $0x400  }
0xbd: {  	s9 =	rddreg [dreg:$0x4];
	[sflag:s10] =	ssyncset.done $0x0  }
0xbe: {  	[sflag:s10] =	ssyncadd.s32 $0xFFFFFC00;
	s6 =	sadd.s32 s8, s9  }
0xbf: {  	[tilespmem:s11], [sflag:$0x9] =	stream.linear.gather [hbm4b:s6+s3], $0x400, $0x38;
	[tilespmem:$0x1E400] =	vst v63  }
0xc0: {  	_ =	swait.ge [sflag:s10], $0x400  }
0xc1: {  	[sflag:s10] =	ssyncset.done $0x0  }
0xc2: {  	[sflag:s10] =	ssyncadd.s32 $0xFFFFFC00  }
0xc3: {  	[tilespmem:s13], [sflag:$0x1] =	stream.indirect.gather [hbm4b:s4+s12], $0x80, s3, s12, $0xb8;
	[tilespmem:$0x1E400] =	vst v63  }
0xc4: {  	s7 =	rddreg [dreg:$0x6]  }
0xc5: {  	[tilespmem:s14], [sflag:$0x2] =	stream.indirect.gather [hbm4b:s4+s12], $0x80, s7, s12, $0xb8;
	[tilespmem:$0x1E400] =	vst v63  }
0xc6: {  	_ =	swait.ge [sflag:s15], $0x2800  }
0xc7: {  	[sflag:s15] =	ssyncset.done $0x0  }
0xc8: {  	[sflag:s15] =	ssyncadd.s32 $0xFFFFD800  }
0xc9: {  	[spmem:s1] =	stream.indirect.scatter.add.f32 [tilespmem:s13], [sflag:$0x5], $0x80, s11, s12, $0xb8;
	[tilespmem:$0x1E400] =	vst v63  }
0xca: {  	s8 =	rddreg [dreg:$0x7]  }
0xcb: {  	[tilespmem:s16], [sflag:$0x3] =	stream.indirect.gather [hbm4b:s4+s12], $0x80, s8, s12, $0xb8;
	[tilespmem:$0x1E400] =	vst v63  }
0xcc: {  	_ =	swait.ge [sflag:s17], $0x2800  }
0xcd: {  	[sflag:s17] =	ssyncset.done $0x0  }
0xce: {  	s9 =	rddreg [dreg:$0x8];
	[sflag:s17] =	ssyncadd.s32 $0xFFFFD800  }
0xcf: {  	[spmem:s1] =	stream.indirect.scatter.add.f32 [tilespmem:s14], [sflag:$0x6], $0x80, s9, s12, $0xb8;
	[tilespmem:$0x1E400] =	vst v63  }
0xd0: {  	s7 =	rddreg [dreg:$0x9]  }
0xd1: {  	[tilespmem:s18], [sflag:$0x4] =	stream.indirect.gather [hbm4b:s4+s12], $0x80, s7, s12, $0xb8;
	[tilespmem:$0x1E400] =	vst v63  }
0xd2: {  	_ =	swait.ge [sflag:s19], $0x2800  }
0xd3: {  	[sflag:s19] =	ssyncset.done $0x0  }
0xd4: {  	s8 =	rddreg [dreg:$0xa];
	[sflag:s19] =	ssyncadd.s32 $0xFFFFD800  }
0xd5: {  	[spmem:s1] =	stream.indirect.scatter.add.f32 [tilespmem:s16], [sflag:$0x7], $0x80, s8, s12, $0xb8;
	[tilespmem:$0x1E400] =	vst v63  }
0xd6: {  	_ =	swait.ge [sflag:s20], $0x2800  }
0xd7: {  	[sflag:s20] =	ssyncset.done $0x0  }
0xd8: {  	[sflag:s20] =	ssyncadd.s32 $0xFFFFD800  }
0xd9: {  	[tilespmem:s13], [sflag:$0x1] =	stream.indirect.gather [hbm4b:s4+s12], $0x80, s21, s12, $0xb8;
	[tilespmem:$0x1E400] =	vst v63  }
0xda: {  	_ =	swait.ge [sflag:s22], $0x2800  }
0xdb: {  	[sflag:s22] =	ssyncset.done $0x0  }
0xdc: {  	[sflag:s22] =	ssyncadd.s32 $0xFFFFD800  }
0xdd: {  	[spmem:s1] =	stream.indirect.scatter.add.f32 [tilespmem:s18], [sflag:$0x8], $0x80, s23, s12, $0xb8;
	[tilespmem:$0x1E400] =	vst v63  }
0xde: {  	_ =	swait.ge [sflag:s24], $0x2800  }
0xdf: {  	[sflag:s24] =	ssyncset.done $0x0  }
0xe0: {  	[sflag:s24] =	ssyncadd.s32 $0xFFFFD800  }
0xe1: {  	[tilespmem:s14], [sflag:$0x2] =	stream.indirect.gather [hbm4b:s4+s12], $0x80, s25, s12, $0xb8;
	[tilespmem:$0x1E400] =	vst v63  }
0xe2: {  	_ =	swait.ge [sflag:s15], $0x2800  }
0xe3: {  	[sflag:s15] =	ssyncset.done $0x0  }
0xe4: {  	[sflag:s15] =	ssyncadd.s32 $0xFFFFD800  }
0xe5: {  	[spmem:s1] =	stream.indirect.scatter.add.f32 [tilespmem:s13], [sflag:$0x5], $0x80, s26, s12, $0xb8;
	[tilespmem:$0x1E400] =	vst v63  }
0xe6: {  	_ =	swait.ge [sflag:s28], $0x2800  }
0xe7: {  	[sflag:s28] =	ssyncset.done $0x0  }
0xe8: {  	[sflag:s28] =	ssyncadd.s32 $0xFFFFD800  }
0xe9: {  	[tilespmem:s16], [sflag:$0x3] =	stream.indirect.gather [hbm4b:s4+s12], $0x80, s29, s12, $0xb8;
	[tilespmem:$0x1E400] =	vst v63  }
0xea: {  	_ =	swait.ge [sflag:s17], $0x2800  }
0xeb: {  	[sflag:s17] =	ssyncset.done $0x0  }
0xec: {  	[sflag:s17] =	ssyncadd.s32 $0xFFFFD800  }
0xed: {  	[spmem:s1] =	stream.indirect.scatter.add.f32 [tilespmem:s14], [sflag:$0x6], $0x80, s30, s12, $0xb8;
	[tilespmem:$0x1E400] =	vst v63  }
0xee: {  	_ =	swait.ge [sflag:s31], $0x2800  }
0xef: {  	[sflag:s31] =	ssyncset.done $0x0  }
0xf0: {  	[sflag:s31] =	ssyncadd.s32 $0xFFFFD800  }
0xf1: {  	[tilespmem:s18], [sflag:$0x4] =	stream.indirect.gather [hbm4b:s4+s12], $0x80, s0, s12, $0xb8;
	[tilespmem:$0x1E400] =	vst v63  }
0xf2: {  	_ =	swait.ge [sflag:s19], $0x2800  }
0xf3: {  	[sflag:s19] =	ssyncset.done $0x0  }
0xf4: {  	[sflag:s19] =	ssyncadd.s32 $0xFFFFD800  }
0xf5: {  	[spmem:s1] =	stream.indirect.scatter.add.f32 [tilespmem:s16], [sflag:$0x7], $0x80, s2, s12, $0xb8;
	[tilespmem:$0x1E400] =	vst v63  }
0xf6: {  	_ =	swait.ge [sflag:s22], $0x2800  }
0xf7: {  	[sflag:s22] =	ssyncset.done $0x0  }
0xf8: {  	[sflag:s22] =	ssyncadd.s32 $0xFFFFD800  }
0xf9: {  	[spmem:s1] =	stream.indirect.scatter.add.f32 [tilespmem:s18], [sflag:$0x8], $0x80, s5, s12, $0xb8;
	[tilespmem:$0x1E400] =	vst v63  }
0xfa: {  	_ =	swait.ge [sflag:s20], $0x2800  }
0xfb: {  	[sflag:s20] =	ssyncset.done $0x0  }
0xfc: {  	[sflag:s20] =	ssyncadd.s32 $0xFFFFD800  }
0xfd: {  	_ =	swait.ge [sflag:s24], $0x2800  }
0xfe: {  	[sflag:s24] =	ssyncset.done $0x0  }
0xff: {  	[sflag:s24] =	ssyncadd.s32 $0xFFFFD800  }
0x100: {  	_ =	swait.ge [sflag:s28], $0x2800  }
0x101: {  	[sflag:s28] =	ssyncset.done $0x0  }
0x102: {  	[sflag:s28] =	ssyncadd.s32 $0xFFFFD800  }
0x103: {  	_ =	swait.ge [sflag:s31], $0x2800  }
0x104: {  	[sflag:s31] =	ssyncset.done $0x0  }
0x105: {  	[sflag:s31] =	ssyncadd.s32 $0xFFFFD800  }
0x106: {  	[bflag:$0x0] =	sbarrier.arrive $0xFFFF  }
0x107: {  	s8 =	rddreg [dreg:$0xc]  }
0x108: {  	s9 =	rddreg [dreg:$0xd]  }
0x109: {  	s7 =	rddreg [dreg:$0xf]  }
0x10a: {  	[hbm:s9], [sflag:s8] =	dma.local [spmem:s7], $0x2780  }
0x10b: {  	_ =	swait.ge [sflag:s10], $0x2780  }
0x10c: {  	s6 =	rddreg [dreg:$0x10]  }
0x10d: {  	s9 =	sadd.s32 $0x1, s6;
	s6 =	rddreg [dreg:$0xe]  }
0x10e: {  	p0 =	sne.s32 s9, s6  }
.Ltmp1:
0x10f: {  	_ = 	snop;
	(pc) =	sbr.rel @p0 .LBB2_1-.Ltmp1, $3  }
0x110: {  	_ =	sdelay $0x1  }
0x111: {  	[sflag:s10] =	ssyncset.done $0x0  }
0x112: {  	[sflag:s10] =	ssyncadd.s32 $0xFFFFD880  }
0x113: {  	_ =	sfence.sel $0x180000  }
0x114: {  	[bflag:$0x0] =	sbarrier.arrive $0xFFFF  }
0x115: {  	_ =	strace $0x90000050  }
0x116: {  	s0 =	stileid.u32;
	[bflag:$0x2] =	sbarrier.arrive $0xFFFF  }
0x117: {  	p0 =	sne.s32 s0, $0x0;
	s0 =	rddreg [dreg:$0x3]  }
0x118: {  	s0 =	sadd.s32 @!p0 $0x100000, s0  }
0x119: {  	[sflag:s0] =	ssyncadd.tile.s32 @!p0 $0x1;
	_ =	shalt  }
.Lfunc_end2:
_tile_overlayer_lowered:
.L_overlay_start_2:
0x11a: {  	(tag) =	ssettag $0x2  }
0x11b: {  	s0 =	rddreg [dreg:$0x0];
	s2 =	stileid.u32  }
0x11c: {  	s1 =	rddreg [dreg:$0x1];
	p0 =	sne.s32 s2, $0x0  }
0x11d: {  	s3 =	rddreg [dreg:$0x2];
	[bflag:$0x3] =	sbarrier.arrive $0xFFFF;
	s2 =	simm.s32 @!p0 $0x1C09  }
0x11e: {  	[timem:s3], [sflag:s2] =	dma.local @!p0 [hbm:s0], s1  }
0x11f: {  	s0 =	simm.s32 @!p0 $0x9  }
0x120: {  	_ =	swait.ge @!p0 [sflag:s0], s1  }
0x121: {  	s1 =	ssub.s32 @!p0 $0x0, s1;
	[sflag:s0] =	ssyncset.done @!p0 $0x0  }
0x122: {  	[sflag:s0] =	ssyncadd.s32 @!p0 s1  }
0x123: {  	[bflag:$0x3] =	sbarrier.arrive $0xFFFF  }
0x124: {  	_ =	shalt  }

</sc_bundles>
